<compile_context>
chip_gen: v7x
topology: tpu7x:2x2x1
jax: 0.10.2.dev20260603
libtpu: 0.0.44.dev20260713+nightly
codegen_flags: <defaults>
</compile_context>

<pallas_src>
import functools
import jax
import jax.numpy as jnp
from jax import lax
from jax.experimental import pallas as pl
from jax.experimental.pallas import tpu as pltpu
from jax.experimental.pallas import tpu_sc as plsc

N = 10000
NP = 10112
NPD = 10240
E = 320000
D = 128
W3_PAD = 48

NC = 2
NS = 16
NW = NC * NS
CH = 128
NCHUNK = E // CH
CPT = NCHUNK // NW
XTRA = NCHUNK - CPT * NW
ROWS = NP // NS
ROWSD = NPD // NS
ZR = 128

_mesh = functools.partial(
    plsc.VectorSubcoreMesh, core_axis_name="c", subcore_axis_name="s",
    num_cores=NC, num_subcores=NS)


def _make_deg_kernel():

  @functools.partial(
      pl.kernel,
      out_type=jax.ShapeDtypeStruct((2 * 2 * NPD,), jnp.float32),
      mesh=_mesh(),
      scratch_types=[
          pltpu.VMEM((CH,), jnp.int32),
          pltpu.VMEM((CH,), jnp.int32),
          pltpu.VMEM((CH,), jnp.int32),
          pltpu.VMEM((CH,), jnp.int32),
          pltpu.VMEM((CH,), jnp.float32),
          pltpu.VMEM((ROWSD,), jnp.float32),
          pltpu.VMEM_SHARED((NPD,), jnp.float32),
          pltpu.VMEM_SHARED((NPD,), jnp.float32),
          pltpu.SemaphoreType.DMA,
          pltpu.SemaphoreType.DMA,
      ],
  )
  def deg_kernel(src_hbm, dst_hbm, ones_hbm, zeros_hbm, out_hbm,
                 sa, da, sb, db, ones_v, zbuf, hist_s, hist_d, semA, semB):
    c = lax.axis_index("c")
    s = lax.axis_index("s")
    t = c * NS + s
    r0 = t * CPT + jnp.minimum(t, XTRA)
    extra = t < XTRA
    pltpu.sync_copy(ones_hbm, ones_v)
    pltpu.sync_copy(zeros_hbm, zbuf)
    row0 = s * ROWSD
    pltpu.sync_copy(zbuf, hist_s.at[pl.ds(row0, ROWSD)])
    pltpu.sync_copy(zbuf, hist_d.at[pl.ds(row0, ROWSD)])
    plsc.subcore_barrier()

    def eb(ch):
      return (r0 + ch) * CH

    def load(ch, sref, dref, sem):
      pltpu.async_copy(src_hbm.at[pl.ds(eb(ch), CH)], sref, sem)
      pltpu.async_copy(dst_hbm.at[pl.ds(eb(ch), CH)], dref, sem)

    def wait(ch, sref, dref, sem):
      pltpu.make_async_copy(src_hbm.at[pl.ds(eb(ch), CH)], sref, sem).wait()
      pltpu.make_async_copy(dst_hbm.at[pl.ds(eb(ch), CH)], dref, sem).wait()

    def scat(sref, dref):
      pltpu.sync_copy(ones_v, hist_s.at[sref], add=True)
      pltpu.sync_copy(ones_v, hist_d.at[dref], add=True)

    load(0, sa, da, semA)
    load(1, sb, db, semB)

    def body(j, carry):
      a = 2 * j
      wait(a, sa, da, semA)
      scat(sa, da)

      @pl.when(a + 2 < CPT)
      def _():
        load(a + 2, sa, da, semA)

      wait(a + 1, sb, db, semB)
      scat(sb, db)

      @pl.when(a + 3 < CPT)
      def _():
        load(a + 3, sb, db, semB)

      return carry

    lax.fori_loop(0, CPT // 2, body, 0)

    @pl.when(extra)
    def _():
      load(CPT, sa, da, semA)
      wait(CPT, sa, da, semA)
      scat(sa, da)

    plsc.subcore_barrier()
    pltpu.sync_copy(hist_s.at[pl.ds(row0, ROWSD)],
                    out_hbm.at[pl.ds((c * 2 + 0) * NPD + row0, ROWSD)])
    pltpu.sync_copy(hist_d.at[pl.ds(row0, ROWSD)],
                    out_hbm.at[pl.ds((c * 2 + 1) * NPD + row0, ROWSD)])

  return deg_kernel


def _make_agg_kernel(width):

  @functools.partial(
      pl.kernel,
      out_type=jax.ShapeDtypeStruct((2 * NP, width), jnp.float32),
      mesh=_mesh(),
      scratch_types=[
          pltpu.VMEM((CH,), jnp.int32),
          pltpu.VMEM((CH,), jnp.int32),
          pltpu.VMEM((CH,), jnp.int32),
          pltpu.VMEM((CH,), jnp.int32),
          pltpu.VMEM((CH, width), jnp.float32),
          pltpu.VMEM((CH, width), jnp.float32),
          pltpu.VMEM((ZR, width), jnp.float32),
          pltpu.VMEM_SHARED((NP, width), jnp.float32),
          pltpu.SemaphoreType.DMA,
          pltpu.SemaphoreType.DMA,
          pltpu.SemaphoreType.DMA,
          pltpu.SemaphoreType.DMA,
      ],
  )
  def agg_kernel(h_hbm, src_hbm, dst_hbm, zeros_hbm, out_hbm,
                 sa, da, sb, db, rows0, rows1, zbuf, agg,
                 semIA, semIB, semG0, semG1):
    c = lax.axis_index("c")
    s = lax.axis_index("s")
    t = c * NS + s
    r0 = t * CPT + jnp.minimum(t, XTRA)
    extra = t < XTRA
    row0 = s * ROWS
    pltpu.sync_copy(zeros_hbm, zbuf)
    for z in range(ROWS // ZR):
      pltpu.sync_copy(zbuf, agg.at[pl.ds(row0 + z * ZR, ZR)])
    rem = ROWS % ZR
    if rem:
      pltpu.sync_copy(zbuf.at[pl.ds(0, rem)],
                      agg.at[pl.ds(row0 + (ROWS // ZR) * ZR, rem)])
    plsc.subcore_barrier()

    def eb(ch):
      return (r0 + ch) * CH

    def load(ch, sref, dref, sem):
      pltpu.async_copy(src_hbm.at[pl.ds(eb(ch), CH)], sref, sem)
      pltpu.async_copy(dst_hbm.at[pl.ds(eb(ch), CH)], dref, sem)

    def wait_idx(ch, sref, dref, sem):
      pltpu.make_async_copy(src_hbm.at[pl.ds(eb(ch), CH)], sref, sem).wait()
      pltpu.make_async_copy(dst_hbm.at[pl.ds(eb(ch), CH)], dref, sem).wait()

    load(0, sa, da, semIA)
    wait_idx(0, sa, da, semIA)
    pltpu.async_copy(h_hbm.at[sa], rows0, semG0)
    load(1, sb, db, semIB)

    def body(j, carry):
      a = 2 * j
      wait_idx(a + 1, sb, db, semIB)
      pltpu.async_copy(h_hbm.at[sb], rows1, semG1)
      pltpu.make_async_copy(h_hbm.at[sa], rows0, semG0).wait()
      pltpu.sync_copy(rows0, agg.at[da], add=True)

      @pl.when(a + 2 < CPT)
      def _():
        load(a + 2, sa, da, semIA)
        wait_idx(a + 2, sa, da, semIA)
        pltpu.async_copy(h_hbm.at[sa], rows0, semG0)

      pltpu.make_async_copy(h_hbm.at[sb], rows1, semG1).wait()
      pltpu.sync_copy(rows1, agg.at[db], add=True)

      @pl.when(a + 3 < CPT)
      def _():
        load(a + 3, sb, db, semIB)

      return carry

    lax.fori_loop(0, CPT // 2, body, 0)

    @pl.when(extra)
    def _():
      load(CPT, sa, da, semIA)
      wait_idx(CPT, sa, da, semIA)
      pltpu.async_copy(h_hbm.at[sa], rows0, semG0)
      pltpu.make_async_copy(h_hbm.at[sa], rows0, semG0).wait()
      pltpu.sync_copy(rows0, agg.at[da], add=True)

    plsc.subcore_barrier()
    pltpu.sync_copy(agg.at[pl.ds(row0, ROWS)],
                    out_hbm.at[pl.ds(c * NP + row0, ROWS)])

  return agg_kernel



BN = NP


def _prep_body(degp_ref, feat_ref, ns_ref, nd_ref, h0_ref):
  p = degp_ref[...][:, :NP]
  deg_out = p[0:1] + p[2:3]
  deg_in = p[1:2] + p[3:4]
  ns = jnp.transpose(lax.rsqrt(jnp.where(deg_out > 0, deg_out, 1.0)))
  nd = jnp.transpose(lax.rsqrt(jnp.where(deg_in > 0, deg_in, 1.0)))
  ns_ref[...] = ns
  nd_ref[...] = nd
  h0 = feat_ref[...] * ns[:N]
  h0_ref[...] = jnp.concatenate(
      [h0, jnp.zeros((NP - N, D), jnp.float32)], axis=0)


def _prep(degp, features):
  return pl.pallas_call(
      _prep_body,
      out_shape=[
          jax.ShapeDtypeStruct((NP, 1), jnp.float32),
          jax.ShapeDtypeStruct((NP, 1), jnp.float32),
          jax.ShapeDtypeStruct((NP, D), jnp.float32),
      ],
  )(degp, features)


def _mid_body(a_ref, nd_ref, ns_ref, w_ref, b_ref, o_ref):
  x = (a_ref[0] + a_ref[1]) * nd_ref[...]
  y = jnp.dot(x, w_ref[...], preferred_element_type=jnp.float32) + b_ref[...]
  o_ref[...] = jnp.maximum(y, 0.0) * ns_ref[...]


def _mid_layer(a, nd, ns, w, b):
  return pl.pallas_call(
      _mid_body,
      out_shape=jax.ShapeDtypeStruct((NP, D), jnp.float32),
  )(a, nd, ns, w, b)


def _final_body(a_ref, nd_ref, w3_ref, b_ref, o_ref):
  x = (a_ref[0, :N] + a_ref[1, :N]) * nd_ref[...][:N]
  o_ref[...] = jnp.dot(
      x, w3_ref[...], preferred_element_type=jnp.float32) + b_ref[...]


def _final_layer(a, nd, w3, b3):
  nc = w3.shape[1]
  return pl.pallas_call(
      _final_body,
      out_shape=jax.ShapeDtypeStruct((N, nc), jnp.float32),
  )(a, nd, w3, b3.reshape(1, nc))


_sc_cache = {}


def _sc(name):
  if not _sc_cache:
    _sc_cache["deg"] = _make_deg_kernel()
    _sc_cache["agg128"] = _make_agg_kernel(D)
  return _sc_cache[name]


@jax.jit
def kernel(features, edge_index, W1, b1, W2, b2, W3, b3):
  src = edge_index[0]
  dst = edge_index[1]
  b1r = b1.reshape(1, D)
  b2r = b2.reshape(1, D)
  ones1 = jnp.ones((CH,), jnp.float32)
  zeros1 = jnp.zeros((ROWSD,), jnp.float32)
  zeros128 = jnp.zeros((ZR, D), jnp.float32)

  degp = _sc("deg")(src, dst, ones1, zeros1).reshape(4, NPD)
  ns, nd, h0 = _prep(degp, features)

  a1 = _sc("agg128")(h0, src, dst, zeros128).reshape(2, NP, D)
  h1 = _mid_layer(a1, nd, ns, W1, b1r)

  a2 = _sc("agg128")(h1, src, dst, zeros128).reshape(2, NP, D)
  h2 = _mid_layer(a2, nd, ns, W2, b2r)

  a3 = _sc("agg128")(h2, src, dst, zeros128).reshape(2, NP, D)
  return _final_layer(a3, nd, W3, b3)

# --- scband reference (transcript-rebuilt; emitter-appended) ---
"""Pipeline reference for scband-gcn-30279519437683 (READ-ONLY COPY).

The authoritative reference and input builder live on the scoring server;
editing this copy changes nothing except your own understanding.
"""

import jax, jax.numpy as jnp
import numpy as np

N = 10000
E = 320000
D_IN = 128
D_H = 128
N_CLASSES = 40


def setup_inputs(seed: int = 0) -> dict:
    key = jax.random.key(seed)
    ks = jax.random.split(key, 9)
    features = jax.random.normal(ks[0], (N, D_IN), dtype=jnp.float32)
    edge_index = jax.random.randint(ks[1], (2, E), 0, N, dtype=jnp.int32)
    W1 = jax.random.normal(ks[2], (D_IN, D_H), dtype=jnp.float32) * (1.0 / np.sqrt(D_IN))
    b1 = jnp.zeros((D_H,), dtype=jnp.float32)
    W2 = jax.random.normal(ks[3], (D_H, D_H), dtype=jnp.float32) * (1.0 / np.sqrt(D_H))
    b2 = jnp.zeros((D_H,), dtype=jnp.float32)
    W3 = jax.random.normal(ks[4], (D_H, N_CLASSES), dtype=jnp.float32) * (1.0 / np.sqrt(D_H))
    b3 = jnp.zeros((N_CLASSES,), dtype=jnp.float32)
    return {"features": features, "edge_index": edge_index,
            "W1": W1, "b1": b1, "W2": W2, "b2": b2, "W3": W3, "b3": b3}


def _gcn_layer(h, src, dst, W, b, use_relu):
    # DGL GraphConv with norm='both': out = D_in^{-1/2} A D_out^{-1/2} h W + b
    ones = jnp.ones((E,), dtype=jnp.float32)
    deg_out = jax.ops.segment_sum(ones, src, num_segments=N)
    deg_in = jax.ops.segment_sum(ones, dst, num_segments=N)
    norm_src = jnp.where(deg_out > 0, deg_out, 1.0) ** -0.5
    norm_dst = jnp.where(deg_in > 0, deg_in, 1.0) ** -0.5
    h = h * norm_src[:, None]
    msg = jnp.take(h, src, axis=0)
    agg = jax.ops.segment_sum(msg, dst, num_segments=N)
    agg = agg * norm_dst[:, None]
    out = agg @ W + b
    if use_relu:
        out = jax.nn.relu(out)
    return out


def reference(features, edge_index, W1, b1, W2, b2, W3, b3):
    # n_layers=2 -> 3 GraphConv layers total; dropout is identity in eval mode.
    src = edge_index[0]
    dst = edge_index[1]
    h = _gcn_layer(features, src, dst, W1, b1, True)
    h = _gcn_layer(h, src, dst, W2, b2, True)
    h = _gcn_layer(h, src, dst, W3, b3, False)
    return h

if __name__ == "__main__":
    import jax
    _d = setup_inputs()
    print(jax.jit(kernel)(*tuple(_d.values())))

</pallas_src>

<mosaic_0001>
#map = affine_map<(d0, d1) -> (0)>
module attributes {stable_mosaic.version = 14 : i64} {
  func.func @deg_kernel(%arg0: i32, %arg1: i32, %arg2: memref<320000xi32, #tpu.memory_space<hbm>>, %arg3: memref<320000xi32, #tpu.memory_space<hbm>>, %arg4: memref<128xf32, #tpu.memory_space<hbm>>, %arg5: memref<640xf32, #tpu.memory_space<hbm>>, %arg6: memref<40960xf32, #tpu.memory_space<hbm>>, %arg7: memref<128xi32, #tpu.memory_space<vmem>>, %arg8: memref<128xi32, #tpu.memory_space<vmem>>, %arg9: memref<128xi32, #tpu.memory_space<vmem>>, %arg10: memref<128xi32, #tpu.memory_space<vmem>>, %arg11: memref<128xf32, #tpu.memory_space<vmem>>, %arg12: memref<640xf32, #tpu.memory_space<vmem>>, %arg13: memref<10240xf32, #tpu.memory_space<vmem_shared>>, %arg14: memref<10240xf32, #tpu.memory_space<vmem_shared>>, %arg15: memref<!tpu.dma_semaphore, #tpu.memory_space<semaphore_mem>>, %arg16: memref<!tpu.dma_semaphore, #tpu.memory_space<semaphore_mem>>) attributes {dimension_semantics = [#tpu.dimension_semantics<core_parallel>, #tpu.dimension_semantics<subcore_parallel>], iteration_bounds = array<i64: 2, 16>, scalar_prefetch = 0 : i64, scratch_operands = 10 : i64, tpu.core_type = #tpu.core_type<sc_vector_subcore>, window_params = [{transform_indices = #map}, {transform_indices = #map}, {transform_indices = #map}, {transform_indices = #map}, {transform_indices = #map}]} {
    %mul3A = arith.constant 16 : i32
    %mul3A_0 = arith.muli %arg0, %mul3A : i32
    %add3A = arith.addi %mul3A_0, %arg1 : i32
    %mul3A_1 = arith.constant 78 : i32
    %mul3A_2 = arith.muli %add3A, %mul3A_1 : i32
    %min3A = arith.constant 4 : i32
    %min3A_3 = arith.minsi %add3A, %min3A : i32
    %add3A_4 = arith.addi %mul3A_2, %min3A_3 : i32
    %lt3A = arith.constant 4 : i32
    %lt3A_5 = arith.cmpi slt, %add3A, %lt3A : i32
    "tpu.region"() ({
      %run_scoped3A = tpu.sem_alloc : memref<!tpu.dma_semaphore, #tpu.memory_space<semaphore_mem>>
      tpu.enqueue_dma source(%arg4 : memref<128xf32, #tpu.memory_space<hbm>>) target(%arg11 : memref<128xf32, #tpu.memory_space<vmem>>) target_semaphore(%run_scoped3A : memref<!tpu.dma_semaphore, #tpu.memory_space<semaphore_mem>>)
      tpu.wait_dma2 semaphore(%run_scoped3A : memref<!tpu.dma_semaphore, #tpu.memory_space<semaphore_mem>>) src(%arg4 : memref<128xf32, #tpu.memory_space<hbm>>) dst(%arg11 : memref<128xf32, #tpu.memory_space<vmem>>)
      tpu.yield
    }) : () -> ()
    "tpu.region"() ({
      %run_scoped3A = tpu.sem_alloc : memref<!tpu.dma_semaphore, #tpu.memory_space<semaphore_mem>>
      tpu.enqueue_dma source(%arg5 : memref<640xf32, #tpu.memory_space<hbm>>) target(%arg12 : memref<640xf32, #tpu.memory_space<vmem>>) target_semaphore(%run_scoped3A : memref<!tpu.dma_semaphore, #tpu.memory_space<semaphore_mem>>)
      tpu.wait_dma2 semaphore(%run_scoped3A : memref<!tpu.dma_semaphore, #tpu.memory_space<semaphore_mem>>) src(%arg5 : memref<640xf32, #tpu.memory_space<hbm>>) dst(%arg12 : memref<640xf32, #tpu.memory_space<vmem>>)
      tpu.yield
    }) : () -> ()
    %mul3A_6 = arith.constant 640 : i32
    %mul3A_7 = arith.muli %arg1, %mul3A_6 : i32
    "tpu.region"() ({
      %run_scoped3A = tpu.sem_alloc : memref<!tpu.dma_semaphore, #tpu.memory_space<semaphore_mem>>
      %dma_start3A_52 = tpu.memref_slice %arg13[%mul3A_7] : memref<10240xf32, #tpu.memory_space<vmem_shared>> -> memref<640xf32, #tpu.memory_space<vmem_shared>>
      %dma_start3A_53 = tpu.memref_slice %arg13[%mul3A_7] : memref<10240xf32, #tpu.memory_space<vmem_shared>> -> memref<640xf32, #tpu.memory_space<vmem_shared>>
      tpu.enqueue_dma source(%arg12 : memref<640xf32, #tpu.memory_space<vmem>>) target(%dma_start3A_53 : memref<640xf32, #tpu.memory_space<vmem_shared>>) target_semaphore(%run_scoped3A : memref<!tpu.dma_semaphore, #tpu.memory_space<semaphore_mem>>)
      %dma_wait3A = tpu.memref_slice %arg13[%mul3A_7] : memref<10240xf32, #tpu.memory_space<vmem_shared>> -> memref<640xf32, #tpu.memory_space<vmem_shared>>
      %dma_wait3A_54 = tpu.memref_slice %arg13[%mul3A_7] : memref<10240xf32, #tpu.memory_space<vmem_shared>> -> memref<640xf32, #tpu.memory_space<vmem_shared>>
      tpu.wait_dma2 semaphore(%run_scoped3A : memref<!tpu.dma_semaphore, #tpu.memory_space<semaphore_mem>>) src(%arg12 : memref<640xf32, #tpu.memory_space<vmem>>) dst(%dma_wait3A_54 : memref<640xf32, #tpu.memory_space<vmem_shared>>)
      tpu.yield
    }) : () -> ()
    "tpu.region"() ({
      %run_scoped3A = tpu.sem_alloc : memref<!tpu.dma_semaphore, #tpu.memory_space<semaphore_mem>>
      %dma_start3A_52 = tpu.memref_slice %arg14[%mul3A_7] : memref<10240xf32, #tpu.memory_space<vmem_shared>> -> memref<640xf32, #tpu.memory_space<vmem_shared>>
      %dma_start3A_53 = tpu.memref_slice %arg14[%mul3A_7] : memref<10240xf32, #tpu.memory_space<vmem_shared>> -> memref<640xf32, #tpu.memory_space<vmem_shared>>
      tpu.enqueue_dma source(%arg12 : memref<640xf32, #tpu.memory_space<vmem>>) target(%dma_start3A_53 : memref<640xf32, #tpu.memory_space<vmem_shared>>) target_semaphore(%run_scoped3A : memref<!tpu.dma_semaphore, #tpu.memory_space<semaphore_mem>>)
      %dma_wait3A = tpu.memref_slice %arg14[%mul3A_7] : memref<10240xf32, #tpu.memory_space<vmem_shared>> -> memref<640xf32, #tpu.memory_space<vmem_shared>>
      %dma_wait3A_54 = tpu.memref_slice %arg14[%mul3A_7] : memref<10240xf32, #tpu.memory_space<vmem_shared>> -> memref<640xf32, #tpu.memory_space<vmem_shared>>
      tpu.wait_dma2 semaphore(%run_scoped3A : memref<!tpu.dma_semaphore, #tpu.memory_space<semaphore_mem>>) src(%arg12 : memref<640xf32, #tpu.memory_space<vmem>>) dst(%dma_wait3A_54 : memref<640xf32, #tpu.memory_space<vmem_shared>>)
      tpu.yield
    }) : () -> ()
    %barrier3A = arith.constant 0 : index
    tpu.barrier barrier_id(%barrier3A)
    %add3A_8 = arith.constant 0 : i32
    %add3A_9 = arith.addi %add3A_4, %add3A_8 : i32
    %mul3A_10 = arith.constant 128 : i32
    %mul3A_11 = arith.muli %add3A_9, %mul3A_10 : i32
    %dma_start3A = tpu.memref_slice %arg2[%mul3A_11] : memref<320000xi32, #tpu.memory_space<hbm>> -> memref<128xi32, #tpu.memory_space<hbm>>
    %dma_start3A_12 = tpu.memref_slice %arg2[%mul3A_11] : memref<320000xi32, #tpu.memory_space<hbm>> -> memref<128xi32, #tpu.memory_space<hbm>>
    tpu.enqueue_dma source(%dma_start3A_12 : memref<128xi32, #tpu.memory_space<hbm>>) target(%arg7 : memref<128xi32, #tpu.memory_space<vmem>>) target_semaphore(%arg15 : memref<!tpu.dma_semaphore, #tpu.memory_space<semaphore_mem>>)
    %add3A_13 = arith.constant 0 : i32
    %add3A_14 = arith.addi %add3A_4, %add3A_13 : i32
    %mul3A_15 = arith.constant 128 : i32
    %mul3A_16 = arith.muli %add3A_14, %mul3A_15 : i32
    %dma_start3A_17 = tpu.memref_slice %arg3[%mul3A_16] : memref<320000xi32, #tpu.memory_space<hbm>> -> memref<128xi32, #tpu.memory_space<hbm>>
    %dma_start3A_18 = tpu.memref_slice %arg3[%mul3A_16] : memref<320000xi32, #tpu.memory_space<hbm>> -> memref<128xi32, #tpu.memory_space<hbm>>
    tpu.enqueue_dma source(%dma_start3A_18 : memref<128xi32, #tpu.memory_space<hbm>>) target(%arg8 : memref<128xi32, #tpu.memory_space<vmem>>) target_semaphore(%arg15 : memref<!tpu.dma_semaphore, #tpu.memory_space<semaphore_mem>>)
    %add3A_19 = arith.constant 1 : i32
    %add3A_20 = arith.addi %add3A_4, %add3A_19 : i32
    %mul3A_21 = arith.constant 128 : i32
    %mul3A_22 = arith.muli %add3A_20, %mul3A_21 : i32
    %dma_start3A_23 = tpu.memref_slice %arg2[%mul3A_22] : memref<320000xi32, #tpu.memory_space<hbm>> -> memref<128xi32, #tpu.memory_space<hbm>>
    %dma_start3A_24 = tpu.memref_slice %arg2[%mul3A_22] : memref<320000xi32, #tpu.memory_space<hbm>> -> memref<128xi32, #tpu.memory_space<hbm>>
    tpu.enqueue_dma source(%dma_start3A_24 : memref<128xi32, #tpu.memory_space<hbm>>) target(%arg9 : memref<128xi32, #tpu.memory_space<vmem>>) target_semaphore(%arg16 : memref<!tpu.dma_semaphore, #tpu.memory_space<semaphore_mem>>)
    %add3A_25 = arith.constant 1 : i32
    %add3A_26 = arith.addi %add3A_4, %add3A_25 : i32
    %mul3A_27 = arith.constant 128 : i32
    %mul3A_28 = arith.muli %add3A_26, %mul3A_27 : i32
    %dma_start3A_29 = tpu.memref_slice %arg3[%mul3A_28] : memref<320000xi32, #tpu.memory_space<hbm>> -> memref<128xi32, #tpu.memory_space<hbm>>
    %dma_start3A_30 = tpu.memref_slice %arg3[%mul3A_28] : memref<320000xi32, #tpu.memory_space<hbm>> -> memref<128xi32, #tpu.memory_space<hbm>>
    tpu.enqueue_dma source(%dma_start3A_30 : memref<128xi32, #tpu.memory_space<hbm>>) target(%arg10 : memref<128xi32, #tpu.memory_space<vmem>>) target_semaphore(%arg16 : memref<!tpu.dma_semaphore, #tpu.memory_space<semaphore_mem>>)
    %scan3A = arith.constant 0 : i32
    %scan3A_31 = arith.constant 0 : i32
    %scan3A_32 = arith.constant 39 : i32
    %scan3A_33 = arith.addi %scan3A_31, %scan3A_32 : i32
    %scan3A_34 = arith.constant 1 : i32
    scf.for %scan3A_52 = %scan3A_31 to %scan3A_33 step %scan3A_34  : i32 {
      %mul3A_53 = arith.constant 2 : i32
      %mul3A_54 = arith.muli %mul3A_53, %scan3A_52 : i32
      %add3A_55 = arith.addi %add3A_4, %mul3A_54 : i32
      %mul3A_56 = arith.constant 128 : i32
      %mul3A_57 = arith.muli %add3A_55, %mul3A_56 : i32
      %dma_wait3A = tpu.memref_slice %arg2[%mul3A_57] : memref<320000xi32, #tpu.memory_space<hbm>> -> memref<128xi32, #tpu.memory_space<hbm>>
      %dma_wait3A_58 = tpu.memref_slice %arg2[%mul3A_57] : memref<320000xi32, #tpu.memory_space<hbm>> -> memref<128xi32, #tpu.memory_space<hbm>>
      tpu.wait_dma2 semaphore(%arg15 : memref<!tpu.dma_semaphore, #tpu.memory_space<semaphore_mem>>) src(%dma_wait3A_58 : memref<128xi32, #tpu.memory_space<hbm>>) dst(%arg7 : memref<128xi32, #tpu.memory_space<vmem>>)
      %add3A_59 = arith.addi %add3A_4, %mul3A_54 : i32
      %mul3A_60 = arith.constant 128 : i32
      %mul3A_61 = arith.muli %add3A_59, %mul3A_60 : i32
      %dma_wait3A_62 = tpu.memref_slice %arg3[%mul3A_61] : memref<320000xi32, #tpu.memory_space<hbm>> -> memref<128xi32, #tpu.memory_space<hbm>>
      %dma_wait3A_63 = tpu.memref_slice %arg3[%mul3A_61] : memref<320000xi32, #tpu.memory_space<hbm>> -> memref<128xi32, #tpu.memory_space<hbm>>
      tpu.wait_dma2 semaphore(%arg15 : memref<!tpu.dma_semaphore, #tpu.memory_space<semaphore_mem>>) src(%dma_wait3A_63 : memref<128xi32, #tpu.memory_space<hbm>>) dst(%arg8 : memref<128xi32, #tpu.memory_space<vmem>>)
      "tpu.region"() ({
        %run_scoped3A = tpu.sem_alloc : memref<!tpu.dma_semaphore, #tpu.memory_space<semaphore_mem>>
        %dma_start3A_90 = arith.constant 0 : i32
        %dma_start3A_91 = tpu.memref_slice %arg13[%dma_start3A_90] : memref<10240xf32, #tpu.memory_space<vmem_shared>> -> memref<10240xf32, #tpu.memory_space<vmem_shared>>
        tpu.enqueue_indirect_dma source(%arg11 : memref<128xf32, #tpu.memory_space<vmem>>) target(%dma_start3A_91 : memref<10240xf32, #tpu.memory_space<vmem_shared>>) offsets(%arg7 : memref<128xi32, #tpu.memory_space<vmem>>) semaphore(%run_scoped3A : memref<!tpu.dma_semaphore, #tpu.memory_space<semaphore_mem>>) {add = true}
        %dma_wait3A_92 = arith.constant 0 : i32
        %dma_wait3A_93 = tpu.memref_slice %arg13[%dma_wait3A_92] : memref<10240xf32, #tpu.memory_space<vmem_shared>> -> memref<10240xf32, #tpu.memory_space<vmem_shared>>
        tpu.wait_indirect_dma semaphore(%run_scoped3A : memref<!tpu.dma_semaphore, #tpu.memory_space<semaphore_mem>>) src(%arg11 : memref<128xf32, #tpu.memory_space<vmem>>) dst(%dma_wait3A_93 : memref<10240xf32, #tpu.memory_space<vmem_shared>>)
        tpu.yield
      }) : () -> ()
      "tpu.region"() ({
        %run_scoped3A = tpu.sem_alloc : memref<!tpu.dma_semaphore, #tpu.memory_space<semaphore_mem>>
        %dma_start3A_90 = arith.constant 0 : i32
        %dma_start3A_91 = tpu.memref_slice %arg14[%dma_start3A_90] : memref<10240xf32, #tpu.memory_space<vmem_shared>> -> memref<10240xf32, #tpu.memory_space<vmem_shared>>
        tpu.enqueue_indirect_dma source(%arg11 : memref<128xf32, #tpu.memory_space<vmem>>) target(%dma_start3A_91 : memref<10240xf32, #tpu.memory_space<vmem_shared>>) offsets(%arg8 : memref<128xi32, #tpu.memory_space<vmem>>) semaphore(%run_scoped3A : memref<!tpu.dma_semaphore, #tpu.memory_space<semaphore_mem>>) {add = true}
        %dma_wait3A_92 = arith.constant 0 : i32
        %dma_wait3A_93 = tpu.memref_slice %arg14[%dma_wait3A_92] : memref<10240xf32, #tpu.memory_space<vmem_shared>> -> memref<10240xf32, #tpu.memory_space<vmem_shared>>
        tpu.wait_indirect_dma semaphore(%run_scoped3A : memref<!tpu.dma_semaphore, #tpu.memory_space<semaphore_mem>>) src(%arg11 : memref<128xf32, #tpu.memory_space<vmem>>) dst(%dma_wait3A_93 : memref<10240xf32, #tpu.memory_space<vmem_shared>>)
        tpu.yield
      }) : () -> ()
      %add3A_64 = arith.constant 2 : i32
      %add3A_65 = arith.addi %mul3A_54, %add3A_64 : i32
      %lt3A_66 = arith.constant 78 : i32
      %lt3A_67 = arith.cmpi slt, %add3A_65, %lt3A_66 : i32
      %convert_element_type3A_68 = arith.extui %lt3A_67 : i1 to i32
      %cond3A_69 = arith.constant 0 : i32
      %cond3A_70 = arith.cmpi ne, %convert_element_type3A_68, %cond3A_69 : i32
      scf.if %cond3A_70 {
        %add3A_90 = arith.constant 2 : i32
        %add3A_91 = arith.addi %mul3A_54, %add3A_90 : i32
        %add3A_92 = arith.addi %add3A_4, %add3A_91 : i32
        %mul3A_93 = arith.constant 128 : i32
        %mul3A_94 = arith.muli %add3A_92, %mul3A_93 : i32
        %dma_start3A_95 = tpu.memref_slice %arg2[%mul3A_94] : memref<320000xi32, #tpu.memory_space<hbm>> -> memref<128xi32, #tpu.memory_space<hbm>>
        %dma_start3A_96 = tpu.memref_slice %arg2[%mul3A_94] : memref<320000xi32, #tpu.memory_space<hbm>> -> memref<128xi32, #tpu.memory_space<hbm>>
        tpu.enqueue_dma source(%dma_start3A_96 : memref<128xi32, #tpu.memory_space<hbm>>) target(%arg7 : memref<128xi32, #tpu.memory_space<vmem>>) target_semaphore(%arg15 : memref<!tpu.dma_semaphore, #tpu.memory_space<semaphore_mem>>)
        %add3A_97 = arith.addi %add3A_4, %add3A_91 : i32
        %mul3A_98 = arith.constant 128 : i32
        %mul3A_99 = arith.muli %add3A_97, %mul3A_98 : i32
        %dma_start3A_100 = tpu.memref_slice %arg3[%mul3A_99] : memref<320000xi32, #tpu.memory_space<hbm>> -> memref<128xi32, #tpu.memory_space<hbm>>
        %dma_start3A_101 = tpu.memref_slice %arg3[%mul3A_99] : memref<320000xi32, #tpu.memory_space<hbm>> -> memref<128xi32, #tpu.memory_space<hbm>>
        tpu.enqueue_dma source(%dma_start3A_101 : memref<128xi32, #tpu.memory_space<hbm>>) target(%arg8 : memref<128xi32, #tpu.memory_space<vmem>>) target_semaphore(%arg15 : memref<!tpu.dma_semaphore, #tpu.memory_space<semaphore_mem>>)
      } else {
      }
      %add3A_71 = arith.constant 1 : i32
      %add3A_72 = arith.addi %mul3A_54, %add3A_71 : i32
      %add3A_73 = arith.addi %add3A_4, %add3A_72 : i32
      %mul3A_74 = arith.constant 128 : i32
      %mul3A_75 = arith.muli %add3A_73, %mul3A_74 : i32
      %dma_wait3A_76 = tpu.memref_slice %arg2[%mul3A_75] : memref<320000xi32, #tpu.memory_space<hbm>> -> memref<128xi32, #tpu.memory_space<hbm>>
      %dma_wait3A_77 = tpu.memref_slice %arg2[%mul3A_75] : memref<320000xi32, #tpu.memory_space<hbm>> -> memref<128xi32, #tpu.memory_space<hbm>>
      tpu.wait_dma2 semaphore(%arg16 : memref<!tpu.dma_semaphore, #tpu.memory_space<semaphore_mem>>) src(%dma_wait3A_77 : memref<128xi32, #tpu.memory_space<hbm>>) dst(%arg9 : memref<128xi32, #tpu.memory_space<vmem>>)
      %add3A_78 = arith.addi %add3A_4, %add3A_72 : i32
      %mul3A_79 = arith.constant 128 : i32
      %mul3A_80 = arith.muli %add3A_78, %mul3A_79 : i32
      %dma_wait3A_81 = tpu.memref_slice %arg3[%mul3A_80] : memref<320000xi32, #tpu.memory_space<hbm>> -> memref<128xi32, #tpu.memory_space<hbm>>
      %dma_wait3A_82 = tpu.memref_slice %arg3[%mul3A_80] : memref<320000xi32, #tpu.memory_space<hbm>> -> memref<128xi32, #tpu.memory_space<hbm>>
      tpu.wait_dma2 semaphore(%arg16 : memref<!tpu.dma_semaphore, #tpu.memory_space<semaphore_mem>>) src(%dma_wait3A_82 : memref<128xi32, #tpu.memory_space<hbm>>) dst(%arg10 : memref<128xi32, #tpu.memory_space<vmem>>)
      "tpu.region"() ({
        %run_scoped3A = tpu.sem_alloc : memref<!tpu.dma_semaphore, #tpu.memory_space<semaphore_mem>>
        %dma_start3A_90 = arith.constant 0 : i32
        %dma_start3A_91 = tpu.memref_slice %arg13[%dma_start3A_90] : memref<10240xf32, #tpu.memory_space<vmem_shared>> -> memref<10240xf32, #tpu.memory_space<vmem_shared>>
        tpu.enqueue_indirect_dma source(%arg11 : memref<128xf32, #tpu.memory_space<vmem>>) target(%dma_start3A_91 : memref<10240xf32, #tpu.memory_space<vmem_shared>>) offsets(%arg9 : memref<128xi32, #tpu.memory_space<vmem>>) semaphore(%run_scoped3A : memref<!tpu.dma_semaphore, #tpu.memory_space<semaphore_mem>>) {add = true}
        %dma_wait3A_92 = arith.constant 0 : i32
        %dma_wait3A_93 = tpu.memref_slice %arg13[%dma_wait3A_92] : memref<10240xf32, #tpu.memory_space<vmem_shared>> -> memref<10240xf32, #tpu.memory_space<vmem_shared>>
        tpu.wait_indirect_dma semaphore(%run_scoped3A : memref<!tpu.dma_semaphore, #tpu.memory_space<semaphore_mem>>) src(%arg11 : memref<128xf32, #tpu.memory_space<vmem>>) dst(%dma_wait3A_93 : memref<10240xf32, #tpu.memory_space<vmem_shared>>)
        tpu.yield
      }) : () -> ()
      "tpu.region"() ({
        %run_scoped3A = tpu.sem_alloc : memref<!tpu.dma_semaphore, #tpu.memory_space<semaphore_mem>>
        %dma_start3A_90 = arith.constant 0 : i32
        %dma_start3A_91 = tpu.memref_slice %arg14[%dma_start3A_90] : memref<10240xf32, #tpu.memory_space<vmem_shared>> -> memref<10240xf32, #tpu.memory_space<vmem_shared>>
        tpu.enqueue_indirect_dma source(%arg11 : memref<128xf32, #tpu.memory_space<vmem>>) target(%dma_start3A_91 : memref<10240xf32, #tpu.memory_space<vmem_shared>>) offsets(%arg10 : memref<128xi32, #tpu.memory_space<vmem>>) semaphore(%run_scoped3A : memref<!tpu.dma_semaphore, #tpu.memory_space<semaphore_mem>>) {add = true}
        %dma_wait3A_92 = arith.constant 0 : i32
        %dma_wait3A_93 = tpu.memref_slice %arg14[%dma_wait3A_92] : memref<10240xf32, #tpu.memory_space<vmem_shared>> -> memref<10240xf32, #tpu.memory_space<vmem_shared>>
        tpu.wait_indirect_dma semaphore(%run_scoped3A : memref<!tpu.dma_semaphore, #tpu.memory_space<semaphore_mem>>) src(%arg11 : memref<128xf32, #tpu.memory_space<vmem>>) dst(%dma_wait3A_93 : memref<10240xf32, #tpu.memory_space<vmem_shared>>)
        tpu.yield
      }) : () -> ()
      %add3A_83 = arith.constant 3 : i32
      %add3A_84 = arith.addi %mul3A_54, %add3A_83 : i32
      %lt3A_85 = arith.constant 78 : i32
      %lt3A_86 = arith.cmpi slt, %add3A_84, %lt3A_85 : i32
      %convert_element_type3A_87 = arith.extui %lt3A_86 : i1 to i32
      %cond3A_88 = arith.constant 0 : i32
      %cond3A_89 = arith.cmpi ne, %convert_element_type3A_87, %cond3A_88 : i32
      scf.if %cond3A_89 {
        %add3A_90 = arith.constant 3 : i32
        %add3A_91 = arith.addi %mul3A_54, %add3A_90 : i32
        %add3A_92 = arith.addi %add3A_4, %add3A_91 : i32
        %mul3A_93 = arith.constant 128 : i32
        %mul3A_94 = arith.muli %add3A_92, %mul3A_93 : i32
        %dma_start3A_95 = tpu.memref_slice %arg2[%mul3A_94] : memref<320000xi32, #tpu.memory_space<hbm>> -> memref<128xi32, #tpu.memory_space<hbm>>
        %dma_start3A_96 = tpu.memref_slice %arg2[%mul3A_94] : memref<320000xi32, #tpu.memory_space<hbm>> -> memref<128xi32, #tpu.memory_space<hbm>>
        tpu.enqueue_dma source(%dma_start3A_96 : memref<128xi32, #tpu.memory_space<hbm>>) target(%arg9 : memref<128xi32, #tpu.memory_space<vmem>>) target_semaphore(%arg16 : memref<!tpu.dma_semaphore, #tpu.memory_space<semaphore_mem>>)
        %add3A_97 = arith.addi %add3A_4, %add3A_91 : i32
        %mul3A_98 = arith.constant 128 : i32
        %mul3A_99 = arith.muli %add3A_97, %mul3A_98 : i32
        %dma_start3A_100 = tpu.memref_slice %arg3[%mul3A_99] : memref<320000xi32, #tpu.memory_space<hbm>> -> memref<128xi32, #tpu.memory_space<hbm>>
        %dma_start3A_101 = tpu.memref_slice %arg3[%mul3A_99] : memref<320000xi32, #tpu.memory_space<hbm>> -> memref<128xi32, #tpu.memory_space<hbm>>
        tpu.enqueue_dma source(%dma_start3A_101 : memref<128xi32, #tpu.memory_space<hbm>>) target(%arg10 : memref<128xi32, #tpu.memory_space<vmem>>) target_semaphore(%arg16 : memref<!tpu.dma_semaphore, #tpu.memory_space<semaphore_mem>>)
      } else {
      }
    }
    %scan3A_35 = arith.constant 39 : i32
    %convert_element_type3A = arith.extui %lt3A_5 : i1 to i32
    %cond3A = arith.constant 0 : i32
    %cond3A_36 = arith.cmpi ne, %convert_element_type3A, %cond3A : i32
    scf.if %cond3A_36 {
      %add3A_52 = arith.constant 78 : i32
      %add3A_53 = arith.addi %add3A_4, %add3A_52 : i32
      %mul3A_54 = arith.constant 128 : i32
      %mul3A_55 = arith.muli %add3A_53, %mul3A_54 : i32
      %dma_start3A_56 = tpu.memref_slice %arg2[%mul3A_55] : memref<320000xi32, #tpu.memory_space<hbm>> -> memref<128xi32, #tpu.memory_space<hbm>>
      %dma_start3A_57 = tpu.memref_slice %arg2[%mul3A_55] : memref<320000xi32, #tpu.memory_space<hbm>> -> memref<128xi32, #tpu.memory_space<hbm>>
      tpu.enqueue_dma source(%dma_start3A_57 : memref<128xi32, #tpu.memory_space<hbm>>) target(%arg7 : memref<128xi32, #tpu.memory_space<vmem>>) target_semaphore(%arg15 : memref<!tpu.dma_semaphore, #tpu.memory_space<semaphore_mem>>)
      %add3A_58 = arith.constant 78 : i32
      %add3A_59 = arith.addi %add3A_4, %add3A_58 : i32
      %mul3A_60 = arith.constant 128 : i32
      %mul3A_61 = arith.muli %add3A_59, %mul3A_60 : i32
      %dma_start3A_62 = tpu.memref_slice %arg3[%mul3A_61] : memref<320000xi32, #tpu.memory_space<hbm>> -> memref<128xi32, #tpu.memory_space<hbm>>
      %dma_start3A_63 = tpu.memref_slice %arg3[%mul3A_61] : memref<320000xi32, #tpu.memory_space<hbm>> -> memref<128xi32, #tpu.memory_space<hbm>>
      tpu.enqueue_dma source(%dma_start3A_63 : memref<128xi32, #tpu.memory_space<hbm>>) target(%arg8 : memref<128xi32, #tpu.memory_space<vmem>>) target_semaphore(%arg15 : memref<!tpu.dma_semaphore, #tpu.memory_space<semaphore_mem>>)
      %add3A_64 = arith.constant 78 : i32
      %add3A_65 = arith.addi %add3A_4, %add3A_64 : i32
      %mul3A_66 = arith.constant 128 : i32
      %mul3A_67 = arith.muli %add3A_65, %mul3A_66 : i32
      %dma_wait3A = tpu.memref_slice %arg2[%mul3A_67] : memref<320000xi32, #tpu.memory_space<hbm>> -> memref<128xi32, #tpu.memory_space<hbm>>
      %dma_wait3A_68 = tpu.memref_slice %arg2[%mul3A_67] : memref<320000xi32, #tpu.memory_space<hbm>> -> memref<128xi32, #tpu.memory_space<hbm>>
      tpu.wait_dma2 semaphore(%arg15 : memref<!tpu.dma_semaphore, #tpu.memory_space<semaphore_mem>>) src(%dma_wait3A_68 : memref<128xi32, #tpu.memory_space<hbm>>) dst(%arg7 : memref<128xi32, #tpu.memory_space<vmem>>)
      %add3A_69 = arith.constant 78 : i32
      %add3A_70 = arith.addi %add3A_4, %add3A_69 : i32
      %mul3A_71 = arith.constant 128 : i32
      %mul3A_72 = arith.muli %add3A_70, %mul3A_71 : i32
      %dma_wait3A_73 = tpu.memref_slice %arg3[%mul3A_72] : memref<320000xi32, #tpu.memory_space<hbm>> -> memref<128xi32, #tpu.memory_space<hbm>>
      %dma_wait3A_74 = tpu.memref_slice %arg3[%mul3A_72] : memref<320000xi32, #tpu.memory_space<hbm>> -> memref<128xi32, #tpu.memory_space<hbm>>
      tpu.wait_dma2 semaphore(%arg15 : memref<!tpu.dma_semaphore, #tpu.memory_space<semaphore_mem>>) src(%dma_wait3A_74 : memref<128xi32, #tpu.memory_space<hbm>>) dst(%arg8 : memref<128xi32, #tpu.memory_space<vmem>>)
      "tpu.region"() ({
        %run_scoped3A = tpu.sem_alloc : memref<!tpu.dma_semaphore, #tpu.memory_space<semaphore_mem>>
        %dma_start3A_75 = arith.constant 0 : i32
        %dma_start3A_76 = tpu.memref_slice %arg13[%dma_start3A_75] : memref<10240xf32, #tpu.memory_space<vmem_shared>> -> memref<10240xf32, #tpu.memory_space<vmem_shared>>
        tpu.enqueue_indirect_dma source(%arg11 : memref<128xf32, #tpu.memory_space<vmem>>) target(%dma_start3A_76 : memref<10240xf32, #tpu.memory_space<vmem_shared>>) offsets(%arg7 : memref<128xi32, #tpu.memory_space<vmem>>) semaphore(%run_scoped3A : memref<!tpu.dma_semaphore, #tpu.memory_space<semaphore_mem>>) {add = true}
        %dma_wait3A_77 = arith.constant 0 : i32
        %dma_wait3A_78 = tpu.memref_slice %arg13[%dma_wait3A_77] : memref<10240xf32, #tpu.memory_space<vmem_shared>> -> memref<10240xf32, #tpu.memory_space<vmem_shared>>
        tpu.wait_indirect_dma semaphore(%run_scoped3A : memref<!tpu.dma_semaphore, #tpu.memory_space<semaphore_mem>>) src(%arg11 : memref<128xf32, #tpu.memory_space<vmem>>) dst(%dma_wait3A_78 : memref<10240xf32, #tpu.memory_space<vmem_shared>>)
        tpu.yield
      }) : () -> ()
      "tpu.region"() ({
        %run_scoped3A = tpu.sem_alloc : memref<!tpu.dma_semaphore, #tpu.memory_space<semaphore_mem>>
        %dma_start3A_75 = arith.constant 0 : i32
        %dma_start3A_76 = tpu.memref_slice %arg14[%dma_start3A_75] : memref<10240xf32, #tpu.memory_space<vmem_shared>> -> memref<10240xf32, #tpu.memory_space<vmem_shared>>
        tpu.enqueue_indirect_dma source(%arg11 : memref<128xf32, #tpu.memory_space<vmem>>) target(%dma_start3A_76 : memref<10240xf32, #tpu.memory_space<vmem_shared>>) offsets(%arg8 : memref<128xi32, #tpu.memory_space<vmem>>) semaphore(%run_scoped3A : memref<!tpu.dma_semaphore, #tpu.memory_space<semaphore_mem>>) {add = true}
        %dma_wait3A_77 = arith.constant 0 : i32
        %dma_wait3A_78 = tpu.memref_slice %arg14[%dma_wait3A_77] : memref<10240xf32, #tpu.memory_space<vmem_shared>> -> memref<10240xf32, #tpu.memory_space<vmem_shared>>
        tpu.wait_indirect_dma semaphore(%run_scoped3A : memref<!tpu.dma_semaphore, #tpu.memory_space<semaphore_mem>>) src(%arg11 : memref<128xf32, #tpu.memory_space<vmem>>) dst(%dma_wait3A_78 : memref<10240xf32, #tpu.memory_space<vmem_shared>>)
        tpu.yield
      }) : () -> ()
    } else {
    }
    %barrier3A_37 = arith.constant 0 : index
    tpu.barrier barrier_id(%barrier3A_37)
    %mul3A_38 = arith.constant 2 : i32
    %mul3A_39 = arith.muli %arg0, %mul3A_38 : i32
    %add3A_40 = arith.constant 0 : i32
    %add3A_41 = arith.addi %mul3A_39, %add3A_40 : i32
    %mul3A_42 = arith.constant 10240 : i32
    %mul3A_43 = arith.muli %add3A_41, %mul3A_42 : i32
    %add3A_44 = arith.addi %mul3A_43, %mul3A_7 : i32
    "tpu.region"() ({
      %run_scoped3A = tpu.sem_alloc : memref<!tpu.dma_semaphore, #tpu.memory_space<semaphore_mem>>
      %dma_start3A_52 = tpu.memref_slice %arg6[%add3A_44] : memref<40960xf32, #tpu.memory_space<hbm>> -> memref<640xf32, #tpu.memory_space<hbm>>
      %dma_start3A_53 = tpu.memref_slice %arg13[%mul3A_7] : memref<10240xf32, #tpu.memory_space<vmem_shared>> -> memref<640xf32, #tpu.memory_space<vmem_shared>>
      tpu.enqueue_dma source(%dma_start3A_53 : memref<640xf32, #tpu.memory_space<vmem_shared>>) target(%dma_start3A_52 : memref<640xf32, #tpu.memory_space<hbm>>) target_semaphore(%run_scoped3A : memref<!tpu.dma_semaphore, #tpu.memory_space<semaphore_mem>>)
      %dma_wait3A = tpu.memref_slice %arg6[%add3A_44] : memref<40960xf32, #tpu.memory_space<hbm>> -> memref<640xf32, #tpu.memory_space<hbm>>
      %dma_wait3A_54 = tpu.memref_slice %arg13[%mul3A_7] : memref<10240xf32, #tpu.memory_space<vmem_shared>> -> memref<640xf32, #tpu.memory_space<vmem_shared>>
      tpu.wait_dma2 semaphore(%run_scoped3A : memref<!tpu.dma_semaphore, #tpu.memory_space<semaphore_mem>>) src(%dma_wait3A_54 : memref<640xf32, #tpu.memory_space<vmem_shared>>) dst(%dma_wait3A : memref<640xf32, #tpu.memory_space<hbm>>)
      tpu.yield
    }) : () -> ()
    %mul3A_45 = arith.constant 2 : i32
    %mul3A_46 = arith.muli %arg0, %mul3A_45 : i32
    %add3A_47 = arith.constant 1 : i32
    %add3A_48 = arith.addi %mul3A_46, %add3A_47 : i32
    %mul3A_49 = arith.constant 10240 : i32
    %mul3A_50 = arith.muli %add3A_48, %mul3A_49 : i32
    %add3A_51 = arith.addi %mul3A_50, %mul3A_7 : i32
    "tpu.region"() ({
      %run_scoped3A = tpu.sem_alloc : memref<!tpu.dma_semaphore, #tpu.memory_space<semaphore_mem>>
      %dma_start3A_52 = tpu.memref_slice %arg6[%add3A_51] : memref<40960xf32, #tpu.memory_space<hbm>> -> memref<640xf32, #tpu.memory_space<hbm>>
      %dma_start3A_53 = tpu.memref_slice %arg14[%mul3A_7] : memref<10240xf32, #tpu.memory_space<vmem_shared>> -> memref<640xf32, #tpu.memory_space<vmem_shared>>
      tpu.enqueue_dma source(%dma_start3A_53 : memref<640xf32, #tpu.memory_space<vmem_shared>>) target(%dma_start3A_52 : memref<640xf32, #tpu.memory_space<hbm>>) target_semaphore(%run_scoped3A : memref<!tpu.dma_semaphore, #tpu.memory_space<semaphore_mem>>)
      %dma_wait3A = tpu.memref_slice %arg6[%add3A_51] : memref<40960xf32, #tpu.memory_space<hbm>> -> memref<640xf32, #tpu.memory_space<hbm>>
      %dma_wait3A_54 = tpu.memref_slice %arg14[%mul3A_7] : memref<10240xf32, #tpu.memory_space<vmem_shared>> -> memref<640xf32, #tpu.memory_space<vmem_shared>>
      tpu.wait_dma2 semaphore(%run_scoped3A : memref<!tpu.dma_semaphore, #tpu.memory_space<semaphore_mem>>) src(%dma_wait3A_54 : memref<640xf32, #tpu.memory_space<vmem_shared>>) dst(%dma_wait3A : memref<640xf32, #tpu.memory_space<hbm>>)
      tpu.yield
    }) : () -> ()
    return
  }
}

#map = affine_map<(d0, d1) -> (0, 0)>
#map1 = affine_map<(d0, d1) -> (0)>
module attributes {stable_mosaic.version = 14 : i64} {
  func.func @agg_kernel(%arg0: i32, %arg1: i32, %arg2: memref<10112x128xf32, #tpu.memory_space<hbm>>, %arg3: memref<320000xi32, #tpu.memory_space<hbm>>, %arg4: memref<320000xi32, #tpu.memory_space<hbm>>, %arg5: memref<128x128xf32, #tpu.memory_space<hbm>>, %arg6: memref<20224x128xf32, #tpu.memory_space<hbm>>, %arg7: memref<128xi32, #tpu.memory_space<vmem>>, %arg8: memref<128xi32, #tpu.memory_space<vmem>>, %arg9: memref<128xi32, #tpu.memory_space<vmem>>, %arg10: memref<128xi32, #tpu.memory_space<vmem>>, %arg11: memref<128x128xf32, #tpu.memory_space<vmem>>, %arg12: memref<128x128xf32, #tpu.memory_space<vmem>>, %arg13: memref<128x128xf32, #tpu.memory_space<vmem>>, %arg14: memref<10112x128xf32, #tpu.memory_space<vmem_shared>>, %arg15: memref<!tpu.dma_semaphore, #tpu.memory_space<semaphore_mem>>, %arg16: memref<!tpu.dma_semaphore, #tpu.memory_space<semaphore_mem>>, %arg17: memref<!tpu.dma_semaphore, #tpu.memory_space<semaphore_mem>>, %arg18: memref<!tpu.dma_semaphore, #tpu.memory_space<semaphore_mem>>) attributes {dimension_semantics = [#tpu.dimension_semantics<core_parallel>, #tpu.dimension_semantics<subcore_parallel>], iteration_bounds = array<i64: 2, 16>, scalar_prefetch = 0 : i64, scratch_operands = 12 : i64, tpu.core_type = #tpu.core_type<sc_vector_subcore>, window_params = [{transform_indices = #map}, {transform_indices = #map1}, {transform_indices = #map1}, {transform_indices = #map}, {transform_indices = #map}]} {
    %mul3A = arith.constant 16 : i32
    %mul3A_0 = arith.muli %arg0, %mul3A : i32
    %add3A = arith.addi %mul3A_0, %arg1 : i32
    %mul3A_1 = arith.constant 78 : i32
    %mul3A_2 = arith.muli %add3A, %mul3A_1 : i32
    %min3A = arith.constant 4 : i32
    %min3A_3 = arith.minsi %add3A, %min3A : i32
    %add3A_4 = arith.addi %mul3A_2, %min3A_3 : i32
    %lt3A = arith.constant 4 : i32
    %lt3A_5 = arith.cmpi slt, %add3A, %lt3A : i32
    %mul3A_6 = arith.constant 632 : i32
    %mul3A_7 = arith.muli %arg1, %mul3A_6 : i32
    "tpu.region"() ({
      %run_scoped3A = tpu.sem_alloc : memref<!tpu.dma_semaphore, #tpu.memory_space<semaphore_mem>>
      tpu.enqueue_dma source(%arg5 : memref<128x128xf32, #tpu.memory_space<hbm>>) target(%arg13 : memref<128x128xf32, #tpu.memory_space<vmem>>) target_semaphore(%run_scoped3A : memref<!tpu.dma_semaphore, #tpu.memory_space<semaphore_mem>>)
      tpu.wait_dma2 semaphore(%run_scoped3A : memref<!tpu.dma_semaphore, #tpu.memory_space<semaphore_mem>>) src(%arg5 : memref<128x128xf32, #tpu.memory_space<hbm>>) dst(%arg13 : memref<128x128xf32, #tpu.memory_space<vmem>>)
      tpu.yield
    }) : () -> ()
    %add3A_8 = arith.constant 0 : i32
    %add3A_9 = arith.addi %mul3A_7, %add3A_8 : i32
    "tpu.region"() ({
      %run_scoped3A = tpu.sem_alloc : memref<!tpu.dma_semaphore, #tpu.memory_space<semaphore_mem>>
      %dma_start3A_65 = arith.constant 0 : i32
      %dma_start3A_66 = tpu.memref_slice %arg14[%add3A_9, %dma_start3A_65] : memref<10112x128xf32, #tpu.memory_space<vmem_shared>> -> memref<128x128xf32, #tpu.memory_space<vmem_shared>>
      %dma_start3A_67 = arith.constant 0 : i32
      %dma_start3A_68 = tpu.memref_slice %arg14[%add3A_9, %dma_start3A_67] : memref<10112x128xf32, #tpu.memory_space<vmem_shared>> -> memref<128x128xf32, #tpu.memory_space<vmem_shared>>
      tpu.enqueue_dma source(%arg13 : memref<128x128xf32, #tpu.memory_space<vmem>>) target(%dma_start3A_68 : memref<128x128xf32, #tpu.memory_space<vmem_shared>>) target_semaphore(%run_scoped3A : memref<!tpu.dma_semaphore, #tpu.memory_space<semaphore_mem>>)
      %dma_wait3A_69 = arith.constant 0 : i32
      %dma_wait3A_70 = tpu.memref_slice %arg14[%add3A_9, %dma_wait3A_69] : memref<10112x128xf32, #tpu.memory_space<vmem_shared>> -> memref<128x128xf32, #tpu.memory_space<vmem_shared>>
      %dma_wait3A_71 = arith.constant 0 : i32
      %dma_wait3A_72 = tpu.memref_slice %arg14[%add3A_9, %dma_wait3A_71] : memref<10112x128xf32, #tpu.memory_space<vmem_shared>> -> memref<128x128xf32, #tpu.memory_space<vmem_shared>>
      tpu.wait_dma2 semaphore(%run_scoped3A : memref<!tpu.dma_semaphore, #tpu.memory_space<semaphore_mem>>) src(%arg13 : memref<128x128xf32, #tpu.memory_space<vmem>>) dst(%dma_wait3A_72 : memref<128x128xf32, #tpu.memory_space<vmem_shared>>)
      tpu.yield
    }) : () -> ()
    %add3A_10 = arith.constant 128 : i32
    %add3A_11 = arith.addi %mul3A_7, %add3A_10 : i32
    "tpu.region"() ({
      %run_scoped3A = tpu.sem_alloc : memref<!tpu.dma_semaphore, #tpu.memory_space<semaphore_mem>>
      %dma_start3A_65 = arith.constant 0 : i32
      %dma_start3A_66 = tpu.memref_slice %arg14[%add3A_11, %dma_start3A_65] : memref<10112x128xf32, #tpu.memory_space<vmem_shared>> -> memref<128x128xf32, #tpu.memory_space<vmem_shared>>
      %dma_start3A_67 = arith.constant 0 : i32
      %dma_start3A_68 = tpu.memref_slice %arg14[%add3A_11, %dma_start3A_67] : memref<10112x128xf32, #tpu.memory_space<vmem_shared>> -> memref<128x128xf32, #tpu.memory_space<vmem_shared>>
      tpu.enqueue_dma source(%arg13 : memref<128x128xf32, #tpu.memory_space<vmem>>) target(%dma_start3A_68 : memref<128x128xf32, #tpu.memory_space<vmem_shared>>) target_semaphore(%run_scoped3A : memref<!tpu.dma_semaphore, #tpu.memory_space<semaphore_mem>>)
      %dma_wait3A_69 = arith.constant 0 : i32
      %dma_wait3A_70 = tpu.memref_slice %arg14[%add3A_11, %dma_wait3A_69] : memref<10112x128xf32, #tpu.memory_space<vmem_shared>> -> memref<128x128xf32, #tpu.memory_space<vmem_shared>>
      %dma_wait3A_71 = arith.constant 0 : i32
      %dma_wait3A_72 = tpu.memref_slice %arg14[%add3A_11, %dma_wait3A_71] : memref<10112x128xf32, #tpu.memory_space<vmem_shared>> -> memref<128x128xf32, #tpu.memory_space<vmem_shared>>
      tpu.wait_dma2 semaphore(%run_scoped3A : memref<!tpu.dma_semaphore, #tpu.memory_space<semaphore_mem>>) src(%arg13 : memref<128x128xf32, #tpu.memory_space<vmem>>) dst(%dma_wait3A_72 : memref<128x128xf32, #tpu.memory_space<vmem_shared>>)
      tpu.yield
    }) : () -> ()
    %add3A_12 = arith.constant 256 : i32
    %add3A_13 = arith.addi %mul3A_7, %add3A_12 : i32
    "tpu.region"() ({
      %run_scoped3A = tpu.sem_alloc : memref<!tpu.dma_semaphore, #tpu.memory_space<semaphore_mem>>
      %dma_start3A_65 = arith.constant 0 : i32
      %dma_start3A_66 = tpu.memref_slice %arg14[%add3A_13, %dma_start3A_65] : memref<10112x128xf32, #tpu.memory_space<vmem_shared>> -> memref<128x128xf32, #tpu.memory_space<vmem_shared>>
      %dma_start3A_67 = arith.constant 0 : i32
      %dma_start3A_68 = tpu.memref_slice %arg14[%add3A_13, %dma_start3A_67] : memref<10112x128xf32, #tpu.memory_space<vmem_shared>> -> memref<128x128xf32, #tpu.memory_space<vmem_shared>>
      tpu.enqueue_dma source(%arg13 : memref<128x128xf32, #tpu.memory_space<vmem>>) target(%dma_start3A_68 : memref<128x128xf32, #tpu.memory_space<vmem_shared>>) target_semaphore(%run_scoped3A : memref<!tpu.dma_semaphore, #tpu.memory_space<semaphore_mem>>)
      %dma_wait3A_69 = arith.constant 0 : i32
      %dma_wait3A_70 = tpu.memref_slice %arg14[%add3A_13, %dma_wait3A_69] : memref<10112x128xf32, #tpu.memory_space<vmem_shared>> -> memref<128x128xf32, #tpu.memory_space<vmem_shared>>
      %dma_wait3A_71 = arith.constant 0 : i32
      %dma_wait3A_72 = tpu.memref_slice %arg14[%add3A_13, %dma_wait3A_71] : memref<10112x128xf32, #tpu.memory_space<vmem_shared>> -> memref<128x128xf32, #tpu.memory_space<vmem_shared>>
      tpu.wait_dma2 semaphore(%run_scoped3A : memref<!tpu.dma_semaphore, #tpu.memory_space<semaphore_mem>>) src(%arg13 : memref<128x128xf32, #tpu.memory_space<vmem>>) dst(%dma_wait3A_72 : memref<128x128xf32, #tpu.memory_space<vmem_shared>>)
      tpu.yield
    }) : () -> ()
    %add3A_14 = arith.constant 384 : i32
    %add3A_15 = arith.addi %mul3A_7, %add3A_14 : i32
    "tpu.region"() ({
      %run_scoped3A = tpu.sem_alloc : memref<!tpu.dma_semaphore, #tpu.memory_space<semaphore_mem>>
      %dma_start3A_65 = arith.constant 0 : i32
      %dma_start3A_66 = tpu.memref_slice %arg14[%add3A_15, %dma_start3A_65] : memref<10112x128xf32, #tpu.memory_space<vmem_shared>> -> memref<128x128xf32, #tpu.memory_space<vmem_shared>>
      %dma_start3A_67 = arith.constant 0 : i32
      %dma_start3A_68 = tpu.memref_slice %arg14[%add3A_15, %dma_start3A_67] : memref<10112x128xf32, #tpu.memory_space<vmem_shared>> -> memref<128x128xf32, #tpu.memory_space<vmem_shared>>
      tpu.enqueue_dma source(%arg13 : memref<128x128xf32, #tpu.memory_space<vmem>>) target(%dma_start3A_68 : memref<128x128xf32, #tpu.memory_space<vmem_shared>>) target_semaphore(%run_scoped3A : memref<!tpu.dma_semaphore, #tpu.memory_space<semaphore_mem>>)
      %dma_wait3A_69 = arith.constant 0 : i32
      %dma_wait3A_70 = tpu.memref_slice %arg14[%add3A_15, %dma_wait3A_69] : memref<10112x128xf32, #tpu.memory_space<vmem_shared>> -> memref<128x128xf32, #tpu.memory_space<vmem_shared>>
      %dma_wait3A_71 = arith.constant 0 : i32
      %dma_wait3A_72 = tpu.memref_slice %arg14[%add3A_15, %dma_wait3A_71] : memref<10112x128xf32, #tpu.memory_space<vmem_shared>> -> memref<128x128xf32, #tpu.memory_space<vmem_shared>>
      tpu.wait_dma2 semaphore(%run_scoped3A : memref<!tpu.dma_semaphore, #tpu.memory_space<semaphore_mem>>) src(%arg13 : memref<128x128xf32, #tpu.memory_space<vmem>>) dst(%dma_wait3A_72 : memref<128x128xf32, #tpu.memory_space<vmem_shared>>)
      tpu.yield
    }) : () -> ()
    %add3A_16 = arith.constant 512 : i32
    %add3A_17 = arith.addi %mul3A_7, %add3A_16 : i32
    "tpu.region"() ({
      %run_scoped3A = tpu.sem_alloc : memref<!tpu.dma_semaphore, #tpu.memory_space<semaphore_mem>>
      %dma_start3A_65 = arith.constant 0 : i32
      %dma_start3A_66 = arith.constant 0 : i32
      %dma_start3A_67 = tpu.memref_slice %arg13[%dma_start3A_65, %dma_start3A_66] : memref<128x128xf32, #tpu.memory_space<vmem>> -> memref<120x128xf32, #tpu.memory_space<vmem>>
      %dma_start3A_68 = arith.constant 0 : i32
      %dma_start3A_69 = tpu.memref_slice %arg14[%add3A_17, %dma_start3A_68] : memref<10112x128xf32, #tpu.memory_space<vmem_shared>> -> memref<120x128xf32, #tpu.memory_space<vmem_shared>>
      %dma_start3A_70 = arith.constant 0 : i32
      %dma_start3A_71 = tpu.memref_slice %arg14[%add3A_17, %dma_start3A_70] : memref<10112x128xf32, #tpu.memory_space<vmem_shared>> -> memref<120x128xf32, #tpu.memory_space<vmem_shared>>
      %dma_start3A_72 = arith.constant 0 : i32
      %dma_start3A_73 = arith.constant 0 : i32
      %dma_start3A_74 = tpu.memref_slice %arg13[%dma_start3A_72, %dma_start3A_73] : memref<128x128xf32, #tpu.memory_space<vmem>> -> memref<120x128xf32, #tpu.memory_space<vmem>>
      tpu.enqueue_dma source(%dma_start3A_74 : memref<120x128xf32, #tpu.memory_space<vmem>>) target(%dma_start3A_71 : memref<120x128xf32, #tpu.memory_space<vmem_shared>>) target_semaphore(%run_scoped3A : memref<!tpu.dma_semaphore, #tpu.memory_space<semaphore_mem>>)
      %dma_wait3A_75 = arith.constant 0 : i32
      %dma_wait3A_76 = arith.constant 0 : i32
      %dma_wait3A_77 = tpu.memref_slice %arg13[%dma_wait3A_75, %dma_wait3A_76] : memref<128x128xf32, #tpu.memory_space<vmem>> -> memref<120x128xf32, #tpu.memory_space<vmem>>
      %dma_wait3A_78 = arith.constant 0 : i32
      %dma_wait3A_79 = tpu.memref_slice %arg14[%add3A_17, %dma_wait3A_78] : memref<10112x128xf32, #tpu.memory_space<vmem_shared>> -> memref<120x128xf32, #tpu.memory_space<vmem_shared>>
      %dma_wait3A_80 = arith.constant 0 : i32
      %dma_wait3A_81 = tpu.memref_slice %arg14[%add3A_17, %dma_wait3A_80] : memref<10112x128xf32, #tpu.memory_space<vmem_shared>> -> memref<120x128xf32, #tpu.memory_space<vmem_shared>>
      %dma_wait3A_82 = arith.constant 0 : i32
      %dma_wait3A_83 = arith.constant 0 : i32
      %dma_wait3A_84 = tpu.memref_slice %arg13[%dma_wait3A_82, %dma_wait3A_83] : memref<128x128xf32, #tpu.memory_space<vmem>> -> memref<120x128xf32, #tpu.memory_space<vmem>>
      tpu.wait_dma2 semaphore(%run_scoped3A : memref<!tpu.dma_semaphore, #tpu.memory_space<semaphore_mem>>) src(%dma_wait3A_84 : memref<120x128xf32, #tpu.memory_space<vmem>>) dst(%dma_wait3A_81 : memref<120x128xf32, #tpu.memory_space<vmem_shared>>)
      tpu.yield
    }) : () -> ()
    %barrier3A = arith.constant 0 : index
    tpu.barrier barrier_id(%barrier3A)
    %add3A_18 = arith.constant 0 : i32
    %add3A_19 = arith.addi %add3A_4, %add3A_18 : i32
    %mul3A_20 = arith.constant 128 : i32
    %mul3A_21 = arith.muli %add3A_19, %mul3A_20 : i32
    %dma_start3A = tpu.memref_slice %arg3[%mul3A_21] : memref<320000xi32, #tpu.memory_space<hbm>> -> memref<128xi32, #tpu.memory_space<hbm>>
    %dma_start3A_22 = tpu.memref_slice %arg3[%mul3A_21] : memref<320000xi32, #tpu.memory_space<hbm>> -> memref<128xi32, #tpu.memory_space<hbm>>
    tpu.enqueue_dma source(%dma_start3A_22 : memref<128xi32, #tpu.memory_space<hbm>>) target(%arg7 : memref<128xi32, #tpu.memory_space<vmem>>) target_semaphore(%arg15 : memref<!tpu.dma_semaphore, #tpu.memory_space<semaphore_mem>>)
    %add3A_23 = arith.constant 0 : i32
    %add3A_24 = arith.addi %add3A_4, %add3A_23 : i32
    %mul3A_25 = arith.constant 128 : i32
    %mul3A_26 = arith.muli %add3A_24, %mul3A_25 : i32
    %dma_start3A_27 = tpu.memref_slice %arg4[%mul3A_26] : memref<320000xi32, #tpu.memory_space<hbm>> -> memref<128xi32, #tpu.memory_space<hbm>>
    %dma_start3A_28 = tpu.memref_slice %arg4[%mul3A_26] : memref<320000xi32, #tpu.memory_space<hbm>> -> memref<128xi32, #tpu.memory_space<hbm>>
    tpu.enqueue_dma source(%dma_start3A_28 : memref<128xi32, #tpu.memory_space<hbm>>) target(%arg8 : memref<128xi32, #tpu.memory_space<vmem>>) target_semaphore(%arg15 : memref<!tpu.dma_semaphore, #tpu.memory_space<semaphore_mem>>)
    %add3A_29 = arith.constant 0 : i32
    %add3A_30 = arith.addi %add3A_4, %add3A_29 : i32
    %mul3A_31 = arith.constant 128 : i32
    %mul3A_32 = arith.muli %add3A_30, %mul3A_31 : i32
    %dma_wait3A = tpu.memref_slice %arg3[%mul3A_32] : memref<320000xi32, #tpu.memory_space<hbm>> -> memref<128xi32, #tpu.memory_space<hbm>>
    %dma_wait3A_33 = tpu.memref_slice %arg3[%mul3A_32] : memref<320000xi32, #tpu.memory_space<hbm>> -> memref<128xi32, #tpu.memory_space<hbm>>
    tpu.wait_dma2 semaphore(%arg15 : memref<!tpu.dma_semaphore, #tpu.memory_space<semaphore_mem>>) src(%dma_wait3A_33 : memref<128xi32, #tpu.memory_space<hbm>>) dst(%arg7 : memref<128xi32, #tpu.memory_space<vmem>>)
    %add3A_34 = arith.constant 0 : i32
    %add3A_35 = arith.addi %add3A_4, %add3A_34 : i32
    %mul3A_36 = arith.constant 128 : i32
    %mul3A_37 = arith.muli %add3A_35, %mul3A_36 : i32
    %dma_wait3A_38 = tpu.memref_slice %arg4[%mul3A_37] : memref<320000xi32, #tpu.memory_space<hbm>> -> memref<128xi32, #tpu.memory_space<hbm>>
    %dma_wait3A_39 = tpu.memref_slice %arg4[%mul3A_37] : memref<320000xi32, #tpu.memory_space<hbm>> -> memref<128xi32, #tpu.memory_space<hbm>>
    tpu.wait_dma2 semaphore(%arg15 : memref<!tpu.dma_semaphore, #tpu.memory_space<semaphore_mem>>) src(%dma_wait3A_39 : memref<128xi32, #tpu.memory_space<hbm>>) dst(%arg8 : memref<128xi32, #tpu.memory_space<vmem>>)
    %dma_start3A_40 = arith.constant 0 : i32
    %dma_start3A_41 = arith.constant 0 : i32
    %dma_start3A_42 = tpu.memref_slice %arg2[%dma_start3A_40, %dma_start3A_41] : memref<10112x128xf32, #tpu.memory_space<hbm>> -> memref<10112x128xf32, #tpu.memory_space<hbm>>
    tpu.enqueue_indirect_dma source(%dma_start3A_42 : memref<10112x128xf32, #tpu.memory_space<hbm>>) target(%arg11 : memref<128x128xf32, #tpu.memory_space<vmem>>) offsets(%arg7 : memref<128xi32, #tpu.memory_space<vmem>>) semaphore(%arg17 : memref<!tpu.dma_semaphore, #tpu.memory_space<semaphore_mem>>)
    %add3A_43 = arith.constant 1 : i32
    %add3A_44 = arith.addi %add3A_4, %add3A_43 : i32
    %mul3A_45 = arith.constant 128 : i32
    %mul3A_46 = arith.muli %add3A_44, %mul3A_45 : i32
    %dma_start3A_47 = tpu.memref_slice %arg3[%mul3A_46] : memref<320000xi32, #tpu.memory_space<hbm>> -> memref<128xi32, #tpu.memory_space<hbm>>
    %dma_start3A_48 = tpu.memref_slice %arg3[%mul3A_46] : memref<320000xi32, #tpu.memory_space<hbm>> -> memref<128xi32, #tpu.memory_space<hbm>>
    tpu.enqueue_dma source(%dma_start3A_48 : memref<128xi32, #tpu.memory_space<hbm>>) target(%arg9 : memref<128xi32, #tpu.memory_space<vmem>>) target_semaphore(%arg16 : memref<!tpu.dma_semaphore, #tpu.memory_space<semaphore_mem>>)
    %add3A_49 = arith.constant 1 : i32
    %add3A_50 = arith.addi %add3A_4, %add3A_49 : i32
    %mul3A_51 = arith.constant 128 : i32
    %mul3A_52 = arith.muli %add3A_50, %mul3A_51 : i32
    %dma_start3A_53 = tpu.memref_slice %arg4[%mul3A_52] : memref<320000xi32, #tpu.memory_space<hbm>> -> memref<128xi32, #tpu.memory_space<hbm>>
    %dma_start3A_54 = tpu.memref_slice %arg4[%mul3A_52] : memref<320000xi32, #tpu.memory_space<hbm>> -> memref<128xi32, #tpu.memory_space<hbm>>
    tpu.enqueue_dma source(%dma_start3A_54 : memref<128xi32, #tpu.memory_space<hbm>>) target(%arg10 : memref<128xi32, #tpu.memory_space<vmem>>) target_semaphore(%arg16 : memref<!tpu.dma_semaphore, #tpu.memory_space<semaphore_mem>>)
    %scan3A = arith.constant 0 : i32
    %scan3A_55 = arith.constant 0 : i32
    %scan3A_56 = arith.constant 39 : i32
    %scan3A_57 = arith.addi %scan3A_55, %scan3A_56 : i32
    %scan3A_58 = arith.constant 1 : i32
    scf.for %scan3A_65 = %scan3A_55 to %scan3A_57 step %scan3A_58  : i32 {
      %mul3A_66 = arith.constant 2 : i32
      %mul3A_67 = arith.muli %mul3A_66, %scan3A_65 : i32
      %add3A_68 = arith.constant 1 : i32
      %add3A_69 = arith.addi %mul3A_67, %add3A_68 : i32
      %add3A_70 = arith.addi %add3A_4, %add3A_69 : i32
      %mul3A_71 = arith.constant 128 : i32
      %mul3A_72 = arith.muli %add3A_70, %mul3A_71 : i32
      %dma_wait3A_73 = tpu.memref_slice %arg3[%mul3A_72] : memref<320000xi32, #tpu.memory_space<hbm>> -> memref<128xi32, #tpu.memory_space<hbm>>
      %dma_wait3A_74 = tpu.memref_slice %arg3[%mul3A_72] : memref<320000xi32, #tpu.memory_space<hbm>> -> memref<128xi32, #tpu.memory_space<hbm>>
      tpu.wait_dma2 semaphore(%arg16 : memref<!tpu.dma_semaphore, #tpu.memory_space<semaphore_mem>>) src(%dma_wait3A_74 : memref<128xi32, #tpu.memory_space<hbm>>) dst(%arg9 : memref<128xi32, #tpu.memory_space<vmem>>)
      %add3A_75 = arith.addi %add3A_4, %add3A_69 : i32
      %mul3A_76 = arith.constant 128 : i32
      %mul3A_77 = arith.muli %add3A_75, %mul3A_76 : i32
      %dma_wait3A_78 = tpu.memref_slice %arg4[%mul3A_77] : memref<320000xi32, #tpu.memory_space<hbm>> -> memref<128xi32, #tpu.memory_space<hbm>>
      %dma_wait3A_79 = tpu.memref_slice %arg4[%mul3A_77] : memref<320000xi32, #tpu.memory_space<hbm>> -> memref<128xi32, #tpu.memory_space<hbm>>
      tpu.wait_dma2 semaphore(%arg16 : memref<!tpu.dma_semaphore, #tpu.memory_space<semaphore_mem>>) src(%dma_wait3A_79 : memref<128xi32, #tpu.memory_space<hbm>>) dst(%arg10 : memref<128xi32, #tpu.memory_space<vmem>>)
      %dma_start3A_80 = arith.constant 0 : i32
      %dma_start3A_81 = arith.constant 0 : i32
      %dma_start3A_82 = tpu.memref_slice %arg2[%dma_start3A_80, %dma_start3A_81] : memref<10112x128xf32, #tpu.memory_space<hbm>> -> memref<10112x128xf32, #tpu.memory_space<hbm>>
      tpu.enqueue_indirect_dma source(%dma_start3A_82 : memref<10112x128xf32, #tpu.memory_space<hbm>>) target(%arg12 : memref<128x128xf32, #tpu.memory_space<vmem>>) offsets(%arg9 : memref<128xi32, #tpu.memory_space<vmem>>) semaphore(%arg18 : memref<!tpu.dma_semaphore, #tpu.memory_space<semaphore_mem>>)
      %dma_wait3A_83 = arith.constant 0 : i32
      %dma_wait3A_84 = arith.constant 0 : i32
      %dma_wait3A_85 = tpu.memref_slice %arg2[%dma_wait3A_83, %dma_wait3A_84] : memref<10112x128xf32, #tpu.memory_space<hbm>> -> memref<10112x128xf32, #tpu.memory_space<hbm>>
      tpu.wait_indirect_dma semaphore(%arg17 : memref<!tpu.dma_semaphore, #tpu.memory_space<semaphore_mem>>) src(%dma_wait3A_85 : memref<10112x128xf32, #tpu.memory_space<hbm>>) dst(%arg11 : memref<128x128xf32, #tpu.memory_space<vmem>>)
      "tpu.region"() ({
        %run_scoped3A = tpu.sem_alloc : memref<!tpu.dma_semaphore, #tpu.memory_space<semaphore_mem>>
        %dma_start3A_103 = arith.constant 0 : i32
        %dma_start3A_104 = arith.constant 0 : i32
        %dma_start3A_105 = tpu.memref_slice %arg14[%dma_start3A_103, %dma_start3A_104] : memref<10112x128xf32, #tpu.memory_space<vmem_shared>> -> memref<10112x128xf32, #tpu.memory_space<vmem_shared>>
        tpu.enqueue_indirect_dma source(%arg11 : memref<128x128xf32, #tpu.memory_space<vmem>>) target(%dma_start3A_105 : memref<10112x128xf32, #tpu.memory_space<vmem_shared>>) offsets(%arg8 : memref<128xi32, #tpu.memory_space<vmem>>) semaphore(%run_scoped3A : memref<!tpu.dma_semaphore, #tpu.memory_space<semaphore_mem>>) {add = true}
        %dma_wait3A_106 = arith.constant 0 : i32
        %dma_wait3A_107 = arith.constant 0 : i32
        %dma_wait3A_108 = tpu.memref_slice %arg14[%dma_wait3A_106, %dma_wait3A_107] : memref<10112x128xf32, #tpu.memory_space<vmem_shared>> -> memref<10112x128xf32, #tpu.memory_space<vmem_shared>>
        tpu.wait_indirect_dma semaphore(%run_scoped3A : memref<!tpu.dma_semaphore, #tpu.memory_space<semaphore_mem>>) src(%arg11 : memref<128x128xf32, #tpu.memory_space<vmem>>) dst(%dma_wait3A_108 : memref<10112x128xf32, #tpu.memory_space<vmem_shared>>)
        tpu.yield
      }) : () -> ()
      %add3A_86 = arith.constant 2 : i32
      %add3A_87 = arith.addi %mul3A_67, %add3A_86 : i32
      %lt3A_88 = arith.constant 78 : i32
      %lt3A_89 = arith.cmpi slt, %add3A_87, %lt3A_88 : i32
      %convert_element_type3A_90 = arith.extui %lt3A_89 : i1 to i32
      %cond3A_91 = arith.constant 0 : i32
      %cond3A_92 = arith.cmpi ne, %convert_element_type3A_90, %cond3A_91 : i32
      scf.if %cond3A_92 {
        %add3A_103 = arith.constant 2 : i32
        %add3A_104 = arith.addi %mul3A_67, %add3A_103 : i32
        %add3A_105 = arith.addi %add3A_4, %add3A_104 : i32
        %mul3A_106 = arith.constant 128 : i32
        %mul3A_107 = arith.muli %add3A_105, %mul3A_106 : i32
        %dma_start3A_108 = tpu.memref_slice %arg3[%mul3A_107] : memref<320000xi32, #tpu.memory_space<hbm>> -> memref<128xi32, #tpu.memory_space<hbm>>
        %dma_start3A_109 = tpu.memref_slice %arg3[%mul3A_107] : memref<320000xi32, #tpu.memory_space<hbm>> -> memref<128xi32, #tpu.memory_space<hbm>>
        tpu.enqueue_dma source(%dma_start3A_109 : memref<128xi32, #tpu.memory_space<hbm>>) target(%arg7 : memref<128xi32, #tpu.memory_space<vmem>>) target_semaphore(%arg15 : memref<!tpu.dma_semaphore, #tpu.memory_space<semaphore_mem>>)
        %add3A_110 = arith.addi %add3A_4, %add3A_104 : i32
        %mul3A_111 = arith.constant 128 : i32
        %mul3A_112 = arith.muli %add3A_110, %mul3A_111 : i32
        %dma_start3A_113 = tpu.memref_slice %arg4[%mul3A_112] : memref<320000xi32, #tpu.memory_space<hbm>> -> memref<128xi32, #tpu.memory_space<hbm>>
        %dma_start3A_114 = tpu.memref_slice %arg4[%mul3A_112] : memref<320000xi32, #tpu.memory_space<hbm>> -> memref<128xi32, #tpu.memory_space<hbm>>
        tpu.enqueue_dma source(%dma_start3A_114 : memref<128xi32, #tpu.memory_space<hbm>>) target(%arg8 : memref<128xi32, #tpu.memory_space<vmem>>) target_semaphore(%arg15 : memref<!tpu.dma_semaphore, #tpu.memory_space<semaphore_mem>>)
        %add3A_115 = arith.constant 2 : i32
        %add3A_116 = arith.addi %mul3A_67, %add3A_115 : i32
        %add3A_117 = arith.addi %add3A_4, %add3A_116 : i32
        %mul3A_118 = arith.constant 128 : i32
        %mul3A_119 = arith.muli %add3A_117, %mul3A_118 : i32
        %dma_wait3A_120 = tpu.memref_slice %arg3[%mul3A_119] : memref<320000xi32, #tpu.memory_space<hbm>> -> memref<128xi32, #tpu.memory_space<hbm>>
        %dma_wait3A_121 = tpu.memref_slice %arg3[%mul3A_119] : memref<320000xi32, #tpu.memory_space<hbm>> -> memref<128xi32, #tpu.memory_space<hbm>>
        tpu.wait_dma2 semaphore(%arg15 : memref<!tpu.dma_semaphore, #tpu.memory_space<semaphore_mem>>) src(%dma_wait3A_121 : memref<128xi32, #tpu.memory_space<hbm>>) dst(%arg7 : memref<128xi32, #tpu.memory_space<vmem>>)
        %add3A_122 = arith.addi %add3A_4, %add3A_116 : i32
        %mul3A_123 = arith.constant 128 : i32
        %mul3A_124 = arith.muli %add3A_122, %mul3A_123 : i32
        %dma_wait3A_125 = tpu.memref_slice %arg4[%mul3A_124] : memref<320000xi32, #tpu.memory_space<hbm>> -> memref<128xi32, #tpu.memory_space<hbm>>
        %dma_wait3A_126 = tpu.memref_slice %arg4[%mul3A_124] : memref<320000xi32, #tpu.memory_space<hbm>> -> memref<128xi32, #tpu.memory_space<hbm>>
        tpu.wait_dma2 semaphore(%arg15 : memref<!tpu.dma_semaphore, #tpu.memory_space<semaphore_mem>>) src(%dma_wait3A_126 : memref<128xi32, #tpu.memory_space<hbm>>) dst(%arg8 : memref<128xi32, #tpu.memory_space<vmem>>)
        %dma_start3A_127 = arith.constant 0 : i32
        %dma_start3A_128 = arith.constant 0 : i32
        %dma_start3A_129 = tpu.memref_slice %arg2[%dma_start3A_127, %dma_start3A_128] : memref<10112x128xf32, #tpu.memory_space<hbm>> -> memref<10112x128xf32, #tpu.memory_space<hbm>>
        tpu.enqueue_indirect_dma source(%dma_start3A_129 : memref<10112x128xf32, #tpu.memory_space<hbm>>) target(%arg11 : memref<128x128xf32, #tpu.memory_space<vmem>>) offsets(%arg7 : memref<128xi32, #tpu.memory_space<vmem>>) semaphore(%arg17 : memref<!tpu.dma_semaphore, #tpu.memory_space<semaphore_mem>>)
      } else {
      }
      %dma_wait3A_93 = arith.constant 0 : i32
      %dma_wait3A_94 = arith.constant 0 : i32
      %dma_wait3A_95 = tpu.memref_slice %arg2[%dma_wait3A_93, %dma_wait3A_94] : memref<10112x128xf32, #tpu.memory_space<hbm>> -> memref<10112x128xf32, #tpu.memory_space<hbm>>
      tpu.wait_indirect_dma semaphore(%arg18 : memref<!tpu.dma_semaphore, #tpu.memory_space<semaphore_mem>>) src(%dma_wait3A_95 : memref<10112x128xf32, #tpu.memory_space<hbm>>) dst(%arg12 : memref<128x128xf32, #tpu.memory_space<vmem>>)
      "tpu.region"() ({
        %run_scoped3A = tpu.sem_alloc : memref<!tpu.dma_semaphore, #tpu.memory_space<semaphore_mem>>
        %dma_start3A_103 = arith.constant 0 : i32
        %dma_start3A_104 = arith.constant 0 : i32
        %dma_start3A_105 = tpu.memref_slice %arg14[%dma_start3A_103, %dma_start3A_104] : memref<10112x128xf32, #tpu.memory_space<vmem_shared>> -> memref<10112x128xf32, #tpu.memory_space<vmem_shared>>
        tpu.enqueue_indirect_dma source(%arg12 : memref<128x128xf32, #tpu.memory_space<vmem>>) target(%dma_start3A_105 : memref<10112x128xf32, #tpu.memory_space<vmem_shared>>) offsets(%arg10 : memref<128xi32, #tpu.memory_space<vmem>>) semaphore(%run_scoped3A : memref<!tpu.dma_semaphore, #tpu.memory_space<semaphore_mem>>) {add = true}
        %dma_wait3A_106 = arith.constant 0 : i32
        %dma_wait3A_107 = arith.constant 0 : i32
        %dma_wait3A_108 = tpu.memref_slice %arg14[%dma_wait3A_106, %dma_wait3A_107] : memref<10112x128xf32, #tpu.memory_space<vmem_shared>> -> memref<10112x128xf32, #tpu.memory_space<vmem_shared>>
        tpu.wait_indirect_dma semaphore(%run_scoped3A : memref<!tpu.dma_semaphore, #tpu.memory_space<semaphore_mem>>) src(%arg12 : memref<128x128xf32, #tpu.memory_space<vmem>>) dst(%dma_wait3A_108 : memref<10112x128xf32, #tpu.memory_space<vmem_shared>>)
        tpu.yield
      }) : () -> ()
      %add3A_96 = arith.constant 3 : i32
      %add3A_97 = arith.addi %mul3A_67, %add3A_96 : i32
      %lt3A_98 = arith.constant 78 : i32
      %lt3A_99 = arith.cmpi slt, %add3A_97, %lt3A_98 : i32
      %convert_element_type3A_100 = arith.extui %lt3A_99 : i1 to i32
      %cond3A_101 = arith.constant 0 : i32
      %cond3A_102 = arith.cmpi ne, %convert_element_type3A_100, %cond3A_101 : i32
      scf.if %cond3A_102 {
        %add3A_103 = arith.constant 3 : i32
        %add3A_104 = arith.addi %mul3A_67, %add3A_103 : i32
        %add3A_105 = arith.addi %add3A_4, %add3A_104 : i32
        %mul3A_106 = arith.constant 128 : i32
        %mul3A_107 = arith.muli %add3A_105, %mul3A_106 : i32
        %dma_start3A_108 = tpu.memref_slice %arg3[%mul3A_107] : memref<320000xi32, #tpu.memory_space<hbm>> -> memref<128xi32, #tpu.memory_space<hbm>>
        %dma_start3A_109 = tpu.memref_slice %arg3[%mul3A_107] : memref<320000xi32, #tpu.memory_space<hbm>> -> memref<128xi32, #tpu.memory_space<hbm>>
        tpu.enqueue_dma source(%dma_start3A_109 : memref<128xi32, #tpu.memory_space<hbm>>) target(%arg9 : memref<128xi32, #tpu.memory_space<vmem>>) target_semaphore(%arg16 : memref<!tpu.dma_semaphore, #tpu.memory_space<semaphore_mem>>)
        %add3A_110 = arith.addi %add3A_4, %add3A_104 : i32
        %mul3A_111 = arith.constant 128 : i32
        %mul3A_112 = arith.muli %add3A_110, %mul3A_111 : i32
        %dma_start3A_113 = tpu.memref_slice %arg4[%mul3A_112] : memref<320000xi32, #tpu.memory_space<hbm>> -> memref<128xi32, #tpu.memory_space<hbm>>
        %dma_start3A_114 = tpu.memref_slice %arg4[%mul3A_112] : memref<320000xi32, #tpu.memory_space<hbm>> -> memref<128xi32, #tpu.memory_space<hbm>>
        tpu.enqueue_dma source(%dma_start3A_114 : memref<128xi32, #tpu.memory_space<hbm>>) target(%arg10 : memref<128xi32, #tpu.memory_space<vmem>>) target_semaphore(%arg16 : memref<!tpu.dma_semaphore, #tpu.memory_space<semaphore_mem>>)
      } else {
      }
    }
    %scan3A_59 = arith.constant 39 : i32
    %convert_element_type3A = arith.extui %lt3A_5 : i1 to i32
    %cond3A = arith.constant 0 : i32
    %cond3A_60 = arith.cmpi ne, %convert_element_type3A, %cond3A : i32
    scf.if %cond3A_60 {
      %add3A_65 = arith.constant 78 : i32
      %add3A_66 = arith.addi %add3A_4, %add3A_65 : i32
      %mul3A_67 = arith.constant 128 : i32
      %mul3A_68 = arith.muli %add3A_66, %mul3A_67 : i32
      %dma_start3A_69 = tpu.memref_slice %arg3[%mul3A_68] : memref<320000xi32, #tpu.memory_space<hbm>> -> memref<128xi32, #tpu.memory_space<hbm>>
      %dma_start3A_70 = tpu.memref_slice %arg3[%mul3A_68] : memref<320000xi32, #tpu.memory_space<hbm>> -> memref<128xi32, #tpu.memory_space<hbm>>
      tpu.enqueue_dma source(%dma_start3A_70 : memref<128xi32, #tpu.memory_space<hbm>>) target(%arg7 : memref<128xi32, #tpu.memory_space<vmem>>) target_semaphore(%arg15 : memref<!tpu.dma_semaphore, #tpu.memory_space<semaphore_mem>>)
      %add3A_71 = arith.constant 78 : i32
      %add3A_72 = arith.addi %add3A_4, %add3A_71 : i32
      %mul3A_73 = arith.constant 128 : i32
      %mul3A_74 = arith.muli %add3A_72, %mul3A_73 : i32
      %dma_start3A_75 = tpu.memref_slice %arg4[%mul3A_74] : memref<320000xi32, #tpu.memory_space<hbm>> -> memref<128xi32, #tpu.memory_space<hbm>>
      %dma_start3A_76 = tpu.memref_slice %arg4[%mul3A_74] : memref<320000xi32, #tpu.memory_space<hbm>> -> memref<128xi32, #tpu.memory_space<hbm>>
      tpu.enqueue_dma source(%dma_start3A_76 : memref<128xi32, #tpu.memory_space<hbm>>) target(%arg8 : memref<128xi32, #tpu.memory_space<vmem>>) target_semaphore(%arg15 : memref<!tpu.dma_semaphore, #tpu.memory_space<semaphore_mem>>)
      %add3A_77 = arith.constant 78 : i32
      %add3A_78 = arith.addi %add3A_4, %add3A_77 : i32
      %mul3A_79 = arith.constant 128 : i32
      %mul3A_80 = arith.muli %add3A_78, %mul3A_79 : i32
      %dma_wait3A_81 = tpu.memref_slice %arg3[%mul3A_80] : memref<320000xi32, #tpu.memory_space<hbm>> -> memref<128xi32, #tpu.memory_space<hbm>>
      %dma_wait3A_82 = tpu.memref_slice %arg3[%mul3A_80] : memref<320000xi32, #tpu.memory_space<hbm>> -> memref<128xi32, #tpu.memory_space<hbm>>
      tpu.wait_dma2 semaphore(%arg15 : memref<!tpu.dma_semaphore, #tpu.memory_space<semaphore_mem>>) src(%dma_wait3A_82 : memref<128xi32, #tpu.memory_space<hbm>>) dst(%arg7 : memref<128xi32, #tpu.memory_space<vmem>>)
      %add3A_83 = arith.constant 78 : i32
      %add3A_84 = arith.addi %add3A_4, %add3A_83 : i32
      %mul3A_85 = arith.constant 128 : i32
      %mul3A_86 = arith.muli %add3A_84, %mul3A_85 : i32
      %dma_wait3A_87 = tpu.memref_slice %arg4[%mul3A_86] : memref<320000xi32, #tpu.memory_space<hbm>> -> memref<128xi32, #tpu.memory_space<hbm>>
      %dma_wait3A_88 = tpu.memref_slice %arg4[%mul3A_86] : memref<320000xi32, #tpu.memory_space<hbm>> -> memref<128xi32, #tpu.memory_space<hbm>>
      tpu.wait_dma2 semaphore(%arg15 : memref<!tpu.dma_semaphore, #tpu.memory_space<semaphore_mem>>) src(%dma_wait3A_88 : memref<128xi32, #tpu.memory_space<hbm>>) dst(%arg8 : memref<128xi32, #tpu.memory_space<vmem>>)
      %dma_start3A_89 = arith.constant 0 : i32
      %dma_start3A_90 = arith.constant 0 : i32
      %dma_start3A_91 = tpu.memref_slice %arg2[%dma_start3A_89, %dma_start3A_90] : memref<10112x128xf32, #tpu.memory_space<hbm>> -> memref<10112x128xf32, #tpu.memory_space<hbm>>
      tpu.enqueue_indirect_dma source(%dma_start3A_91 : memref<10112x128xf32, #tpu.memory_space<hbm>>) target(%arg11 : memref<128x128xf32, #tpu.memory_space<vmem>>) offsets(%arg7 : memref<128xi32, #tpu.memory_space<vmem>>) semaphore(%arg17 : memref<!tpu.dma_semaphore, #tpu.memory_space<semaphore_mem>>)
      %dma_wait3A_92 = arith.constant 0 : i32
      %dma_wait3A_93 = arith.constant 0 : i32
      %dma_wait3A_94 = tpu.memref_slice %arg2[%dma_wait3A_92, %dma_wait3A_93] : memref<10112x128xf32, #tpu.memory_space<hbm>> -> memref<10112x128xf32, #tpu.memory_space<hbm>>
      tpu.wait_indirect_dma semaphore(%arg17 : memref<!tpu.dma_semaphore, #tpu.memory_space<semaphore_mem>>) src(%dma_wait3A_94 : memref<10112x128xf32, #tpu.memory_space<hbm>>) dst(%arg11 : memref<128x128xf32, #tpu.memory_space<vmem>>)
      "tpu.region"() ({
        %run_scoped3A = tpu.sem_alloc : memref<!tpu.dma_semaphore, #tpu.memory_space<semaphore_mem>>
        %dma_start3A_95 = arith.constant 0 : i32
        %dma_start3A_96 = arith.constant 0 : i32
        %dma_start3A_97 = tpu.memref_slice %arg14[%dma_start3A_95, %dma_start3A_96] : memref<10112x128xf32, #tpu.memory_space<vmem_shared>> -> memref<10112x128xf32, #tpu.memory_space<vmem_shared>>
        tpu.enqueue_indirect_dma source(%arg11 : memref<128x128xf32, #tpu.memory_space<vmem>>) target(%dma_start3A_97 : memref<10112x128xf32, #tpu.memory_space<vmem_shared>>) offsets(%arg8 : memref<128xi32, #tpu.memory_space<vmem>>) semaphore(%run_scoped3A : memref<!tpu.dma_semaphore, #tpu.memory_space<semaphore_mem>>) {add = true}
        %dma_wait3A_98 = arith.constant 0 : i32
        %dma_wait3A_99 = arith.constant 0 : i32
        %dma_wait3A_100 = tpu.memref_slice %arg14[%dma_wait3A_98, %dma_wait3A_99] : memref<10112x128xf32, #tpu.memory_space<vmem_shared>> -> memref<10112x128xf32, #tpu.memory_space<vmem_shared>>
        tpu.wait_indirect_dma semaphore(%run_scoped3A : memref<!tpu.dma_semaphore, #tpu.memory_space<semaphore_mem>>) src(%arg11 : memref<128x128xf32, #tpu.memory_space<vmem>>) dst(%dma_wait3A_100 : memref<10112x128xf32, #tpu.memory_space<vmem_shared>>)
        tpu.yield
      }) : () -> ()
    } else {
    }
    %barrier3A_61 = arith.constant 0 : index
    tpu.barrier barrier_id(%barrier3A_61)
    %mul3A_62 = arith.constant 10112 : i32
    %mul3A_63 = arith.muli %arg0, %mul3A_62 : i32
    %add3A_64 = arith.addi %mul3A_63, %mul3A_7 : i32
    "tpu.region"() ({
      %run_scoped3A = tpu.sem_alloc : memref<!tpu.dma_semaphore, #tpu.memory_space<semaphore_mem>>
      %dma_start3A_65 = arith.constant 0 : i32
      %dma_start3A_66 = tpu.memref_slice %arg6[%add3A_64, %dma_start3A_65] : memref<20224x128xf32, #tpu.memory_space<hbm>> -> memref<632x128xf32, #tpu.memory_space<hbm>>
      %dma_start3A_67 = arith.constant 0 : i32
      %dma_start3A_68 = tpu.memref_slice %arg14[%mul3A_7, %dma_start3A_67] : memref<10112x128xf32, #tpu.memory_space<vmem_shared>> -> memref<632x128xf32, #tpu.memory_space<vmem_shared>>
      tpu.enqueue_dma source(%dma_start3A_68 : memref<632x128xf32, #tpu.memory_space<vmem_shared>>) target(%dma_start3A_66 : memref<632x128xf32, #tpu.memory_space<hbm>>) target_semaphore(%run_scoped3A : memref<!tpu.dma_semaphore, #tpu.memory_space<semaphore_mem>>)
      %dma_wait3A_69 = arith.constant 0 : i32
      %dma_wait3A_70 = tpu.memref_slice %arg6[%add3A_64, %dma_wait3A_69] : memref<20224x128xf32, #tpu.memory_space<hbm>> -> memref<632x128xf32, #tpu.memory_space<hbm>>
      %dma_wait3A_71 = arith.constant 0 : i32
      %dma_wait3A_72 = tpu.memref_slice %arg14[%mul3A_7, %dma_wait3A_71] : memref<10112x128xf32, #tpu.memory_space<vmem_shared>> -> memref<632x128xf32, #tpu.memory_space<vmem_shared>>
      tpu.wait_dma2 semaphore(%run_scoped3A : memref<!tpu.dma_semaphore, #tpu.memory_space<semaphore_mem>>) src(%dma_wait3A_72 : memref<632x128xf32, #tpu.memory_space<vmem_shared>>) dst(%dma_wait3A_70 : memref<632x128xf32, #tpu.memory_space<hbm>>)
      tpu.yield
    }) : () -> ()
    return
  }
}

#map = affine_map<(d0, d1) -> (0, 0)>
#map1 = affine_map<(d0, d1) -> (0)>
module attributes {stable_mosaic.version = 14 : i64} {
  func.func @agg_kernel(%arg0: i32, %arg1: i32, %arg2: memref<10112x128xf32, #tpu.memory_space<hbm>>, %arg3: memref<320000xi32, #tpu.memory_space<hbm>>, %arg4: memref<320000xi32, #tpu.memory_space<hbm>>, %arg5: memref<128x128xf32, #tpu.memory_space<hbm>>, %arg6: memref<20224x128xf32, #tpu.memory_space<hbm>>, %arg7: memref<128xi32, #tpu.memory_space<vmem>>, %arg8: memref<128xi32, #tpu.memory_space<vmem>>, %arg9: memref<128xi32, #tpu.memory_space<vmem>>, %arg10: memref<128xi32, #tpu.memory_space<vmem>>, %arg11: memref<128x128xf32, #tpu.memory_space<vmem>>, %arg12: memref<128x128xf32, #tpu.memory_space<vmem>>, %arg13: memref<128x128xf32, #tpu.memory_space<vmem>>, %arg14: memref<10112x128xf32, #tpu.memory_space<vmem_shared>>, %arg15: memref<!tpu.dma_semaphore, #tpu.memory_space<semaphore_mem>>, %arg16: memref<!tpu.dma_semaphore, #tpu.memory_space<semaphore_mem>>, %arg17: memref<!tpu.dma_semaphore, #tpu.memory_space<semaphore_mem>>, %arg18: memref<!tpu.dma_semaphore, #tpu.memory_space<semaphore_mem>>) attributes {dimension_semantics = [#tpu.dimension_semantics<core_parallel>, #tpu.dimension_semantics<subcore_parallel>], iteration_bounds = array<i64: 2, 16>, scalar_prefetch = 0 : i64, scratch_operands = 12 : i64, tpu.core_type = #tpu.core_type<sc_vector_subcore>, window_params = [{transform_indices = #map}, {transform_indices = #map1}, {transform_indices = #map1}, {transform_indices = #map}, {transform_indices = #map}]} {
    %mul3A = arith.constant 16 : i32
    %mul3A_0 = arith.muli %arg0, %mul3A : i32
    %add3A = arith.addi %mul3A_0, %arg1 : i32
    %mul3A_1 = arith.constant 78 : i32
    %mul3A_2 = arith.muli %add3A, %mul3A_1 : i32
    %min3A = arith.constant 4 : i32
    %min3A_3 = arith.minsi %add3A, %min3A : i32
    %add3A_4 = arith.addi %mul3A_2, %min3A_3 : i32
    %lt3A = arith.constant 4 : i32
    %lt3A_5 = arith.cmpi slt, %add3A, %lt3A : i32
    %mul3A_6 = arith.constant 632 : i32
    %mul3A_7 = arith.muli %arg1, %mul3A_6 : i32
    "tpu.region"() ({
      %run_scoped3A = tpu.sem_alloc : memref<!tpu.dma_semaphore, #tpu.memory_space<semaphore_mem>>
      tpu.enqueue_dma source(%arg5 : memref<128x128xf32, #tpu.memory_space<hbm>>) target(%arg13 : memref<128x128xf32, #tpu.memory_space<vmem>>) target_semaphore(%run_scoped3A : memref<!tpu.dma_semaphore, #tpu.memory_space<semaphore_mem>>)
      tpu.wait_dma2 semaphore(%run_scoped3A : memref<!tpu.dma_semaphore, #tpu.memory_space<semaphore_mem>>) src(%arg5 : memref<128x128xf32, #tpu.memory_space<hbm>>) dst(%arg13 : memref<128x128xf32, #tpu.memory_space<vmem>>)
      tpu.yield
    }) : () -> ()
    %add3A_8 = arith.constant 0 : i32
    %add3A_9 = arith.addi %mul3A_7, %add3A_8 : i32
    "tpu.region"() ({
      %run_scoped3A = tpu.sem_alloc : memref<!tpu.dma_semaphore, #tpu.memory_space<semaphore_mem>>
      %dma_start3A_65 = arith.constant 0 : i32
      %dma_start3A_66 = tpu.memref_slice %arg14[%add3A_9, %dma_start3A_65] : memref<10112x128xf32, #tpu.memory_space<vmem_shared>> -> memref<128x128xf32, #tpu.memory_space<vmem_shared>>
      %dma_start3A_67 = arith.constant 0 : i32
      %dma_start3A_68 = tpu.memref_slice %arg14[%add3A_9, %dma_start3A_67] : memref<10112x128xf32, #tpu.memory_space<vmem_shared>> -> memref<128x128xf32, #tpu.memory_space<vmem_shared>>
      tpu.enqueue_dma source(%arg13 : memref<128x128xf32, #tpu.memory_space<vmem>>) target(%dma_start3A_68 : memref<128x128xf32, #tpu.memory_space<vmem_shared>>) target_semaphore(%run_scoped3A : memref<!tpu.dma_semaphore, #tpu.memory_space<semaphore_mem>>)
      %dma_wait3A_69 = arith.constant 0 : i32
      %dma_wait3A_70 = tpu.memref_slice %arg14[%add3A_9, %dma_wait3A_69] : memref<10112x128xf32, #tpu.memory_space<vmem_shared>> -> memref<128x128xf32, #tpu.memory_space<vmem_shared>>
      %dma_wait3A_71 = arith.constant 0 : i32
      %dma_wait3A_72 = tpu.memref_slice %arg14[%add3A_9, %dma_wait3A_71] : memref<10112x128xf32, #tpu.memory_space<vmem_shared>> -> memref<128x128xf32, #tpu.memory_space<vmem_shared>>
      tpu.wait_dma2 semaphore(%run_scoped3A : memref<!tpu.dma_semaphore, #tpu.memory_space<semaphore_mem>>) src(%arg13 : memref<128x128xf32, #tpu.memory_space<vmem>>) dst(%dma_wait3A_72 : memref<128x128xf32, #tpu.memory_space<vmem_shared>>)
      tpu.yield
    }) : () -> ()
    %add3A_10 = arith.constant 128 : i32
    %add3A_11 = arith.addi %mul3A_7, %add3A_10 : i32
    "tpu.region"() ({
      %run_scoped3A = tpu.sem_alloc : memref<!tpu.dma_semaphore, #tpu.memory_space<semaphore_mem>>
      %dma_start3A_65 = arith.constant 0 : i32
      %dma_start3A_66 = tpu.memref_slice %arg14[%add3A_11, %dma_start3A_65] : memref<10112x128xf32, #tpu.memory_space<vmem_shared>> -> memref<128x128xf32, #tpu.memory_space<vmem_shared>>
      %dma_start3A_67 = arith.constant 0 : i32
      %dma_start3A_68 = tpu.memref_slice %arg14[%add3A_11, %dma_start3A_67] : memref<10112x128xf32, #tpu.memory_space<vmem_shared>> -> memref<128x128xf32, #tpu.memory_space<vmem_shared>>
      tpu.enqueue_dma source(%arg13 : memref<128x128xf32, #tpu.memory_space<vmem>>) target(%dma_start3A_68 : memref<128x128xf32, #tpu.memory_space<vmem_shared>>) target_semaphore(%run_scoped3A : memref<!tpu.dma_semaphore, #tpu.memory_space<semaphore_mem>>)
      %dma_wait3A_69 = arith.constant 0 : i32
      %dma_wait3A_70 = tpu.memref_slice %arg14[%add3A_11, %dma_wait3A_69] : memref<10112x128xf32, #tpu.memory_space<vmem_shared>> -> memref<128x128xf32, #tpu.memory_space<vmem_shared>>
      %dma_wait3A_71 = arith.constant 0 : i32
      %dma_wait3A_72 = tpu.memref_slice %arg14[%add3A_11, %dma_wait3A_71] : memref<10112x128xf32, #tpu.memory_space<vmem_shared>> -> memref<128x128xf32, #tpu.memory_space<vmem_shared>>
      tpu.wait_dma2 semaphore(%run_scoped3A : memref<!tpu.dma_semaphore, #tpu.memory_space<semaphore_mem>>) src(%arg13 : memref<128x128xf32, #tpu.memory_space<vmem>>) dst(%dma_wait3A_72 : memref<128x128xf32, #tpu.memory_space<vmem_shared>>)
      tpu.yield
    }) : () -> ()
    %add3A_12 = arith.constant 256 : i32
    %add3A_13 = arith.addi %mul3A_7, %add3A_12 : i32
    "tpu.region"() ({
      %run_scoped3A = tpu.sem_alloc : memref<!tpu.dma_semaphore, #tpu.memory_space<semaphore_mem>>
      %dma_start3A_65 = arith.constant 0 : i32
      %dma_start3A_66 = tpu.memref_slice %arg14[%add3A_13, %dma_start3A_65] : memref<10112x128xf32, #tpu.memory_space<vmem_shared>> -> memref<128x128xf32, #tpu.memory_space<vmem_shared>>
      %dma_start3A_67 = arith.constant 0 : i32
      %dma_start3A_68 = tpu.memref_slice %arg14[%add3A_13, %dma_start3A_67] : memref<10112x128xf32, #tpu.memory_space<vmem_shared>> -> memref<128x128xf32, #tpu.memory_space<vmem_shared>>
      tpu.enqueue_dma source(%arg13 : memref<128x128xf32, #tpu.memory_space<vmem>>) target(%dma_start3A_68 : memref<128x128xf32, #tpu.memory_space<vmem_shared>>) target_semaphore(%run_scoped3A : memref<!tpu.dma_semaphore, #tpu.memory_space<semaphore_mem>>)
      %dma_wait3A_69 = arith.constant 0 : i32
      %dma_wait3A_70 = tpu.memref_slice %arg14[%add3A_13, %dma_wait3A_69] : memref<10112x128xf32, #tpu.memory_space<vmem_shared>> -> memref<128x128xf32, #tpu.memory_space<vmem_shared>>
      %dma_wait3A_71 = arith.constant 0 : i32
      %dma_wait3A_72 = tpu.memref_slice %arg14[%add3A_13, %dma_wait3A_71] : memref<10112x128xf32, #tpu.memory_space<vmem_shared>> -> memref<128x128xf32, #tpu.memory_space<vmem_shared>>
      tpu.wait_dma2 semaphore(%run_scoped3A : memref<!tpu.dma_semaphore, #tpu.memory_space<semaphore_mem>>) src(%arg13 : memref<128x128xf32, #tpu.memory_space<vmem>>) dst(%dma_wait3A_72 : memref<128x128xf32, #tpu.memory_space<vmem_shared>>)
      tpu.yield
    }) : () -> ()
    %add3A_14 = arith.constant 384 : i32
    %add3A_15 = arith.addi %mul3A_7, %add3A_14 : i32
    "tpu.region"() ({
      %run_scoped3A = tpu.sem_alloc : memref<!tpu.dma_semaphore, #tpu.memory_space<semaphore_mem>>
      %dma_start3A_65 = arith.constant 0 : i32
      %dma_start3A_66 = tpu.memref_slice %arg14[%add3A_15, %dma_start3A_65] : memref<10112x128xf32, #tpu.memory_space<vmem_shared>> -> memref<128x128xf32, #tpu.memory_space<vmem_shared>>
      %dma_start3A_67 = arith.constant 0 : i32
      %dma_start3A_68 = tpu.memref_slice %arg14[%add3A_15, %dma_start3A_67] : memref<10112x128xf32, #tpu.memory_space<vmem_shared>> -> memref<128x128xf32, #tpu.memory_space<vmem_shared>>
      tpu.enqueue_dma source(%arg13 : memref<128x128xf32, #tpu.memory_space<vmem>>) target(%dma_start3A_68 : memref<128x128xf32, #tpu.memory_space<vmem_shared>>) target_semaphore(%run_scoped3A : memref<!tpu.dma_semaphore, #tpu.memory_space<semaphore_mem>>)
      %dma_wait3A_69 = arith.constant 0 : i32
      %dma_wait3A_70 = tpu.memref_slice %arg14[%add3A_15, %dma_wait3A_69] : memref<10112x128xf32, #tpu.memory_space<vmem_shared>> -> memref<128x128xf32, #tpu.memory_space<vmem_shared>>
      %dma_wait3A_71 = arith.constant 0 : i32
      %dma_wait3A_72 = tpu.memref_slice %arg14[%add3A_15, %dma_wait3A_71] : memref<10112x128xf32, #tpu.memory_space<vmem_shared>> -> memref<128x128xf32, #tpu.memory_space<vmem_shared>>
      tpu.wait_dma2 semaphore(%run_scoped3A : memref<!tpu.dma_semaphore, #tpu.memory_space<semaphore_mem>>) src(%arg13 : memref<128x128xf32, #tpu.memory_space<vmem>>) dst(%dma_wait3A_72 : memref<128x128xf32, #tpu.memory_space<vmem_shared>>)
      tpu.yield
    }) : () -> ()
    %add3A_16 = arith.constant 512 : i32
    %add3A_17 = arith.addi %mul3A_7, %add3A_16 : i32
    "tpu.region"() ({
      %run_scoped3A = tpu.sem_alloc : memref<!tpu.dma_semaphore, #tpu.memory_space<semaphore_mem>>
      %dma_start3A_65 = arith.constant 0 : i32
      %dma_start3A_66 = arith.constant 0 : i32
      %dma_start3A_67 = tpu.memref_slice %arg13[%dma_start3A_65, %dma_start3A_66] : memref<128x128xf32, #tpu.memory_space<vmem>> -> memref<120x128xf32, #tpu.memory_space<vmem>>
      %dma_start3A_68 = arith.constant 0 : i32
      %dma_start3A_69 = tpu.memref_slice %arg14[%add3A_17, %dma_start3A_68] : memref<10112x128xf32, #tpu.memory_space<vmem_shared>> -> memref<120x128xf32, #tpu.memory_space<vmem_shared>>
      %dma_start3A_70 = arith.constant 0 : i32
      %dma_start3A_71 = tpu.memref_slice %arg14[%add3A_17, %dma_start3A_70] : memref<10112x128xf32, #tpu.memory_space<vmem_shared>> -> memref<120x128xf32, #tpu.memory_space<vmem_shared>>
      %dma_start3A_72 = arith.constant 0 : i32
      %dma_start3A_73 = arith.constant 0 : i32
      %dma_start3A_74 = tpu.memref_slice %arg13[%dma_start3A_72, %dma_start3A_73] : memref<128x128xf32, #tpu.memory_space<vmem>> -> memref<120x128xf32, #tpu.memory_space<vmem>>
      tpu.enqueue_dma source(%dma_start3A_74 : memref<120x128xf32, #tpu.memory_space<vmem>>) target(%dma_start3A_71 : memref<120x128xf32, #tpu.memory_space<vmem_shared>>) target_semaphore(%run_scoped3A : memref<!tpu.dma_semaphore, #tpu.memory_space<semaphore_mem>>)
      %dma_wait3A_75 = arith.constant 0 : i32
      %dma_wait3A_76 = arith.constant 0 : i32
      %dma_wait3A_77 = tpu.memref_slice %arg13[%dma_wait3A_75, %dma_wait3A_76] : memref<128x128xf32, #tpu.memory_space<vmem>> -> memref<120x128xf32, #tpu.memory_space<vmem>>
      %dma_wait3A_78 = arith.constant 0 : i32
      %dma_wait3A_79 = tpu.memref_slice %arg14[%add3A_17, %dma_wait3A_78] : memref<10112x128xf32, #tpu.memory_space<vmem_shared>> -> memref<120x128xf32, #tpu.memory_space<vmem_shared>>
      %dma_wait3A_80 = arith.constant 0 : i32
      %dma_wait3A_81 = tpu.memref_slice %arg14[%add3A_17, %dma_wait3A_80] : memref<10112x128xf32, #tpu.memory_space<vmem_shared>> -> memref<120x128xf32, #tpu.memory_space<vmem_shared>>
      %dma_wait3A_82 = arith.constant 0 : i32
      %dma_wait3A_83 = arith.constant 0 : i32
      %dma_wait3A_84 = tpu.memref_slice %arg13[%dma_wait3A_82, %dma_wait3A_83] : memref<128x128xf32, #tpu.memory_space<vmem>> -> memref<120x128xf32, #tpu.memory_space<vmem>>
      tpu.wait_dma2 semaphore(%run_scoped3A : memref<!tpu.dma_semaphore, #tpu.memory_space<semaphore_mem>>) src(%dma_wait3A_84 : memref<120x128xf32, #tpu.memory_space<vmem>>) dst(%dma_wait3A_81 : memref<120x128xf32, #tpu.memory_space<vmem_shared>>)
      tpu.yield
    }) : () -> ()
    %barrier3A = arith.constant 0 : index
    tpu.barrier barrier_id(%barrier3A)
    %add3A_18 = arith.constant 0 : i32
    %add3A_19 = arith.addi %add3A_4, %add3A_18 : i32
    %mul3A_20 = arith.constant 128 : i32
    %mul3A_21 = arith.muli %add3A_19, %mul3A_20 : i32
    %dma_start3A = tpu.memref_slice %arg3[%mul3A_21] : memref<320000xi32, #tpu.memory_space<hbm>> -> memref<128xi32, #tpu.memory_space<hbm>>
    %dma_start3A_22 = tpu.memref_slice %arg3[%mul3A_21] : memref<320000xi32, #tpu.memory_space<hbm>> -> memref<128xi32, #tpu.memory_space<hbm>>
    tpu.enqueue_dma source(%dma_start3A_22 : memref<128xi32, #tpu.memory_space<hbm>>) target(%arg7 : memref<128xi32, #tpu.memory_space<vmem>>) target_semaphore(%arg15 : memref<!tpu.dma_semaphore, #tpu.memory_space<semaphore_mem>>)
    %add3A_23 = arith.constant 0 : i32
    %add3A_24 = arith.addi %add3A_4, %add3A_23 : i32
    %mul3A_25 = arith.constant 128 : i32
    %mul3A_26 = arith.muli %add3A_24, %mul3A_25 : i32
    %dma_start3A_27 = tpu.memref_slice %arg4[%mul3A_26] : memref<320000xi32, #tpu.memory_space<hbm>> -> memref<128xi32, #tpu.memory_space<hbm>>
    %dma_start3A_28 = tpu.memref_slice %arg4[%mul3A_26] : memref<320000xi32, #tpu.memory_space<hbm>> -> memref<128xi32, #tpu.memory_space<hbm>>
    tpu.enqueue_dma source(%dma_start3A_28 : memref<128xi32, #tpu.memory_space<hbm>>) target(%arg8 : memref<128xi32, #tpu.memory_space<vmem>>) target_semaphore(%arg15 : memref<!tpu.dma_semaphore, #tpu.memory_space<semaphore_mem>>)
    %add3A_29 = arith.constant 0 : i32
    %add3A_30 = arith.addi %add3A_4, %add3A_29 : i32
    %mul3A_31 = arith.constant 128 : i32
    %mul3A_32 = arith.muli %add3A_30, %mul3A_31 : i32
    %dma_wait3A = tpu.memref_slice %arg3[%mul3A_32] : memref<320000xi32, #tpu.memory_space<hbm>> -> memref<128xi32, #tpu.memory_space<hbm>>
    %dma_wait3A_33 = tpu.memref_slice %arg3[%mul3A_32] : memref<320000xi32, #tpu.memory_space<hbm>> -> memref<128xi32, #tpu.memory_space<hbm>>
    tpu.wait_dma2 semaphore(%arg15 : memref<!tpu.dma_semaphore, #tpu.memory_space<semaphore_mem>>) src(%dma_wait3A_33 : memref<128xi32, #tpu.memory_space<hbm>>) dst(%arg7 : memref<128xi32, #tpu.memory_space<vmem>>)
    %add3A_34 = arith.constant 0 : i32
    %add3A_35 = arith.addi %add3A_4, %add3A_34 : i32
    %mul3A_36 = arith.constant 128 : i32
    %mul3A_37 = arith.muli %add3A_35, %mul3A_36 : i32
    %dma_wait3A_38 = tpu.memref_slice %arg4[%mul3A_37] : memref<320000xi32, #tpu.memory_space<hbm>> -> memref<128xi32, #tpu.memory_space<hbm>>
    %dma_wait3A_39 = tpu.memref_slice %arg4[%mul3A_37] : memref<320000xi32, #tpu.memory_space<hbm>> -> memref<128xi32, #tpu.memory_space<hbm>>
    tpu.wait_dma2 semaphore(%arg15 : memref<!tpu.dma_semaphore, #tpu.memory_space<semaphore_mem>>) src(%dma_wait3A_39 : memref<128xi32, #tpu.memory_space<hbm>>) dst(%arg8 : memref<128xi32, #tpu.memory_space<vmem>>)
    %dma_start3A_40 = arith.constant 0 : i32
    %dma_start3A_41 = arith.constant 0 : i32
    %dma_start3A_42 = tpu.memref_slice %arg2[%dma_start3A_40, %dma_start3A_41] : memref<10112x128xf32, #tpu.memory_space<hbm>> -> memref<10112x128xf32, #tpu.memory_space<hbm>>
    tpu.enqueue_indirect_dma source(%dma_start3A_42 : memref<10112x128xf32, #tpu.memory_space<hbm>>) target(%arg11 : memref<128x128xf32, #tpu.memory_space<vmem>>) offsets(%arg7 : memref<128xi32, #tpu.memory_space<vmem>>) semaphore(%arg17 : memref<!tpu.dma_semaphore, #tpu.memory_space<semaphore_mem>>)
    %add3A_43 = arith.constant 1 : i32
    %add3A_44 = arith.addi %add3A_4, %add3A_43 : i32
    %mul3A_45 = arith.constant 128 : i32
    %mul3A_46 = arith.muli %add3A_44, %mul3A_45 : i32
    %dma_start3A_47 = tpu.memref_slice %arg3[%mul3A_46] : memref<320000xi32, #tpu.memory_space<hbm>> -> memref<128xi32, #tpu.memory_space<hbm>>
    %dma_start3A_48 = tpu.memref_slice %arg3[%mul3A_46] : memref<320000xi32, #tpu.memory_space<hbm>> -> memref<128xi32, #tpu.memory_space<hbm>>
    tpu.enqueue_dma source(%dma_start3A_48 : memref<128xi32, #tpu.memory_space<hbm>>) target(%arg9 : memref<128xi32, #tpu.memory_space<vmem>>) target_semaphore(%arg16 : memref<!tpu.dma_semaphore, #tpu.memory_space<semaphore_mem>>)
    %add3A_49 = arith.constant 1 : i32
    %add3A_50 = arith.addi %add3A_4, %add3A_49 : i32
    %mul3A_51 = arith.constant 128 : i32
    %mul3A_52 = arith.muli %add3A_50, %mul3A_51 : i32
    %dma_start3A_53 = tpu.memref_slice %arg4[%mul3A_52] : memref<320000xi32, #tpu.memory_space<hbm>> -> memref<128xi32, #tpu.memory_space<hbm>>
    %dma_start3A_54 = tpu.memref_slice %arg4[%mul3A_52] : memref<320000xi32, #tpu.memory_space<hbm>> -> memref<128xi32, #tpu.memory_space<hbm>>
    tpu.enqueue_dma source(%dma_start3A_54 : memref<128xi32, #tpu.memory_space<hbm>>) target(%arg10 : memref<128xi32, #tpu.memory_space<vmem>>) target_semaphore(%arg16 : memref<!tpu.dma_semaphore, #tpu.memory_space<semaphore_mem>>)
    %scan3A = arith.constant 0 : i32
    %scan3A_55 = arith.constant 0 : i32
    %scan3A_56 = arith.constant 39 : i32
    %scan3A_57 = arith.addi %scan3A_55, %scan3A_56 : i32
    %scan3A_58 = arith.constant 1 : i32
    scf.for %scan3A_65 = %scan3A_55 to %scan3A_57 step %scan3A_58  : i32 {
      %mul3A_66 = arith.constant 2 : i32
      %mul3A_67 = arith.muli %mul3A_66, %scan3A_65 : i32
      %add3A_68 = arith.constant 1 : i32
      %add3A_69 = arith.addi %mul3A_67, %add3A_68 : i32
      %add3A_70 = arith.addi %add3A_4, %add3A_69 : i32
      %mul3A_71 = arith.constant 128 : i32
      %mul3A_72 = arith.muli %add3A_70, %mul3A_71 : i32
      %dma_wait3A_73 = tpu.memref_slice %arg3[%mul3A_72] : memref<320000xi32, #tpu.memory_space<hbm>> -> memref<128xi32, #tpu.memory_space<hbm>>
      %dma_wait3A_74 = tpu.memref_slice %arg3[%mul3A_72] : memref<320000xi32, #tpu.memory_space<hbm>> -> memref<128xi32, #tpu.memory_space<hbm>>
      tpu.wait_dma2 semaphore(%arg16 : memref<!tpu.dma_semaphore, #tpu.memory_space<semaphore_mem>>) src(%dma_wait3A_74 : memref<128xi32, #tpu.memory_space<hbm>>) dst(%arg9 : memref<128xi32, #tpu.memory_space<vmem>>)
      %add3A_75 = arith.addi %add3A_4, %add3A_69 : i32
      %mul3A_76 = arith.constant 128 : i32
      %mul3A_77 = arith.muli %add3A_75, %mul3A_76 : i32
      %dma_wait3A_78 = tpu.memref_slice %arg4[%mul3A_77] : memref<320000xi32, #tpu.memory_space<hbm>> -> memref<128xi32, #tpu.memory_space<hbm>>
      %dma_wait3A_79 = tpu.memref_slice %arg4[%mul3A_77] : memref<320000xi32, #tpu.memory_space<hbm>> -> memref<128xi32, #tpu.memory_space<hbm>>
      tpu.wait_dma2 semaphore(%arg16 : memref<!tpu.dma_semaphore, #tpu.memory_space<semaphore_mem>>) src(%dma_wait3A_79 : memref<128xi32, #tpu.memory_space<hbm>>) dst(%arg10 : memref<128xi32, #tpu.memory_space<vmem>>)
      %dma_start3A_80 = arith.constant 0 : i32
      %dma_start3A_81 = arith.constant 0 : i32
      %dma_start3A_82 = tpu.memref_slice %arg2[%dma_start3A_80, %dma_start3A_81] : memref<10112x128xf32, #tpu.memory_space<hbm>> -> memref<10112x128xf32, #tpu.memory_space<hbm>>
      tpu.enqueue_indirect_dma source(%dma_start3A_82 : memref<10112x128xf32, #tpu.memory_space<hbm>>) target(%arg12 : memref<128x128xf32, #tpu.memory_space<vmem>>) offsets(%arg9 : memref<128xi32, #tpu.memory_space<vmem>>) semaphore(%arg18 : memref<!tpu.dma_semaphore, #tpu.memory_space<semaphore_mem>>)
      %dma_wait3A_83 = arith.constant 0 : i32
      %dma_wait3A_84 = arith.constant 0 : i32
      %dma_wait3A_85 = tpu.memref_slice %arg2[%dma_wait3A_83, %dma_wait3A_84] : memref<10112x128xf32, #tpu.memory_space<hbm>> -> memref<10112x128xf32, #tpu.memory_space<hbm>>
      tpu.wait_indirect_dma semaphore(%arg17 : memref<!tpu.dma_semaphore, #tpu.memory_space<semaphore_mem>>) src(%dma_wait3A_85 : memref<10112x128xf32, #tpu.memory_space<hbm>>) dst(%arg11 : memref<128x128xf32, #tpu.memory_space<vmem>>)
      "tpu.region"() ({
        %run_scoped3A = tpu.sem_alloc : memref<!tpu.dma_semaphore, #tpu.memory_space<semaphore_mem>>
        %dma_start3A_103 = arith.constant 0 : i32
        %dma_start3A_104 = arith.constant 0 : i32
        %dma_start3A_105 = tpu.memref_slice %arg14[%dma_start3A_103, %dma_start3A_104] : memref<10112x128xf32, #tpu.memory_space<vmem_shared>> -> memref<10112x128xf32, #tpu.memory_space<vmem_shared>>
        tpu.enqueue_indirect_dma source(%arg11 : memref<128x128xf32, #tpu.memory_space<vmem>>) target(%dma_start3A_105 : memref<10112x128xf32, #tpu.memory_space<vmem_shared>>) offsets(%arg8 : memref<128xi32, #tpu.memory_space<vmem>>) semaphore(%run_scoped3A : memref<!tpu.dma_semaphore, #tpu.memory_space<semaphore_mem>>) {add = true}
        %dma_wait3A_106 = arith.constant 0 : i32
        %dma_wait3A_107 = arith.constant 0 : i32
        %dma_wait3A_108 = tpu.memref_slice %arg14[%dma_wait3A_106, %dma_wait3A_107] : memref<10112x128xf32, #tpu.memory_space<vmem_shared>> -> memref<10112x128xf32, #tpu.memory_space<vmem_shared>>
        tpu.wait_indirect_dma semaphore(%run_scoped3A : memref<!tpu.dma_semaphore, #tpu.memory_space<semaphore_mem>>) src(%arg11 : memref<128x128xf32, #tpu.memory_space<vmem>>) dst(%dma_wait3A_108 : memref<10112x128xf32, #tpu.memory_space<vmem_shared>>)
        tpu.yield
      }) : () -> ()
      %add3A_86 = arith.constant 2 : i32
      %add3A_87 = arith.addi %mul3A_67, %add3A_86 : i32
      %lt3A_88 = arith.constant 78 : i32
      %lt3A_89 = arith.cmpi slt, %add3A_87, %lt3A_88 : i32
      %convert_element_type3A_90 = arith.extui %lt3A_89 : i1 to i32
      %cond3A_91 = arith.constant 0 : i32
      %cond3A_92 = arith.cmpi ne, %convert_element_type3A_90, %cond3A_91 : i32
      scf.if %cond3A_92 {
        %add3A_103 = arith.constant 2 : i32
        %add3A_104 = arith.addi %mul3A_67, %add3A_103 : i32
        %add3A_105 = arith.addi %add3A_4, %add3A_104 : i32
        %mul3A_106 = arith.constant 128 : i32
        %mul3A_107 = arith.muli %add3A_105, %mul3A_106 : i32
        %dma_start3A_108 = tpu.memref_slice %arg3[%mul3A_107] : memref<320000xi32, #tpu.memory_space<hbm>> -> memref<128xi32, #tpu.memory_space<hbm>>
        %dma_start3A_109 = tpu.memref_slice %arg3[%mul3A_107] : memref<320000xi32, #tpu.memory_space<hbm>> -> memref<128xi32, #tpu.memory_space<hbm>>
        tpu.enqueue_dma source(%dma_start3A_109 : memref<128xi32, #tpu.memory_space<hbm>>) target(%arg7 : memref<128xi32, #tpu.memory_space<vmem>>) target_semaphore(%arg15 : memref<!tpu.dma_semaphore, #tpu.memory_space<semaphore_mem>>)
        %add3A_110 = arith.addi %add3A_4, %add3A_104 : i32
        %mul3A_111 = arith.constant 128 : i32
        %mul3A_112 = arith.muli %add3A_110, %mul3A_111 : i32
        %dma_start3A_113 = tpu.memref_slice %arg4[%mul3A_112] : memref<320000xi32, #tpu.memory_space<hbm>> -> memref<128xi32, #tpu.memory_space<hbm>>
        %dma_start3A_114 = tpu.memref_slice %arg4[%mul3A_112] : memref<320000xi32, #tpu.memory_space<hbm>> -> memref<128xi32, #tpu.memory_space<hbm>>
        tpu.enqueue_dma source(%dma_start3A_114 : memref<128xi32, #tpu.memory_space<hbm>>) target(%arg8 : memref<128xi32, #tpu.memory_space<vmem>>) target_semaphore(%arg15 : memref<!tpu.dma_semaphore, #tpu.memory_space<semaphore_mem>>)
        %add3A_115 = arith.constant 2 : i32
        %add3A_116 = arith.addi %mul3A_67, %add3A_115 : i32
        %add3A_117 = arith.addi %add3A_4, %add3A_116 : i32
        %mul3A_118 = arith.constant 128 : i32
        %mul3A_119 = arith.muli %add3A_117, %mul3A_118 : i32
        %dma_wait3A_120 = tpu.memref_slice %arg3[%mul3A_119] : memref<320000xi32, #tpu.memory_space<hbm>> -> memref<128xi32, #tpu.memory_space<hbm>>
        %dma_wait3A_121 = tpu.memref_slice %arg3[%mul3A_119] : memref<320000xi32, #tpu.memory_space<hbm>> -> memref<128xi32, #tpu.memory_space<hbm>>
        tpu.wait_dma2 semaphore(%arg15 : memref<!tpu.dma_semaphore, #tpu.memory_space<semaphore_mem>>) src(%dma_wait3A_121 : memref<128xi32, #tpu.memory_space<hbm>>) dst(%arg7 : memref<128xi32, #tpu.memory_space<vmem>>)
        %add3A_122 = arith.addi %add3A_4, %add3A_116 : i32
        %mul3A_123 = arith.constant 128 : i32
        %mul3A_124 = arith.muli %add3A_122, %mul3A_123 : i32
        %dma_wait3A_125 = tpu.memref_slice %arg4[%mul3A_124] : memref<320000xi32, #tpu.memory_space<hbm>> -> memref<128xi32, #tpu.memory_space<hbm>>
        %dma_wait3A_126 = tpu.memref_slice %arg4[%mul3A_124] : memref<320000xi32, #tpu.memory_space<hbm>> -> memref<128xi32, #tpu.memory_space<hbm>>
        tpu.wait_dma2 semaphore(%arg15 : memref<!tpu.dma_semaphore, #tpu.memory_space<semaphore_mem>>) src(%dma_wait3A_126 : memref<128xi32, #tpu.memory_space<hbm>>) dst(%arg8 : memref<128xi32, #tpu.memory_space<vmem>>)
        %dma_start3A_127 = arith.constant 0 : i32
        %dma_start3A_128 = arith.constant 0 : i32
        %dma_start3A_129 = tpu.memref_slice %arg2[%dma_start3A_127, %dma_start3A_128] : memref<10112x128xf32, #tpu.memory_space<hbm>> -> memref<10112x128xf32, #tpu.memory_space<hbm>>
        tpu.enqueue_indirect_dma source(%dma_start3A_129 : memref<10112x128xf32, #tpu.memory_space<hbm>>) target(%arg11 : memref<128x128xf32, #tpu.memory_space<vmem>>) offsets(%arg7 : memref<128xi32, #tpu.memory_space<vmem>>) semaphore(%arg17 : memref<!tpu.dma_semaphore, #tpu.memory_space<semaphore_mem>>)
      } else {
      }
      %dma_wait3A_93 = arith.constant 0 : i32
      %dma_wait3A_94 = arith.constant 0 : i32
      %dma_wait3A_95 = tpu.memref_slice %arg2[%dma_wait3A_93, %dma_wait3A_94] : memref<10112x128xf32, #tpu.memory_space<hbm>> -> memref<10112x128xf32, #tpu.memory_space<hbm>>
      tpu.wait_indirect_dma semaphore(%arg18 : memref<!tpu.dma_semaphore, #tpu.memory_space<semaphore_mem>>) src(%dma_wait3A_95 : memref<10112x128xf32, #tpu.memory_space<hbm>>) dst(%arg12 : memref<128x128xf32, #tpu.memory_space<vmem>>)
      "tpu.region"() ({
        %run_scoped3A = tpu.sem_alloc : memref<!tpu.dma_semaphore, #tpu.memory_space<semaphore_mem>>
        %dma_start3A_103 = arith.constant 0 : i32
        %dma_start3A_104 = arith.constant 0 : i32
        %dma_start3A_105 = tpu.memref_slice %arg14[%dma_start3A_103, %dma_start3A_104] : memref<10112x128xf32, #tpu.memory_space<vmem_shared>> -> memref<10112x128xf32, #tpu.memory_space<vmem_shared>>
        tpu.enqueue_indirect_dma source(%arg12 : memref<128x128xf32, #tpu.memory_space<vmem>>) target(%dma_start3A_105 : memref<10112x128xf32, #tpu.memory_space<vmem_shared>>) offsets(%arg10 : memref<128xi32, #tpu.memory_space<vmem>>) semaphore(%run_scoped3A : memref<!tpu.dma_semaphore, #tpu.memory_space<semaphore_mem>>) {add = true}
        %dma_wait3A_106 = arith.constant 0 : i32
        %dma_wait3A_107 = arith.constant 0 : i32
        %dma_wait3A_108 = tpu.memref_slice %arg14[%dma_wait3A_106, %dma_wait3A_107] : memref<10112x128xf32, #tpu.memory_space<vmem_shared>> -> memref<10112x128xf32, #tpu.memory_space<vmem_shared>>
        tpu.wait_indirect_dma semaphore(%run_scoped3A : memref<!tpu.dma_semaphore, #tpu.memory_space<semaphore_mem>>) src(%arg12 : memref<128x128xf32, #tpu.memory_space<vmem>>) dst(%dma_wait3A_108 : memref<10112x128xf32, #tpu.memory_space<vmem_shared>>)
        tpu.yield
      }) : () -> ()
      %add3A_96 = arith.constant 3 : i32
      %add3A_97 = arith.addi %mul3A_67, %add3A_96 : i32
      %lt3A_98 = arith.constant 78 : i32
      %lt3A_99 = arith.cmpi slt, %add3A_97, %lt3A_98 : i32
      %convert_element_type3A_100 = arith.extui %lt3A_99 : i1 to i32
      %cond3A_101 = arith.constant 0 : i32
      %cond3A_102 = arith.cmpi ne, %convert_element_type3A_100, %cond3A_101 : i32
      scf.if %cond3A_102 {
        %add3A_103 = arith.constant 3 : i32
        %add3A_104 = arith.addi %mul3A_67, %add3A_103 : i32
        %add3A_105 = arith.addi %add3A_4, %add3A_104 : i32
        %mul3A_106 = arith.constant 128 : i32
        %mul3A_107 = arith.muli %add3A_105, %mul3A_106 : i32
        %dma_start3A_108 = tpu.memref_slice %arg3[%mul3A_107] : memref<320000xi32, #tpu.memory_space<hbm>> -> memref<128xi32, #tpu.memory_space<hbm>>
        %dma_start3A_109 = tpu.memref_slice %arg3[%mul3A_107] : memref<320000xi32, #tpu.memory_space<hbm>> -> memref<128xi32, #tpu.memory_space<hbm>>
        tpu.enqueue_dma source(%dma_start3A_109 : memref<128xi32, #tpu.memory_space<hbm>>) target(%arg9 : memref<128xi32, #tpu.memory_space<vmem>>) target_semaphore(%arg16 : memref<!tpu.dma_semaphore, #tpu.memory_space<semaphore_mem>>)
        %add3A_110 = arith.addi %add3A_4, %add3A_104 : i32
        %mul3A_111 = arith.constant 128 : i32
        %mul3A_112 = arith.muli %add3A_110, %mul3A_111 : i32
        %dma_start3A_113 = tpu.memref_slice %arg4[%mul3A_112] : memref<320000xi32, #tpu.memory_space<hbm>> -> memref<128xi32, #tpu.memory_space<hbm>>
        %dma_start3A_114 = tpu.memref_slice %arg4[%mul3A_112] : memref<320000xi32, #tpu.memory_space<hbm>> -> memref<128xi32, #tpu.memory_space<hbm>>
        tpu.enqueue_dma source(%dma_start3A_114 : memref<128xi32, #tpu.memory_space<hbm>>) target(%arg10 : memref<128xi32, #tpu.memory_space<vmem>>) target_semaphore(%arg16 : memref<!tpu.dma_semaphore, #tpu.memory_space<semaphore_mem>>)
      } else {
      }
    }
    %scan3A_59 = arith.constant 39 : i32
    %convert_element_type3A = arith.extui %lt3A_5 : i1 to i32
    %cond3A = arith.constant 0 : i32
    %cond3A_60 = arith.cmpi ne, %convert_element_type3A, %cond3A : i32
    scf.if %cond3A_60 {
      %add3A_65 = arith.constant 78 : i32
      %add3A_66 = arith.addi %add3A_4, %add3A_65 : i32
      %mul3A_67 = arith.constant 128 : i32
      %mul3A_68 = arith.muli %add3A_66, %mul3A_67 : i32
      %dma_start3A_69 = tpu.memref_slice %arg3[%mul3A_68] : memref<320000xi32, #tpu.memory_space<hbm>> -> memref<128xi32, #tpu.memory_space<hbm>>
      %dma_start3A_70 = tpu.memref_slice %arg3[%mul3A_68] : memref<320000xi32, #tpu.memory_space<hbm>> -> memref<128xi32, #tpu.memory_space<hbm>>
      tpu.enqueue_dma source(%dma_start3A_70 : memref<128xi32, #tpu.memory_space<hbm>>) target(%arg7 : memref<128xi32, #tpu.memory_space<vmem>>) target_semaphore(%arg15 : memref<!tpu.dma_semaphore, #tpu.memory_space<semaphore_mem>>)
      %add3A_71 = arith.constant 78 : i32
      %add3A_72 = arith.addi %add3A_4, %add3A_71 : i32
      %mul3A_73 = arith.constant 128 : i32
      %mul3A_74 = arith.muli %add3A_72, %mul3A_73 : i32
      %dma_start3A_75 = tpu.memref_slice %arg4[%mul3A_74] : memref<320000xi32, #tpu.memory_space<hbm>> -> memref<128xi32, #tpu.memory_space<hbm>>
      %dma_start3A_76 = tpu.memref_slice %arg4[%mul3A_74] : memref<320000xi32, #tpu.memory_space<hbm>> -> memref<128xi32, #tpu.memory_space<hbm>>
      tpu.enqueue_dma source(%dma_start3A_76 : memref<128xi32, #tpu.memory_space<hbm>>) target(%arg8 : memref<128xi32, #tpu.memory_space<vmem>>) target_semaphore(%arg15 : memref<!tpu.dma_semaphore, #tpu.memory_space<semaphore_mem>>)
      %add3A_77 = arith.constant 78 : i32
      %add3A_78 = arith.addi %add3A_4, %add3A_77 : i32
      %mul3A_79 = arith.constant 128 : i32
      %mul3A_80 = arith.muli %add3A_78, %mul3A_79 : i32
      %dma_wait3A_81 = tpu.memref_slice %arg3[%mul3A_80] : memref<320000xi32, #tpu.memory_space<hbm>> -> memref<128xi32, #tpu.memory_space<hbm>>
      %dma_wait3A_82 = tpu.memref_slice %arg3[%mul3A_80] : memref<320000xi32, #tpu.memory_space<hbm>> -> memref<128xi32, #tpu.memory_space<hbm>>
      tpu.wait_dma2 semaphore(%arg15 : memref<!tpu.dma_semaphore, #tpu.memory_space<semaphore_mem>>) src(%dma_wait3A_82 : memref<128xi32, #tpu.memory_space<hbm>>) dst(%arg7 : memref<128xi32, #tpu.memory_space<vmem>>)
      %add3A_83 = arith.constant 78 : i32
      %add3A_84 = arith.addi %add3A_4, %add3A_83 : i32
      %mul3A_85 = arith.constant 128 : i32
      %mul3A_86 = arith.muli %add3A_84, %mul3A_85 : i32
      %dma_wait3A_87 = tpu.memref_slice %arg4[%mul3A_86] : memref<320000xi32, #tpu.memory_space<hbm>> -> memref<128xi32, #tpu.memory_space<hbm>>
      %dma_wait3A_88 = tpu.memref_slice %arg4[%mul3A_86] : memref<320000xi32, #tpu.memory_space<hbm>> -> memref<128xi32, #tpu.memory_space<hbm>>
      tpu.wait_dma2 semaphore(%arg15 : memref<!tpu.dma_semaphore, #tpu.memory_space<semaphore_mem>>) src(%dma_wait3A_88 : memref<128xi32, #tpu.memory_space<hbm>>) dst(%arg8 : memref<128xi32, #tpu.memory_space<vmem>>)
      %dma_start3A_89 = arith.constant 0 : i32
      %dma_start3A_90 = arith.constant 0 : i32
      %dma_start3A_91 = tpu.memref_slice %arg2[%dma_start3A_89, %dma_start3A_90] : memref<10112x128xf32, #tpu.memory_space<hbm>> -> memref<10112x128xf32, #tpu.memory_space<hbm>>
      tpu.enqueue_indirect_dma source(%dma_start3A_91 : memref<10112x128xf32, #tpu.memory_space<hbm>>) target(%arg11 : memref<128x128xf32, #tpu.memory_space<vmem>>) offsets(%arg7 : memref<128xi32, #tpu.memory_space<vmem>>) semaphore(%arg17 : memref<!tpu.dma_semaphore, #tpu.memory_space<semaphore_mem>>)
      %dma_wait3A_92 = arith.constant 0 : i32
      %dma_wait3A_93 = arith.constant 0 : i32
      %dma_wait3A_94 = tpu.memref_slice %arg2[%dma_wait3A_92, %dma_wait3A_93] : memref<10112x128xf32, #tpu.memory_space<hbm>> -> memref<10112x128xf32, #tpu.memory_space<hbm>>
      tpu.wait_indirect_dma semaphore(%arg17 : memref<!tpu.dma_semaphore, #tpu.memory_space<semaphore_mem>>) src(%dma_wait3A_94 : memref<10112x128xf32, #tpu.memory_space<hbm>>) dst(%arg11 : memref<128x128xf32, #tpu.memory_space<vmem>>)
      "tpu.region"() ({
        %run_scoped3A = tpu.sem_alloc : memref<!tpu.dma_semaphore, #tpu.memory_space<semaphore_mem>>
        %dma_start3A_95 = arith.constant 0 : i32
        %dma_start3A_96 = arith.constant 0 : i32
        %dma_start3A_97 = tpu.memref_slice %arg14[%dma_start3A_95, %dma_start3A_96] : memref<10112x128xf32, #tpu.memory_space<vmem_shared>> -> memref<10112x128xf32, #tpu.memory_space<vmem_shared>>
        tpu.enqueue_indirect_dma source(%arg11 : memref<128x128xf32, #tpu.memory_space<vmem>>) target(%dma_start3A_97 : memref<10112x128xf32, #tpu.memory_space<vmem_shared>>) offsets(%arg8 : memref<128xi32, #tpu.memory_space<vmem>>) semaphore(%run_scoped3A : memref<!tpu.dma_semaphore, #tpu.memory_space<semaphore_mem>>) {add = true}
        %dma_wait3A_98 = arith.constant 0 : i32
        %dma_wait3A_99 = arith.constant 0 : i32
        %dma_wait3A_100 = tpu.memref_slice %arg14[%dma_wait3A_98, %dma_wait3A_99] : memref<10112x128xf32, #tpu.memory_space<vmem_shared>> -> memref<10112x128xf32, #tpu.memory_space<vmem_shared>>
        tpu.wait_indirect_dma semaphore(%run_scoped3A : memref<!tpu.dma_semaphore, #tpu.memory_space<semaphore_mem>>) src(%arg11 : memref<128x128xf32, #tpu.memory_space<vmem>>) dst(%dma_wait3A_100 : memref<10112x128xf32, #tpu.memory_space<vmem_shared>>)
        tpu.yield
      }) : () -> ()
    } else {
    }
    %barrier3A_61 = arith.constant 0 : index
    tpu.barrier barrier_id(%barrier3A_61)
    %mul3A_62 = arith.constant 10112 : i32
    %mul3A_63 = arith.muli %arg0, %mul3A_62 : i32
    %add3A_64 = arith.addi %mul3A_63, %mul3A_7 : i32
    "tpu.region"() ({
      %run_scoped3A = tpu.sem_alloc : memref<!tpu.dma_semaphore, #tpu.memory_space<semaphore_mem>>
      %dma_start3A_65 = arith.constant 0 : i32
      %dma_start3A_66 = tpu.memref_slice %arg6[%add3A_64, %dma_start3A_65] : memref<20224x128xf32, #tpu.memory_space<hbm>> -> memref<632x128xf32, #tpu.memory_space<hbm>>
      %dma_start3A_67 = arith.constant 0 : i32
      %dma_start3A_68 = tpu.memref_slice %arg14[%mul3A_7, %dma_start3A_67] : memref<10112x128xf32, #tpu.memory_space<vmem_shared>> -> memref<632x128xf32, #tpu.memory_space<vmem_shared>>
      tpu.enqueue_dma source(%dma_start3A_68 : memref<632x128xf32, #tpu.memory_space<vmem_shared>>) target(%dma_start3A_66 : memref<632x128xf32, #tpu.memory_space<hbm>>) target_semaphore(%run_scoped3A : memref<!tpu.dma_semaphore, #tpu.memory_space<semaphore_mem>>)
      %dma_wait3A_69 = arith.constant 0 : i32
      %dma_wait3A_70 = tpu.memref_slice %arg6[%add3A_64, %dma_wait3A_69] : memref<20224x128xf32, #tpu.memory_space<hbm>> -> memref<632x128xf32, #tpu.memory_space<hbm>>
      %dma_wait3A_71 = arith.constant 0 : i32
      %dma_wait3A_72 = tpu.memref_slice %arg14[%mul3A_7, %dma_wait3A_71] : memref<10112x128xf32, #tpu.memory_space<vmem_shared>> -> memref<632x128xf32, #tpu.memory_space<vmem_shared>>
      tpu.wait_dma2 semaphore(%run_scoped3A : memref<!tpu.dma_semaphore, #tpu.memory_space<semaphore_mem>>) src(%dma_wait3A_72 : memref<632x128xf32, #tpu.memory_space<vmem_shared>>) dst(%dma_wait3A_70 : memref<632x128xf32, #tpu.memory_space<hbm>>)
      tpu.yield
    }) : () -> ()
    return
  }
}

#map = affine_map<(d0, d1) -> (0, 0)>
#map1 = affine_map<(d0, d1) -> (0)>
module attributes {stable_mosaic.version = 14 : i64} {
  func.func @agg_kernel(%arg0: i32, %arg1: i32, %arg2: memref<10112x128xf32, #tpu.memory_space<hbm>>, %arg3: memref<320000xi32, #tpu.memory_space<hbm>>, %arg4: memref<320000xi32, #tpu.memory_space<hbm>>, %arg5: memref<128x128xf32, #tpu.memory_space<hbm>>, %arg6: memref<20224x128xf32, #tpu.memory_space<hbm>>, %arg7: memref<128xi32, #tpu.memory_space<vmem>>, %arg8: memref<128xi32, #tpu.memory_space<vmem>>, %arg9: memref<128xi32, #tpu.memory_space<vmem>>, %arg10: memref<128xi32, #tpu.memory_space<vmem>>, %arg11: memref<128x128xf32, #tpu.memory_space<vmem>>, %arg12: memref<128x128xf32, #tpu.memory_space<vmem>>, %arg13: memref<128x128xf32, #tpu.memory_space<vmem>>, %arg14: memref<10112x128xf32, #tpu.memory_space<vmem_shared>>, %arg15: memref<!tpu.dma_semaphore, #tpu.memory_space<semaphore_mem>>, %arg16: memref<!tpu.dma_semaphore, #tpu.memory_space<semaphore_mem>>, %arg17: memref<!tpu.dma_semaphore, #tpu.memory_space<semaphore_mem>>, %arg18: memref<!tpu.dma_semaphore, #tpu.memory_space<semaphore_mem>>) attributes {dimension_semantics = [#tpu.dimension_semantics<core_parallel>, #tpu.dimension_semantics<subcore_parallel>], iteration_bounds = array<i64: 2, 16>, scalar_prefetch = 0 : i64, scratch_operands = 12 : i64, tpu.core_type = #tpu.core_type<sc_vector_subcore>, window_params = [{transform_indices = #map}, {transform_indices = #map1}, {transform_indices = #map1}, {transform_indices = #map}, {transform_indices = #map}]} {
    %mul3A = arith.constant 16 : i32
    %mul3A_0 = arith.muli %arg0, %mul3A : i32
    %add3A = arith.addi %mul3A_0, %arg1 : i32
    %mul3A_1 = arith.constant 78 : i32
    %mul3A_2 = arith.muli %add3A, %mul3A_1 : i32
    %min3A = arith.constant 4 : i32
    %min3A_3 = arith.minsi %add3A, %min3A : i32
    %add3A_4 = arith.addi %mul3A_2, %min3A_3 : i32
    %lt3A = arith.constant 4 : i32
    %lt3A_5 = arith.cmpi slt, %add3A, %lt3A : i32
    %mul3A_6 = arith.constant 632 : i32
    %mul3A_7 = arith.muli %arg1, %mul3A_6 : i32
    "tpu.region"() ({
      %run_scoped3A = tpu.sem_alloc : memref<!tpu.dma_semaphore, #tpu.memory_space<semaphore_mem>>
      tpu.enqueue_dma source(%arg5 : memref<128x128xf32, #tpu.memory_space<hbm>>) target(%arg13 : memref<128x128xf32, #tpu.memory_space<vmem>>) target_semaphore(%run_scoped3A : memref<!tpu.dma_semaphore, #tpu.memory_space<semaphore_mem>>)
      tpu.wait_dma2 semaphore(%run_scoped3A : memref<!tpu.dma_semaphore, #tpu.memory_space<semaphore_mem>>) src(%arg5 : memref<128x128xf32, #tpu.memory_space<hbm>>) dst(%arg13 : memref<128x128xf32, #tpu.memory_space<vmem>>)
      tpu.yield
    }) : () -> ()
    %add3A_8 = arith.constant 0 : i32
    %add3A_9 = arith.addi %mul3A_7, %add3A_8 : i32
    "tpu.region"() ({
      %run_scoped3A = tpu.sem_alloc : memref<!tpu.dma_semaphore, #tpu.memory_space<semaphore_mem>>
      %dma_start3A_65 = arith.constant 0 : i32
      %dma_start3A_66 = tpu.memref_slice %arg14[%add3A_9, %dma_start3A_65] : memref<10112x128xf32, #tpu.memory_space<vmem_shared>> -> memref<128x128xf32, #tpu.memory_space<vmem_shared>>
      %dma_start3A_67 = arith.constant 0 : i32
      %dma_start3A_68 = tpu.memref_slice %arg14[%add3A_9, %dma_start3A_67] : memref<10112x128xf32, #tpu.memory_space<vmem_shared>> -> memref<128x128xf32, #tpu.memory_space<vmem_shared>>
      tpu.enqueue_dma source(%arg13 : memref<128x128xf32, #tpu.memory_space<vmem>>) target(%dma_start3A_68 : memref<128x128xf32, #tpu.memory_space<vmem_shared>>) target_semaphore(%run_scoped3A : memref<!tpu.dma_semaphore, #tpu.memory_space<semaphore_mem>>)
      %dma_wait3A_69 = arith.constant 0 : i32
      %dma_wait3A_70 = tpu.memref_slice %arg14[%add3A_9, %dma_wait3A_69] : memref<10112x128xf32, #tpu.memory_space<vmem_shared>> -> memref<128x128xf32, #tpu.memory_space<vmem_shared>>
      %dma_wait3A_71 = arith.constant 0 : i32
      %dma_wait3A_72 = tpu.memref_slice %arg14[%add3A_9, %dma_wait3A_71] : memref<10112x128xf32, #tpu.memory_space<vmem_shared>> -> memref<128x128xf32, #tpu.memory_space<vmem_shared>>
      tpu.wait_dma2 semaphore(%run_scoped3A : memref<!tpu.dma_semaphore, #tpu.memory_space<semaphore_mem>>) src(%arg13 : memref<128x128xf32, #tpu.memory_space<vmem>>) dst(%dma_wait3A_72 : memref<128x128xf32, #tpu.memory_space<vmem_shared>>)
      tpu.yield
    }) : () -> ()
    %add3A_10 = arith.constant 128 : i32
    %add3A_11 = arith.addi %mul3A_7, %add3A_10 : i32
    "tpu.region"() ({
      %run_scoped3A = tpu.sem_alloc : memref<!tpu.dma_semaphore, #tpu.memory_space<semaphore_mem>>
      %dma_start3A_65 = arith.constant 0 : i32
      %dma_start3A_66 = tpu.memref_slice %arg14[%add3A_11, %dma_start3A_65] : memref<10112x128xf32, #tpu.memory_space<vmem_shared>> -> memref<128x128xf32, #tpu.memory_space<vmem_shared>>
      %dma_start3A_67 = arith.constant 0 : i32
      %dma_start3A_68 = tpu.memref_slice %arg14[%add3A_11, %dma_start3A_67] : memref<10112x128xf32, #tpu.memory_space<vmem_shared>> -> memref<128x128xf32, #tpu.memory_space<vmem_shared>>
      tpu.enqueue_dma source(%arg13 : memref<128x128xf32, #tpu.memory_space<vmem>>) target(%dma_start3A_68 : memref<128x128xf32, #tpu.memory_space<vmem_shared>>) target_semaphore(%run_scoped3A : memref<!tpu.dma_semaphore, #tpu.memory_space<semaphore_mem>>)
      %dma_wait3A_69 = arith.constant 0 : i32
      %dma_wait3A_70 = tpu.memref_slice %arg14[%add3A_11, %dma_wait3A_69] : memref<10112x128xf32, #tpu.memory_space<vmem_shared>> -> memref<128x128xf32, #tpu.memory_space<vmem_shared>>
      %dma_wait3A_71 = arith.constant 0 : i32
      %dma_wait3A_72 = tpu.memref_slice %arg14[%add3A_11, %dma_wait3A_71] : memref<10112x128xf32, #tpu.memory_space<vmem_shared>> -> memref<128x128xf32, #tpu.memory_space<vmem_shared>>
      tpu.wait_dma2 semaphore(%run_scoped3A : memref<!tpu.dma_semaphore, #tpu.memory_space<semaphore_mem>>) src(%arg13 : memref<128x128xf32, #tpu.memory_space<vmem>>) dst(%dma_wait3A_72 : memref<128x128xf32, #tpu.memory_space<vmem_shared>>)
      tpu.yield
    }) : () -> ()
    %add3A_12 = arith.constant 256 : i32
    %add3A_13 = arith.addi %mul3A_7, %add3A_12 : i32
    "tpu.region"() ({
      %run_scoped3A = tpu.sem_alloc : memref<!tpu.dma_semaphore, #tpu.memory_space<semaphore_mem>>
      %dma_start3A_65 = arith.constant 0 : i32
      %dma_start3A_66 = tpu.memref_slice %arg14[%add3A_13, %dma_start3A_65] : memref<10112x128xf32, #tpu.memory_space<vmem_shared>> -> memref<128x128xf32, #tpu.memory_space<vmem_shared>>
      %dma_start3A_67 = arith.constant 0 : i32
      %dma_start3A_68 = tpu.memref_slice %arg14[%add3A_13, %dma_start3A_67] : memref<10112x128xf32, #tpu.memory_space<vmem_shared>> -> memref<128x128xf32, #tpu.memory_space<vmem_shared>>
      tpu.enqueue_dma source(%arg13 : memref<128x128xf32, #tpu.memory_space<vmem>>) target(%dma_start3A_68 : memref<128x128xf32, #tpu.memory_space<vmem_shared>>) target_semaphore(%run_scoped3A : memref<!tpu.dma_semaphore, #tpu.memory_space<semaphore_mem>>)
      %dma_wait3A_69 = arith.constant 0 : i32
      %dma_wait3A_70 = tpu.memref_slice %arg14[%add3A_13, %dma_wait3A_69] : memref<10112x128xf32, #tpu.memory_space<vmem_shared>> -> memref<128x128xf32, #tpu.memory_space<vmem_shared>>
      %dma_wait3A_71 = arith.constant 0 : i32
      %dma_wait3A_72 = tpu.memref_slice %arg14[%add3A_13, %dma_wait3A_71] : memref<10112x128xf32, #tpu.memory_space<vmem_shared>> -> memref<128x128xf32, #tpu.memory_space<vmem_shared>>
      tpu.wait_dma2 semaphore(%run_scoped3A : memref<!tpu.dma_semaphore, #tpu.memory_space<semaphore_mem>>) src(%arg13 : memref<128x128xf32, #tpu.memory_space<vmem>>) dst(%dma_wait3A_72 : memref<128x128xf32, #tpu.memory_space<vmem_shared>>)
      tpu.yield
    }) : () -> ()
    %add3A_14 = arith.constant 384 : i32
    %add3A_15 = arith.addi %mul3A_7, %add3A_14 : i32
    "tpu.region"() ({
      %run_scoped3A = tpu.sem_alloc : memref<!tpu.dma_semaphore, #tpu.memory_space<semaphore_mem>>
      %dma_start3A_65 = arith.constant 0 : i32
      %dma_start3A_66 = tpu.memref_slice %arg14[%add3A_15, %dma_start3A_65] : memref<10112x128xf32, #tpu.memory_space<vmem_shared>> -> memref<128x128xf32, #tpu.memory_space<vmem_shared>>
      %dma_start3A_67 = arith.constant 0 : i32
      %dma_start3A_68 = tpu.memref_slice %arg14[%add3A_15, %dma_start3A_67] : memref<10112x128xf32, #tpu.memory_space<vmem_shared>> -> memref<128x128xf32, #tpu.memory_space<vmem_shared>>
      tpu.enqueue_dma source(%arg13 : memref<128x128xf32, #tpu.memory_space<vmem>>) target(%dma_start3A_68 : memref<128x128xf32, #tpu.memory_space<vmem_shared>>) target_semaphore(%run_scoped3A : memref<!tpu.dma_semaphore, #tpu.memory_space<semaphore_mem>>)
      %dma_wait3A_69 = arith.constant 0 : i32
      %dma_wait3A_70 = tpu.memref_slice %arg14[%add3A_15, %dma_wait3A_69] : memref<10112x128xf32, #tpu.memory_space<vmem_shared>> -> memref<128x128xf32, #tpu.memory_space<vmem_shared>>
      %dma_wait3A_71 = arith.constant 0 : i32
      %dma_wait3A_72 = tpu.memref_slice %arg14[%add3A_15, %dma_wait3A_71] : memref<10112x128xf32, #tpu.memory_space<vmem_shared>> -> memref<128x128xf32, #tpu.memory_space<vmem_shared>>
      tpu.wait_dma2 semaphore(%run_scoped3A : memref<!tpu.dma_semaphore, #tpu.memory_space<semaphore_mem>>) src(%arg13 : memref<128x128xf32, #tpu.memory_space<vmem>>) dst(%dma_wait3A_72 : memref<128x128xf32, #tpu.memory_space<vmem_shared>>)
      tpu.yield
    }) : () -> ()
    %add3A_16 = arith.constant 512 : i32
    %add3A_17 = arith.addi %mul3A_7, %add3A_16 : i32
    "tpu.region"() ({
      %run_scoped3A = tpu.sem_alloc : memref<!tpu.dma_semaphore, #tpu.memory_space<semaphore_mem>>
      %dma_start3A_65 = arith.constant 0 : i32
      %dma_start3A_66 = arith.constant 0 : i32
      %dma_start3A_67 = tpu.memref_slice %arg13[%dma_start3A_65, %dma_start3A_66] : memref<128x128xf32, #tpu.memory_space<vmem>> -> memref<120x128xf32, #tpu.memory_space<vmem>>
      %dma_start3A_68 = arith.constant 0 : i32
      %dma_start3A_69 = tpu.memref_slice %arg14[%add3A_17, %dma_start3A_68] : memref<10112x128xf32, #tpu.memory_space<vmem_shared>> -> memref<120x128xf32, #tpu.memory_space<vmem_shared>>
      %dma_start3A_70 = arith.constant 0 : i32
      %dma_start3A_71 = tpu.memref_slice %arg14[%add3A_17, %dma_start3A_70] : memref<10112x128xf32, #tpu.memory_space<vmem_shared>> -> memref<120x128xf32, #tpu.memory_space<vmem_shared>>
      %dma_start3A_72 = arith.constant 0 : i32
      %dma_start3A_73 = arith.constant 0 : i32
      %dma_start3A_74 = tpu.memref_slice %arg13[%dma_start3A_72, %dma_start3A_73] : memref<128x128xf32, #tpu.memory_space<vmem>> -> memref<120x128xf32, #tpu.memory_space<vmem>>
      tpu.enqueue_dma source(%dma_start3A_74 : memref<120x128xf32, #tpu.memory_space<vmem>>) target(%dma_start3A_71 : memref<120x128xf32, #tpu.memory_space<vmem_shared>>) target_semaphore(%run_scoped3A : memref<!tpu.dma_semaphore, #tpu.memory_space<semaphore_mem>>)
      %dma_wait3A_75 = arith.constant 0 : i32
      %dma_wait3A_76 = arith.constant 0 : i32
      %dma_wait3A_77 = tpu.memref_slice %arg13[%dma_wait3A_75, %dma_wait3A_76] : memref<128x128xf32, #tpu.memory_space<vmem>> -> memref<120x128xf32, #tpu.memory_space<vmem>>
      %dma_wait3A_78 = arith.constant 0 : i32
      %dma_wait3A_79 = tpu.memref_slice %arg14[%add3A_17, %dma_wait3A_78] : memref<10112x128xf32, #tpu.memory_space<vmem_shared>> -> memref<120x128xf32, #tpu.memory_space<vmem_shared>>
      %dma_wait3A_80 = arith.constant 0 : i32
      %dma_wait3A_81 = tpu.memref_slice %arg14[%add3A_17, %dma_wait3A_80] : memref<10112x128xf32, #tpu.memory_space<vmem_shared>> -> memref<120x128xf32, #tpu.memory_space<vmem_shared>>
      %dma_wait3A_82 = arith.constant 0 : i32
      %dma_wait3A_83 = arith.constant 0 : i32
      %dma_wait3A_84 = tpu.memref_slice %arg13[%dma_wait3A_82, %dma_wait3A_83] : memref<128x128xf32, #tpu.memory_space<vmem>> -> memref<120x128xf32, #tpu.memory_space<vmem>>
      tpu.wait_dma2 semaphore(%run_scoped3A : memref<!tpu.dma_semaphore, #tpu.memory_space<semaphore_mem>>) src(%dma_wait3A_84 : memref<120x128xf32, #tpu.memory_space<vmem>>) dst(%dma_wait3A_81 : memref<120x128xf32, #tpu.memory_space<vmem_shared>>)
      tpu.yield
    }) : () -> ()
    %barrier3A = arith.constant 0 : index
    tpu.barrier barrier_id(%barrier3A)
    %add3A_18 = arith.constant 0 : i32
    %add3A_19 = arith.addi %add3A_4, %add3A_18 : i32
    %mul3A_20 = arith.constant 128 : i32
    %mul3A_21 = arith.muli %add3A_19, %mul3A_20 : i32
    %dma_start3A = tpu.memref_slice %arg3[%mul3A_21] : memref<320000xi32, #tpu.memory_space<hbm>> -> memref<128xi32, #tpu.memory_space<hbm>>
    %dma_start3A_22 = tpu.memref_slice %arg3[%mul3A_21] : memref<320000xi32, #tpu.memory_space<hbm>> -> memref<128xi32, #tpu.memory_space<hbm>>
    tpu.enqueue_dma source(%dma_start3A_22 : memref<128xi32, #tpu.memory_space<hbm>>) target(%arg7 : memref<128xi32, #tpu.memory_space<vmem>>) target_semaphore(%arg15 : memref<!tpu.dma_semaphore, #tpu.memory_space<semaphore_mem>>)
    %add3A_23 = arith.constant 0 : i32
    %add3A_24 = arith.addi %add3A_4, %add3A_23 : i32
    %mul3A_25 = arith.constant 128 : i32
    %mul3A_26 = arith.muli %add3A_24, %mul3A_25 : i32
    %dma_start3A_27 = tpu.memref_slice %arg4[%mul3A_26] : memref<320000xi32, #tpu.memory_space<hbm>> -> memref<128xi32, #tpu.memory_space<hbm>>
    %dma_start3A_28 = tpu.memref_slice %arg4[%mul3A_26] : memref<320000xi32, #tpu.memory_space<hbm>> -> memref<128xi32, #tpu.memory_space<hbm>>
    tpu.enqueue_dma source(%dma_start3A_28 : memref<128xi32, #tpu.memory_space<hbm>>) target(%arg8 : memref<128xi32, #tpu.memory_space<vmem>>) target_semaphore(%arg15 : memref<!tpu.dma_semaphore, #tpu.memory_space<semaphore_mem>>)
    %add3A_29 = arith.constant 0 : i32
    %add3A_30 = arith.addi %add3A_4, %add3A_29 : i32
    %mul3A_31 = arith.constant 128 : i32
    %mul3A_32 = arith.muli %add3A_30, %mul3A_31 : i32
    %dma_wait3A = tpu.memref_slice %arg3[%mul3A_32] : memref<320000xi32, #tpu.memory_space<hbm>> -> memref<128xi32, #tpu.memory_space<hbm>>
    %dma_wait3A_33 = tpu.memref_slice %arg3[%mul3A_32] : memref<320000xi32, #tpu.memory_space<hbm>> -> memref<128xi32, #tpu.memory_space<hbm>>
    tpu.wait_dma2 semaphore(%arg15 : memref<!tpu.dma_semaphore, #tpu.memory_space<semaphore_mem>>) src(%dma_wait3A_33 : memref<128xi32, #tpu.memory_space<hbm>>) dst(%arg7 : memref<128xi32, #tpu.memory_space<vmem>>)
    %add3A_34 = arith.constant 0 : i32
    %add3A_35 = arith.addi %add3A_4, %add3A_34 : i32
    %mul3A_36 = arith.constant 128 : i32
    %mul3A_37 = arith.muli %add3A_35, %mul3A_36 : i32
    %dma_wait3A_38 = tpu.memref_slice %arg4[%mul3A_37] : memref<320000xi32, #tpu.memory_space<hbm>> -> memref<128xi32, #tpu.memory_space<hbm>>
    %dma_wait3A_39 = tpu.memref_slice %arg4[%mul3A_37] : memref<320000xi32, #tpu.memory_space<hbm>> -> memref<128xi32, #tpu.memory_space<hbm>>
    tpu.wait_dma2 semaphore(%arg15 : memref<!tpu.dma_semaphore, #tpu.memory_space<semaphore_mem>>) src(%dma_wait3A_39 : memref<128xi32, #tpu.memory_space<hbm>>) dst(%arg8 : memref<128xi32, #tpu.memory_space<vmem>>)
    %dma_start3A_40 = arith.constant 0 : i32
    %dma_start3A_41 = arith.constant 0 : i32
    %dma_start3A_42 = tpu.memref_slice %arg2[%dma_start3A_40, %dma_start3A_41] : memref<10112x128xf32, #tpu.memory_space<hbm>> -> memref<10112x128xf32, #tpu.memory_space<hbm>>
    tpu.enqueue_indirect_dma source(%dma_start3A_42 : memref<10112x128xf32, #tpu.memory_space<hbm>>) target(%arg11 : memref<128x128xf32, #tpu.memory_space<vmem>>) offsets(%arg7 : memref<128xi32, #tpu.memory_space<vmem>>) semaphore(%arg17 : memref<!tpu.dma_semaphore, #tpu.memory_space<semaphore_mem>>)
    %add3A_43 = arith.constant 1 : i32
    %add3A_44 = arith.addi %add3A_4, %add3A_43 : i32
    %mul3A_45 = arith.constant 128 : i32
    %mul3A_46 = arith.muli %add3A_44, %mul3A_45 : i32
    %dma_start3A_47 = tpu.memref_slice %arg3[%mul3A_46] : memref<320000xi32, #tpu.memory_space<hbm>> -> memref<128xi32, #tpu.memory_space<hbm>>
    %dma_start3A_48 = tpu.memref_slice %arg3[%mul3A_46] : memref<320000xi32, #tpu.memory_space<hbm>> -> memref<128xi32, #tpu.memory_space<hbm>>
    tpu.enqueue_dma source(%dma_start3A_48 : memref<128xi32, #tpu.memory_space<hbm>>) target(%arg9 : memref<128xi32, #tpu.memory_space<vmem>>) target_semaphore(%arg16 : memref<!tpu.dma_semaphore, #tpu.memory_space<semaphore_mem>>)
    %add3A_49 = arith.constant 1 : i32
    %add3A_50 = arith.addi %add3A_4, %add3A_49 : i32
    %mul3A_51 = arith.constant 128 : i32
    %mul3A_52 = arith.muli %add3A_50, %mul3A_51 : i32
    %dma_start3A_53 = tpu.memref_slice %arg4[%mul3A_52] : memref<320000xi32, #tpu.memory_space<hbm>> -> memref<128xi32, #tpu.memory_space<hbm>>
    %dma_start3A_54 = tpu.memref_slice %arg4[%mul3A_52] : memref<320000xi32, #tpu.memory_space<hbm>> -> memref<128xi32, #tpu.memory_space<hbm>>
    tpu.enqueue_dma source(%dma_start3A_54 : memref<128xi32, #tpu.memory_space<hbm>>) target(%arg10 : memref<128xi32, #tpu.memory_space<vmem>>) target_semaphore(%arg16 : memref<!tpu.dma_semaphore, #tpu.memory_space<semaphore_mem>>)
    %scan3A = arith.constant 0 : i32
    %scan3A_55 = arith.constant 0 : i32
    %scan3A_56 = arith.constant 39 : i32
    %scan3A_57 = arith.addi %scan3A_55, %scan3A_56 : i32
    %scan3A_58 = arith.constant 1 : i32
    scf.for %scan3A_65 = %scan3A_55 to %scan3A_57 step %scan3A_58  : i32 {
      %mul3A_66 = arith.constant 2 : i32
      %mul3A_67 = arith.muli %mul3A_66, %scan3A_65 : i32
      %add3A_68 = arith.constant 1 : i32
      %add3A_69 = arith.addi %mul3A_67, %add3A_68 : i32
      %add3A_70 = arith.addi %add3A_4, %add3A_69 : i32
      %mul3A_71 = arith.constant 128 : i32
      %mul3A_72 = arith.muli %add3A_70, %mul3A_71 : i32
      %dma_wait3A_73 = tpu.memref_slice %arg3[%mul3A_72] : memref<320000xi32, #tpu.memory_space<hbm>> -> memref<128xi32, #tpu.memory_space<hbm>>
      %dma_wait3A_74 = tpu.memref_slice %arg3[%mul3A_72] : memref<320000xi32, #tpu.memory_space<hbm>> -> memref<128xi32, #tpu.memory_space<hbm>>
      tpu.wait_dma2 semaphore(%arg16 : memref<!tpu.dma_semaphore, #tpu.memory_space<semaphore_mem>>) src(%dma_wait3A_74 : memref<128xi32, #tpu.memory_space<hbm>>) dst(%arg9 : memref<128xi32, #tpu.memory_space<vmem>>)
      %add3A_75 = arith.addi %add3A_4, %add3A_69 : i32
      %mul3A_76 = arith.constant 128 : i32
      %mul3A_77 = arith.muli %add3A_75, %mul3A_76 : i32
      %dma_wait3A_78 = tpu.memref_slice %arg4[%mul3A_77] : memref<320000xi32, #tpu.memory_space<hbm>> -> memref<128xi32, #tpu.memory_space<hbm>>
      %dma_wait3A_79 = tpu.memref_slice %arg4[%mul3A_77] : memref<320000xi32, #tpu.memory_space<hbm>> -> memref<128xi32, #tpu.memory_space<hbm>>
      tpu.wait_dma2 semaphore(%arg16 : memref<!tpu.dma_semaphore, #tpu.memory_space<semaphore_mem>>) src(%dma_wait3A_79 : memref<128xi32, #tpu.memory_space<hbm>>) dst(%arg10 : memref<128xi32, #tpu.memory_space<vmem>>)
      %dma_start3A_80 = arith.constant 0 : i32
      %dma_start3A_81 = arith.constant 0 : i32
      %dma_start3A_82 = tpu.memref_slice %arg2[%dma_start3A_80, %dma_start3A_81] : memref<10112x128xf32, #tpu.memory_space<hbm>> -> memref<10112x128xf32, #tpu.memory_space<hbm>>
      tpu.enqueue_indirect_dma source(%dma_start3A_82 : memref<10112x128xf32, #tpu.memory_space<hbm>>) target(%arg12 : memref<128x128xf32, #tpu.memory_space<vmem>>) offsets(%arg9 : memref<128xi32, #tpu.memory_space<vmem>>) semaphore(%arg18 : memref<!tpu.dma_semaphore, #tpu.memory_space<semaphore_mem>>)
      %dma_wait3A_83 = arith.constant 0 : i32
      %dma_wait3A_84 = arith.constant 0 : i32
      %dma_wait3A_85 = tpu.memref_slice %arg2[%dma_wait3A_83, %dma_wait3A_84] : memref<10112x128xf32, #tpu.memory_space<hbm>> -> memref<10112x128xf32, #tpu.memory_space<hbm>>
      tpu.wait_indirect_dma semaphore(%arg17 : memref<!tpu.dma_semaphore, #tpu.memory_space<semaphore_mem>>) src(%dma_wait3A_85 : memref<10112x128xf32, #tpu.memory_space<hbm>>) dst(%arg11 : memref<128x128xf32, #tpu.memory_space<vmem>>)
      "tpu.region"() ({
        %run_scoped3A = tpu.sem_alloc : memref<!tpu.dma_semaphore, #tpu.memory_space<semaphore_mem>>
        %dma_start3A_103 = arith.constant 0 : i32
        %dma_start3A_104 = arith.constant 0 : i32
        %dma_start3A_105 = tpu.memref_slice %arg14[%dma_start3A_103, %dma_start3A_104] : memref<10112x128xf32, #tpu.memory_space<vmem_shared>> -> memref<10112x128xf32, #tpu.memory_space<vmem_shared>>
        tpu.enqueue_indirect_dma source(%arg11 : memref<128x128xf32, #tpu.memory_space<vmem>>) target(%dma_start3A_105 : memref<10112x128xf32, #tpu.memory_space<vmem_shared>>) offsets(%arg8 : memref<128xi32, #tpu.memory_space<vmem>>) semaphore(%run_scoped3A : memref<!tpu.dma_semaphore, #tpu.memory_space<semaphore_mem>>) {add = true}
        %dma_wait3A_106 = arith.constant 0 : i32
        %dma_wait3A_107 = arith.constant 0 : i32
        %dma_wait3A_108 = tpu.memref_slice %arg14[%dma_wait3A_106, %dma_wait3A_107] : memref<10112x128xf32, #tpu.memory_space<vmem_shared>> -> memref<10112x128xf32, #tpu.memory_space<vmem_shared>>
        tpu.wait_indirect_dma semaphore(%run_scoped3A : memref<!tpu.dma_semaphore, #tpu.memory_space<semaphore_mem>>) src(%arg11 : memref<128x128xf32, #tpu.memory_space<vmem>>) dst(%dma_wait3A_108 : memref<10112x128xf32, #tpu.memory_space<vmem_shared>>)
        tpu.yield
      }) : () -> ()
      %add3A_86 = arith.constant 2 : i32
      %add3A_87 = arith.addi %mul3A_67, %add3A_86 : i32
      %lt3A_88 = arith.constant 78 : i32
      %lt3A_89 = arith.cmpi slt, %add3A_87, %lt3A_88 : i32
      %convert_element_type3A_90 = arith.extui %lt3A_89 : i1 to i32
      %cond3A_91 = arith.constant 0 : i32
      %cond3A_92 = arith.cmpi ne, %convert_element_type3A_90, %cond3A_91 : i32
      scf.if %cond3A_92 {
        %add3A_103 = arith.constant 2 : i32
        %add3A_104 = arith.addi %mul3A_67, %add3A_103 : i32
        %add3A_105 = arith.addi %add3A_4, %add3A_104 : i32
        %mul3A_106 = arith.constant 128 : i32
        %mul3A_107 = arith.muli %add3A_105, %mul3A_106 : i32
        %dma_start3A_108 = tpu.memref_slice %arg3[%mul3A_107] : memref<320000xi32, #tpu.memory_space<hbm>> -> memref<128xi32, #tpu.memory_space<hbm>>
        %dma_start3A_109 = tpu.memref_slice %arg3[%mul3A_107] : memref<320000xi32, #tpu.memory_space<hbm>> -> memref<128xi32, #tpu.memory_space<hbm>>
        tpu.enqueue_dma source(%dma_start3A_109 : memref<128xi32, #tpu.memory_space<hbm>>) target(%arg7 : memref<128xi32, #tpu.memory_space<vmem>>) target_semaphore(%arg15 : memref<!tpu.dma_semaphore, #tpu.memory_space<semaphore_mem>>)
        %add3A_110 = arith.addi %add3A_4, %add3A_104 : i32
        %mul3A_111 = arith.constant 128 : i32
        %mul3A_112 = arith.muli %add3A_110, %mul3A_111 : i32
        %dma_start3A_113 = tpu.memref_slice %arg4[%mul3A_112] : memref<320000xi32, #tpu.memory_space<hbm>> -> memref<128xi32, #tpu.memory_space<hbm>>
        %dma_start3A_114 = tpu.memref_slice %arg4[%mul3A_112] : memref<320000xi32, #tpu.memory_space<hbm>> -> memref<128xi32, #tpu.memory_space<hbm>>
        tpu.enqueue_dma source(%dma_start3A_114 : memref<128xi32, #tpu.memory_space<hbm>>) target(%arg8 : memref<128xi32, #tpu.memory_space<vmem>>) target_semaphore(%arg15 : memref<!tpu.dma_semaphore, #tpu.memory_space<semaphore_mem>>)
        %add3A_115 = arith.constant 2 : i32
        %add3A_116 = arith.addi %mul3A_67, %add3A_115 : i32
        %add3A_117 = arith.addi %add3A_4, %add3A_116 : i32
        %mul3A_118 = arith.constant 128 : i32
        %mul3A_119 = arith.muli %add3A_117, %mul3A_118 : i32
        %dma_wait3A_120 = tpu.memref_slice %arg3[%mul3A_119] : memref<320000xi32, #tpu.memory_space<hbm>> -> memref<128xi32, #tpu.memory_space<hbm>>
        %dma_wait3A_121 = tpu.memref_slice %arg3[%mul3A_119] : memref<320000xi32, #tpu.memory_space<hbm>> -> memref<128xi32, #tpu.memory_space<hbm>>
        tpu.wait_dma2 semaphore(%arg15 : memref<!tpu.dma_semaphore, #tpu.memory_space<semaphore_mem>>) src(%dma_wait3A_121 : memref<128xi32, #tpu.memory_space<hbm>>) dst(%arg7 : memref<128xi32, #tpu.memory_space<vmem>>)
        %add3A_122 = arith.addi %add3A_4, %add3A_116 : i32
        %mul3A_123 = arith.constant 128 : i32
        %mul3A_124 = arith.muli %add3A_122, %mul3A_123 : i32
        %dma_wait3A_125 = tpu.memref_slice %arg4[%mul3A_124] : memref<320000xi32, #tpu.memory_space<hbm>> -> memref<128xi32, #tpu.memory_space<hbm>>
        %dma_wait3A_126 = tpu.memref_slice %arg4[%mul3A_124] : memref<320000xi32, #tpu.memory_space<hbm>> -> memref<128xi32, #tpu.memory_space<hbm>>
        tpu.wait_dma2 semaphore(%arg15 : memref<!tpu.dma_semaphore, #tpu.memory_space<semaphore_mem>>) src(%dma_wait3A_126 : memref<128xi32, #tpu.memory_space<hbm>>) dst(%arg8 : memref<128xi32, #tpu.memory_space<vmem>>)
        %dma_start3A_127 = arith.constant 0 : i32
        %dma_start3A_128 = arith.constant 0 : i32
        %dma_start3A_129 = tpu.memref_slice %arg2[%dma_start3A_127, %dma_start3A_128] : memref<10112x128xf32, #tpu.memory_space<hbm>> -> memref<10112x128xf32, #tpu.memory_space<hbm>>
        tpu.enqueue_indirect_dma source(%dma_start3A_129 : memref<10112x128xf32, #tpu.memory_space<hbm>>) target(%arg11 : memref<128x128xf32, #tpu.memory_space<vmem>>) offsets(%arg7 : memref<128xi32, #tpu.memory_space<vmem>>) semaphore(%arg17 : memref<!tpu.dma_semaphore, #tpu.memory_space<semaphore_mem>>)
      } else {
      }
      %dma_wait3A_93 = arith.constant 0 : i32
      %dma_wait3A_94 = arith.constant 0 : i32
      %dma_wait3A_95 = tpu.memref_slice %arg2[%dma_wait3A_93, %dma_wait3A_94] : memref<10112x128xf32, #tpu.memory_space<hbm>> -> memref<10112x128xf32, #tpu.memory_space<hbm>>
      tpu.wait_indirect_dma semaphore(%arg18 : memref<!tpu.dma_semaphore, #tpu.memory_space<semaphore_mem>>) src(%dma_wait3A_95 : memref<10112x128xf32, #tpu.memory_space<hbm>>) dst(%arg12 : memref<128x128xf32, #tpu.memory_space<vmem>>)
      "tpu.region"() ({
        %run_scoped3A = tpu.sem_alloc : memref<!tpu.dma_semaphore, #tpu.memory_space<semaphore_mem>>
        %dma_start3A_103 = arith.constant 0 : i32
        %dma_start3A_104 = arith.constant 0 : i32
        %dma_start3A_105 = tpu.memref_slice %arg14[%dma_start3A_103, %dma_start3A_104] : memref<10112x128xf32, #tpu.memory_space<vmem_shared>> -> memref<10112x128xf32, #tpu.memory_space<vmem_shared>>
        tpu.enqueue_indirect_dma source(%arg12 : memref<128x128xf32, #tpu.memory_space<vmem>>) target(%dma_start3A_105 : memref<10112x128xf32, #tpu.memory_space<vmem_shared>>) offsets(%arg10 : memref<128xi32, #tpu.memory_space<vmem>>) semaphore(%run_scoped3A : memref<!tpu.dma_semaphore, #tpu.memory_space<semaphore_mem>>) {add = true}
        %dma_wait3A_106 = arith.constant 0 : i32
        %dma_wait3A_107 = arith.constant 0 : i32
        %dma_wait3A_108 = tpu.memref_slice %arg14[%dma_wait3A_106, %dma_wait3A_107] : memref<10112x128xf32, #tpu.memory_space<vmem_shared>> -> memref<10112x128xf32, #tpu.memory_space<vmem_shared>>
        tpu.wait_indirect_dma semaphore(%run_scoped3A : memref<!tpu.dma_semaphore, #tpu.memory_space<semaphore_mem>>) src(%arg12 : memref<128x128xf32, #tpu.memory_space<vmem>>) dst(%dma_wait3A_108 : memref<10112x128xf32, #tpu.memory_space<vmem_shared>>)
        tpu.yield
      }) : () -> ()
      %add3A_96 = arith.constant 3 : i32
      %add3A_97 = arith.addi %mul3A_67, %add3A_96 : i32
      %lt3A_98 = arith.constant 78 : i32
      %lt3A_99 = arith.cmpi slt, %add3A_97, %lt3A_98 : i32
      %convert_element_type3A_100 = arith.extui %lt3A_99 : i1 to i32
      %cond3A_101 = arith.constant 0 : i32
      %cond3A_102 = arith.cmpi ne, %convert_element_type3A_100, %cond3A_101 : i32
      scf.if %cond3A_102 {
        %add3A_103 = arith.constant 3 : i32
        %add3A_104 = arith.addi %mul3A_67, %add3A_103 : i32
        %add3A_105 = arith.addi %add3A_4, %add3A_104 : i32
        %mul3A_106 = arith.constant 128 : i32
        %mul3A_107 = arith.muli %add3A_105, %mul3A_106 : i32
        %dma_start3A_108 = tpu.memref_slice %arg3[%mul3A_107] : memref<320000xi32, #tpu.memory_space<hbm>> -> memref<128xi32, #tpu.memory_space<hbm>>
        %dma_start3A_109 = tpu.memref_slice %arg3[%mul3A_107] : memref<320000xi32, #tpu.memory_space<hbm>> -> memref<128xi32, #tpu.memory_space<hbm>>
        tpu.enqueue_dma source(%dma_start3A_109 : memref<128xi32, #tpu.memory_space<hbm>>) target(%arg9 : memref<128xi32, #tpu.memory_space<vmem>>) target_semaphore(%arg16 : memref<!tpu.dma_semaphore, #tpu.memory_space<semaphore_mem>>)
        %add3A_110 = arith.addi %add3A_4, %add3A_104 : i32
        %mul3A_111 = arith.constant 128 : i32
        %mul3A_112 = arith.muli %add3A_110, %mul3A_111 : i32
        %dma_start3A_113 = tpu.memref_slice %arg4[%mul3A_112] : memref<320000xi32, #tpu.memory_space<hbm>> -> memref<128xi32, #tpu.memory_space<hbm>>
        %dma_start3A_114 = tpu.memref_slice %arg4[%mul3A_112] : memref<320000xi32, #tpu.memory_space<hbm>> -> memref<128xi32, #tpu.memory_space<hbm>>
        tpu.enqueue_dma source(%dma_start3A_114 : memref<128xi32, #tpu.memory_space<hbm>>) target(%arg10 : memref<128xi32, #tpu.memory_space<vmem>>) target_semaphore(%arg16 : memref<!tpu.dma_semaphore, #tpu.memory_space<semaphore_mem>>)
      } else {
      }
    }
    %scan3A_59 = arith.constant 39 : i32
    %convert_element_type3A = arith.extui %lt3A_5 : i1 to i32
    %cond3A = arith.constant 0 : i32
    %cond3A_60 = arith.cmpi ne, %convert_element_type3A, %cond3A : i32
    scf.if %cond3A_60 {
      %add3A_65 = arith.constant 78 : i32
      %add3A_66 = arith.addi %add3A_4, %add3A_65 : i32
      %mul3A_67 = arith.constant 128 : i32
      %mul3A_68 = arith.muli %add3A_66, %mul3A_67 : i32
      %dma_start3A_69 = tpu.memref_slice %arg3[%mul3A_68] : memref<320000xi32, #tpu.memory_space<hbm>> -> memref<128xi32, #tpu.memory_space<hbm>>
      %dma_start3A_70 = tpu.memref_slice %arg3[%mul3A_68] : memref<320000xi32, #tpu.memory_space<hbm>> -> memref<128xi32, #tpu.memory_space<hbm>>
      tpu.enqueue_dma source(%dma_start3A_70 : memref<128xi32, #tpu.memory_space<hbm>>) target(%arg7 : memref<128xi32, #tpu.memory_space<vmem>>) target_semaphore(%arg15 : memref<!tpu.dma_semaphore, #tpu.memory_space<semaphore_mem>>)
      %add3A_71 = arith.constant 78 : i32
      %add3A_72 = arith.addi %add3A_4, %add3A_71 : i32
      %mul3A_73 = arith.constant 128 : i32
      %mul3A_74 = arith.muli %add3A_72, %mul3A_73 : i32
      %dma_start3A_75 = tpu.memref_slice %arg4[%mul3A_74] : memref<320000xi32, #tpu.memory_space<hbm>> -> memref<128xi32, #tpu.memory_space<hbm>>
      %dma_start3A_76 = tpu.memref_slice %arg4[%mul3A_74] : memref<320000xi32, #tpu.memory_space<hbm>> -> memref<128xi32, #tpu.memory_space<hbm>>
      tpu.enqueue_dma source(%dma_start3A_76 : memref<128xi32, #tpu.memory_space<hbm>>) target(%arg8 : memref<128xi32, #tpu.memory_space<vmem>>) target_semaphore(%arg15 : memref<!tpu.dma_semaphore, #tpu.memory_space<semaphore_mem>>)
      %add3A_77 = arith.constant 78 : i32
      %add3A_78 = arith.addi %add3A_4, %add3A_77 : i32
      %mul3A_79 = arith.constant 128 : i32
      %mul3A_80 = arith.muli %add3A_78, %mul3A_79 : i32
      %dma_wait3A_81 = tpu.memref_slice %arg3[%mul3A_80] : memref<320000xi32, #tpu.memory_space<hbm>> -> memref<128xi32, #tpu.memory_space<hbm>>
      %dma_wait3A_82 = tpu.memref_slice %arg3[%mul3A_80] : memref<320000xi32, #tpu.memory_space<hbm>> -> memref<128xi32, #tpu.memory_space<hbm>>
      tpu.wait_dma2 semaphore(%arg15 : memref<!tpu.dma_semaphore, #tpu.memory_space<semaphore_mem>>) src(%dma_wait3A_82 : memref<128xi32, #tpu.memory_space<hbm>>) dst(%arg7 : memref<128xi32, #tpu.memory_space<vmem>>)
      %add3A_83 = arith.constant 78 : i32
      %add3A_84 = arith.addi %add3A_4, %add3A_83 : i32
      %mul3A_85 = arith.constant 128 : i32
      %mul3A_86 = arith.muli %add3A_84, %mul3A_85 : i32
      %dma_wait3A_87 = tpu.memref_slice %arg4[%mul3A_86] : memref<320000xi32, #tpu.memory_space<hbm>> -> memref<128xi32, #tpu.memory_space<hbm>>
      %dma_wait3A_88 = tpu.memref_slice %arg4[%mul3A_86] : memref<320000xi32, #tpu.memory_space<hbm>> -> memref<128xi32, #tpu.memory_space<hbm>>
      tpu.wait_dma2 semaphore(%arg15 : memref<!tpu.dma_semaphore, #tpu.memory_space<semaphore_mem>>) src(%dma_wait3A_88 : memref<128xi32, #tpu.memory_space<hbm>>) dst(%arg8 : memref<128xi32, #tpu.memory_space<vmem>>)
      %dma_start3A_89 = arith.constant 0 : i32
      %dma_start3A_90 = arith.constant 0 : i32
      %dma_start3A_91 = tpu.memref_slice %arg2[%dma_start3A_89, %dma_start3A_90] : memref<10112x128xf32, #tpu.memory_space<hbm>> -> memref<10112x128xf32, #tpu.memory_space<hbm>>
      tpu.enqueue_indirect_dma source(%dma_start3A_91 : memref<10112x128xf32, #tpu.memory_space<hbm>>) target(%arg11 : memref<128x128xf32, #tpu.memory_space<vmem>>) offsets(%arg7 : memref<128xi32, #tpu.memory_space<vmem>>) semaphore(%arg17 : memref<!tpu.dma_semaphore, #tpu.memory_space<semaphore_mem>>)
      %dma_wait3A_92 = arith.constant 0 : i32
      %dma_wait3A_93 = arith.constant 0 : i32
      %dma_wait3A_94 = tpu.memref_slice %arg2[%dma_wait3A_92, %dma_wait3A_93] : memref<10112x128xf32, #tpu.memory_space<hbm>> -> memref<10112x128xf32, #tpu.memory_space<hbm>>
      tpu.wait_indirect_dma semaphore(%arg17 : memref<!tpu.dma_semaphore, #tpu.memory_space<semaphore_mem>>) src(%dma_wait3A_94 : memref<10112x128xf32, #tpu.memory_space<hbm>>) dst(%arg11 : memref<128x128xf32, #tpu.memory_space<vmem>>)
      "tpu.region"() ({
        %run_scoped3A = tpu.sem_alloc : memref<!tpu.dma_semaphore, #tpu.memory_space<semaphore_mem>>
        %dma_start3A_95 = arith.constant 0 : i32
        %dma_start3A_96 = arith.constant 0 : i32
        %dma_start3A_97 = tpu.memref_slice %arg14[%dma_start3A_95, %dma_start3A_96] : memref<10112x128xf32, #tpu.memory_space<vmem_shared>> -> memref<10112x128xf32, #tpu.memory_space<vmem_shared>>
        tpu.enqueue_indirect_dma source(%arg11 : memref<128x128xf32, #tpu.memory_space<vmem>>) target(%dma_start3A_97 : memref<10112x128xf32, #tpu.memory_space<vmem_shared>>) offsets(%arg8 : memref<128xi32, #tpu.memory_space<vmem>>) semaphore(%run_scoped3A : memref<!tpu.dma_semaphore, #tpu.memory_space<semaphore_mem>>) {add = true}
        %dma_wait3A_98 = arith.constant 0 : i32
        %dma_wait3A_99 = arith.constant 0 : i32
        %dma_wait3A_100 = tpu.memref_slice %arg14[%dma_wait3A_98, %dma_wait3A_99] : memref<10112x128xf32, #tpu.memory_space<vmem_shared>> -> memref<10112x128xf32, #tpu.memory_space<vmem_shared>>
        tpu.wait_indirect_dma semaphore(%run_scoped3A : memref<!tpu.dma_semaphore, #tpu.memory_space<semaphore_mem>>) src(%arg11 : memref<128x128xf32, #tpu.memory_space<vmem>>) dst(%dma_wait3A_100 : memref<10112x128xf32, #tpu.memory_space<vmem_shared>>)
        tpu.yield
      }) : () -> ()
    } else {
    }
    %barrier3A_61 = arith.constant 0 : index
    tpu.barrier barrier_id(%barrier3A_61)
    %mul3A_62 = arith.constant 10112 : i32
    %mul3A_63 = arith.muli %arg0, %mul3A_62 : i32
    %add3A_64 = arith.addi %mul3A_63, %mul3A_7 : i32
    "tpu.region"() ({
      %run_scoped3A = tpu.sem_alloc : memref<!tpu.dma_semaphore, #tpu.memory_space<semaphore_mem>>
      %dma_start3A_65 = arith.constant 0 : i32
      %dma_start3A_66 = tpu.memref_slice %arg6[%add3A_64, %dma_start3A_65] : memref<20224x128xf32, #tpu.memory_space<hbm>> -> memref<632x128xf32, #tpu.memory_space<hbm>>
      %dma_start3A_67 = arith.constant 0 : i32
      %dma_start3A_68 = tpu.memref_slice %arg14[%mul3A_7, %dma_start3A_67] : memref<10112x128xf32, #tpu.memory_space<vmem_shared>> -> memref<632x128xf32, #tpu.memory_space<vmem_shared>>
      tpu.enqueue_dma source(%dma_start3A_68 : memref<632x128xf32, #tpu.memory_space<vmem_shared>>) target(%dma_start3A_66 : memref<632x128xf32, #tpu.memory_space<hbm>>) target_semaphore(%run_scoped3A : memref<!tpu.dma_semaphore, #tpu.memory_space<semaphore_mem>>)
      %dma_wait3A_69 = arith.constant 0 : i32
      %dma_wait3A_70 = tpu.memref_slice %arg6[%add3A_64, %dma_wait3A_69] : memref<20224x128xf32, #tpu.memory_space<hbm>> -> memref<632x128xf32, #tpu.memory_space<hbm>>
      %dma_wait3A_71 = arith.constant 0 : i32
      %dma_wait3A_72 = tpu.memref_slice %arg14[%mul3A_7, %dma_wait3A_71] : memref<10112x128xf32, #tpu.memory_space<vmem_shared>> -> memref<632x128xf32, #tpu.memory_space<vmem_shared>>
      tpu.wait_dma2 semaphore(%run_scoped3A : memref<!tpu.dma_semaphore, #tpu.memory_space<semaphore_mem>>) src(%dma_wait3A_72 : memref<632x128xf32, #tpu.memory_space<vmem_shared>>) dst(%dma_wait3A_70 : memref<632x128xf32, #tpu.memory_space<hbm>>)
      tpu.yield
    }) : () -> ()
    return
  }
}

module attributes {stable_mosaic.version = 14 : i64} {
  func.func @_final_body(%arg0: memref<2x10112x128xf32, #tpu.memory_space<vmem>>, %arg1: memref<10112x1xf32, #tpu.memory_space<vmem>>, %arg2: memref<128x40xf32, #tpu.memory_space<vmem>>, %arg3: memref<1x40xf32, #tpu.memory_space<vmem>>, %arg4: memref<10000x40xf32, #tpu.memory_space<vmem>>) attributes {dimension_semantics = [], scalar_prefetch = 0 : i64, scratch_operands = 0 : i64, tpu.core_type = #tpu.core_type<tc>} {
    %get3A = arith.constant 0 : index
    %get3A_0 = arith.constant 0 : index
    %get3A_1 = arith.constant 0 : index
    %get3A_2 = vector.load %arg0[%get3A, %get3A_0, %get3A_1] : memref<2x10112x128xf32, #tpu.memory_space<vmem>>, vector<1x10000x128xf32>
    %get3A_3 = vector.shape_cast %get3A_2 : vector<1x10000x128xf32> to vector<10000x128xf32>
    %get3A_4 = arith.constant 1 : index
    %get3A_5 = arith.constant 0 : index
    %get3A_6 = arith.constant 0 : index
    %get3A_7 = vector.load %arg0[%get3A_4, %get3A_5, %get3A_6] : memref<2x10112x128xf32, #tpu.memory_space<vmem>>, vector<1x10000x128xf32>
    %get3A_8 = vector.shape_cast %get3A_7 : vector<1x10000x128xf32> to vector<10000x128xf32>
    %add3A = arith.addf %get3A_3, %get3A_8 : vector<10000x128xf32>
    %get3A_9 = arith.constant 0 : index
    %get3A_10 = arith.constant 0 : index
    %get3A_11 = vector.load %arg1[%get3A_9, %get3A_10] : memref<10112x1xf32, #tpu.memory_space<vmem>>, vector<10112x1xf32>
    %slice3A = vector.extract_strided_slice %get3A_11 {offsets = [0, 0], sizes = [10000, 1], strides = [1, 1]} : vector<10112x1xf32> to vector<10000x1xf32>
    %mul3A = vector.broadcast %slice3A : vector<10000x1xf32> to vector<10000x128xf32>
    %mul3A_12 = arith.mulf %add3A, %mul3A : vector<10000x128xf32>
    %get3A_13 = arith.constant 0 : index
    %get3A_14 = arith.constant 0 : index
    %get3A_15 = vector.load %arg2[%get3A_13, %get3A_14] : memref<128x40xf32, #tpu.memory_space<vmem>>, vector<128x40xf32>
    %dot_general3A = arith.constant dense<0.000000e+00> : vector<10000x40xf32>
    %dot_general3A_16 = tpu.matmul %mul3A_12, %get3A_15, %dot_general3A {dimension_numbers = #tpu.dot_dimension_numbers<[1], [0], [0], [1], [0, 0, 1, 1], [], []>, transpose_lhs_hint = false} : vector<10000x128xf32>, vector<128x40xf32>, vector<10000x40xf32> -> vector<10000x40xf32>
    %get3A_17 = arith.constant 0 : index
    %get3A_18 = arith.constant 0 : index
    %get3A_19 = vector.load %arg3[%get3A_17, %get3A_18] : memref<1x40xf32, #tpu.memory_space<vmem>>, vector<1x40xf32>
    %add3A_20 = vector.broadcast %get3A_19 : vector<1x40xf32> to vector<10000x40xf32>
    %add3A_21 = arith.addf %dot_general3A_16, %add3A_20 : vector<10000x40xf32>
    %swap3A = arith.constant 0 : index
    %swap3A_22 = arith.constant 0 : index
    %swap3A_23 = vector.load %arg4[%swap3A, %swap3A_22] : memref<10000x40xf32, #tpu.memory_space<vmem>>, vector<10000x40xf32>
    tpu.vector_store %arg4[%swap3A, %swap3A_22], %add3A_21 {strides = array<i32>} : memref<10000x40xf32, #tpu.memory_space<vmem>>, vector<10000x40xf32>,
    return
  }
}

module attributes {stable_mosaic.version = 14 : i64} {
  func.func @_prep_body(%arg0: memref<4x10240xf32, #tpu.memory_space<vmem>>, %arg1: memref<10000x128xf32, #tpu.memory_space<vmem>>, %arg2: memref<10112x1xf32, #tpu.memory_space<vmem>>, %arg3: memref<10112x1xf32, #tpu.memory_space<vmem>>, %arg4: memref<10112x128xf32, #tpu.memory_space<vmem>>) attributes {dimension_semantics = [], scalar_prefetch = 0 : i64, scratch_operands = 0 : i64, tpu.core_type = #tpu.core_type<tc>} {
    %get3A = arith.constant 0 : index
    %get3A_0 = arith.constant 0 : index
    %get3A_1 = vector.load %arg0[%get3A, %get3A_0] : memref<4x10240xf32, #tpu.memory_space<vmem>>, vector<4x10240xf32>
    %slice3A = vector.extract_strided_slice %get3A_1 {offsets = [0, 0], sizes = [4, 10112], strides = [1, 1]} : vector<4x10240xf32> to vector<4x10112xf32>
    %slice3A_2 = vector.extract_strided_slice %slice3A {offsets = [0, 0], sizes = [1, 10112], strides = [1, 1]} : vector<4x10112xf32> to vector<1x10112xf32>
    %slice3A_3 = vector.extract_strided_slice %slice3A {offsets = [2, 0], sizes = [1, 10112], strides = [1, 1]} : vector<4x10112xf32> to vector<1x10112xf32>
    %add3A = arith.addf %slice3A_2, %slice3A_3 : vector<1x10112xf32>
    %slice3A_4 = vector.extract_strided_slice %slice3A {offsets = [1, 0], sizes = [1, 10112], strides = [1, 1]} : vector<4x10112xf32> to vector<1x10112xf32>
    %slice3A_5 = vector.extract_strided_slice %slice3A {offsets = [3, 0], sizes = [1, 10112], strides = [1, 1]} : vector<4x10112xf32> to vector<1x10112xf32>
    %add3A_6 = arith.addf %slice3A_4, %slice3A_5 : vector<1x10112xf32>
    %gt3A = arith.constant 0.000000e+00 : f32
    %gt3A_7 = vector.broadcast %gt3A : f32 to vector<1x10112xf32>
    %gt3A_8 = arith.cmpf ogt, %add3A, %gt3A_7 : vector<1x10112xf32>
    %jit3A = arith.constant 1.000000e+00 : f32
    %broadcast_in_dim3A = vector.broadcast %jit3A : f32 to vector<1x10112xf32>
    %select_n3A = arith.select %gt3A_8, %add3A, %broadcast_in_dim3A : vector<1x10112xi1>, vector<1x10112xf32>
    %rsqrt3A = math.rsqrt %select_n3A : vector<1x10112xf32>
    %transpose3A = tpu.transpose %rsqrt3A, [1, 0] : vector<1x10112xf32> -> vector<10112x1xf32>
    %gt3A_9 = arith.constant 0.000000e+00 : f32
    %gt3A_10 = vector.broadcast %gt3A_9 : f32 to vector<1x10112xf32>
    %gt3A_11 = arith.cmpf ogt, %add3A_6, %gt3A_10 : vector<1x10112xf32>
    %jit3A_12 = arith.constant 1.000000e+00 : f32
    %broadcast_in_dim3A_13 = vector.broadcast %jit3A_12 : f32 to vector<1x10112xf32>
    %select_n3A_14 = arith.select %gt3A_11, %add3A_6, %broadcast_in_dim3A_13 : vector<1x10112xi1>, vector<1x10112xf32>
    %rsqrt3A_15 = math.rsqrt %select_n3A_14 : vector<1x10112xf32>
    %transpose3A_16 = tpu.transpose %rsqrt3A_15, [1, 0] : vector<1x10112xf32> -> vector<10112x1xf32>
    %swap3A = arith.constant 0 : index
    %swap3A_17 = arith.constant 0 : index
    %swap3A_18 = vector.load %arg2[%swap3A, %swap3A_17] : memref<10112x1xf32, #tpu.memory_space<vmem>>, vector<10112x1xf32>
    tpu.vector_store %arg2[%swap3A, %swap3A_17], %transpose3A {strides = array<i32>} : memref<10112x1xf32, #tpu.memory_space<vmem>>, vector<10112x1xf32>,
    %swap3A_19 = arith.constant 0 : index
    %swap3A_20 = arith.constant 0 : index
    %swap3A_21 = vector.load %arg3[%swap3A_19, %swap3A_20] : memref<10112x1xf32, #tpu.memory_space<vmem>>, vector<10112x1xf32>
    tpu.vector_store %arg3[%swap3A_19, %swap3A_20], %transpose3A_16 {strides = array<i32>} : memref<10112x1xf32, #tpu.memory_space<vmem>>, vector<10112x1xf32>,
    %get3A_22 = arith.constant 0 : index
    %get3A_23 = arith.constant 0 : index
    %get3A_24 = vector.load %arg1[%get3A_22, %get3A_23] : memref<10000x128xf32, #tpu.memory_space<vmem>>, vector<10000x128xf32>
    %slice3A_25 = vector.extract_strided_slice %transpose3A {offsets = [0, 0], sizes = [10000, 1], strides = [1, 1]} : vector<10112x1xf32> to vector<10000x1xf32>
    %mul3A = vector.broadcast %slice3A_25 : vector<10000x1xf32> to vector<10000x128xf32>
    %mul3A_26 = arith.mulf %get3A_24, %mul3A : vector<10000x128xf32>
    %broadcast_in_dim3A_27 = arith.constant 0.000000e+00 : f32
    %broadcast_in_dim3A_28 = vector.broadcast %broadcast_in_dim3A_27 : f32 to vector<112x128xf32>
    %concatenate3A = tpu.concatenate %mul3A_26, %broadcast_in_dim3A_28 in 0 : vector<10000x128xf32>, vector<112x128xf32> -> vector<10112x128xf32>
    %swap3A_29 = arith.constant 0 : index
    %swap3A_30 = arith.constant 0 : index
    %swap3A_31 = vector.load %arg4[%swap3A_29, %swap3A_30] : memref<10112x128xf32, #tpu.memory_space<vmem>>, vector<10112x128xf32>
    tpu.vector_store %arg4[%swap3A_29, %swap3A_30], %concatenate3A {strides = array<i32>} : memref<10112x128xf32, #tpu.memory_space<vmem>>, vector<10112x128xf32>,
    return
  }
}

module attributes {stable_mosaic.version = 14 : i64} {
  func.func @_mid_body(%arg0: memref<2x10112x128xf32, #tpu.memory_space<vmem>>, %arg1: memref<10112x1xf32, #tpu.memory_space<vmem>>, %arg2: memref<10112x1xf32, #tpu.memory_space<vmem>>, %arg3: memref<128x128xf32, #tpu.memory_space<vmem>>, %arg4: memref<1x128xf32, #tpu.memory_space<vmem>>, %arg5: memref<10112x128xf32, #tpu.memory_space<vmem>>) attributes {dimension_semantics = [], scalar_prefetch = 0 : i64, scratch_operands = 0 : i64, tpu.core_type = #tpu.core_type<tc>} {
    %get3A = arith.constant 0 : index
    %get3A_0 = arith.constant 0 : index
    %get3A_1 = arith.constant 0 : index
    %get3A_2 = vector.load %arg0[%get3A, %get3A_0, %get3A_1] : memref<2x10112x128xf32, #tpu.memory_space<vmem>>, vector<1x10112x128xf32>
    %get3A_3 = vector.shape_cast %get3A_2 : vector<1x10112x128xf32> to vector<10112x128xf32>
    %get3A_4 = arith.constant 1 : index
    %get3A_5 = arith.constant 0 : index
    %get3A_6 = arith.constant 0 : index
    %get3A_7 = vector.load %arg0[%get3A_4, %get3A_5, %get3A_6] : memref<2x10112x128xf32, #tpu.memory_space<vmem>>, vector<1x10112x128xf32>
    %get3A_8 = vector.shape_cast %get3A_7 : vector<1x10112x128xf32> to vector<10112x128xf32>
    %add3A = arith.addf %get3A_3, %get3A_8 : vector<10112x128xf32>
    %get3A_9 = arith.constant 0 : index
    %get3A_10 = arith.constant 0 : index
    %get3A_11 = vector.load %arg1[%get3A_9, %get3A_10] : memref<10112x1xf32, #tpu.memory_space<vmem>>, vector<10112x1xf32>
    %mul3A = vector.broadcast %get3A_11 : vector<10112x1xf32> to vector<10112x128xf32>
    %mul3A_12 = arith.mulf %add3A, %mul3A : vector<10112x128xf32>
    %get3A_13 = arith.constant 0 : index
    %get3A_14 = arith.constant 0 : index
    %get3A_15 = vector.load %arg3[%get3A_13, %get3A_14] : memref<128x128xf32, #tpu.memory_space<vmem>>, vector<128x128xf32>
    %dot_general3A = arith.constant dense<0.000000e+00> : vector<10112x128xf32>
    %dot_general3A_16 = tpu.matmul %mul3A_12, %get3A_15, %dot_general3A {dimension_numbers = #tpu.dot_dimension_numbers<[1], [0], [0], [1], [0, 0, 1, 1], [], []>, transpose_lhs_hint = false} : vector<10112x128xf32>, vector<128x128xf32>, vector<10112x128xf32> -> vector<10112x128xf32>
    %get3A_17 = arith.constant 0 : index
    %get3A_18 = arith.constant 0 : index
    %get3A_19 = vector.load %arg4[%get3A_17, %get3A_18] : memref<1x128xf32, #tpu.memory_space<vmem>>, vector<1x128xf32>
    %add3A_20 = vector.broadcast %get3A_19 : vector<1x128xf32> to vector<10112x128xf32>
    %add3A_21 = arith.addf %dot_general3A_16, %add3A_20 : vector<10112x128xf32>
    %max3A = arith.constant 0.000000e+00 : f32
    %max3A_22 = vector.broadcast %max3A : f32 to vector<10112x128xf32>
    %max3A_23 = arith.maximumf %add3A_21, %max3A_22 : vector<10112x128xf32>
    %get3A_24 = arith.constant 0 : index
    %get3A_25 = arith.constant 0 : index
    %get3A_26 = vector.load %arg2[%get3A_24, %get3A_25] : memref<10112x1xf32, #tpu.memory_space<vmem>>, vector<10112x1xf32>
    %mul3A_27 = vector.broadcast %get3A_26 : vector<10112x1xf32> to vector<10112x128xf32>
    %mul3A_28 = arith.mulf %max3A_23, %mul3A_27 : vector<10112x128xf32>
    %swap3A = arith.constant 0 : index
    %swap3A_29 = arith.constant 0 : index
    %swap3A_30 = vector.load %arg5[%swap3A, %swap3A_29] : memref<10112x128xf32, #tpu.memory_space<vmem>>, vector<10112x128xf32>
    tpu.vector_store %arg5[%swap3A, %swap3A_29], %mul3A_28 {strides = array<i32>} : memref<10112x128xf32, #tpu.memory_space<vmem>>, vector<10112x128xf32>,
    return
  }
}

</mosaic_0001>

<sc_bundles>
// kernel: kernel.10.cloned.1.call-start
scs
__scs_entry_jumppad:
0x0: {  	(pc) =	sbr.rel $0x88, $3  }
0x1: {  	(tag) =	ssettag $0x0;
	lr =	simm.s32 $0x1  }
0x2: {  	[smem:$0x3F99] =	sst lr;
	_ =	strace $0xD0000000  }
0x3: {  	_ = 	snop  }
0x4: {  	_ = 	snop  }
0x5: {  	_ = 	snop  }
0x6: {  	_ = 	snop  }
0x7: {  	_ = 	snop  }
__scs_overlays_trampoline_lowered:
0x8: {  	[smem:$0x3FA8] =	sst s0  }
0x9: {  	[smem:$0x3FA9] =	sst s1  }
0xa: {  	[smem:$0x3FAA] =	sst s2  }
0xb: {  	[smem:$0x3FAB] =	sst s3  }
0xc: {  	[smem:$0x3FAC] =	sst s4  }
0xd: {  	[smem:$0x3FAD] =	sst s5  }
0xe: {  	[smem:$0x3FAE] =	sst s6  }
0xf: {  	[smem:$0x3FAF] =	sst s7  }
0x10: {  	[smem:$0x3FB0] =	sst s8  }
0x11: {  	[smem:$0x3FB1] =	sst s9;
	s0 =	simm.s32 @!p0 $0x0  }
0x12: {  	s1 =	sld [smem:$0x3F97];
	s0 =	simm.s32 @p0 $0x1  }
0x13: {  	[smem:$0x3FB2] =	sst s0;
	s0 =	simm.s32 @!p1 $0x0  }
0x14: {  	s2 =	sld [smem:$0x3F96];
	s0 =	simm.s32 @p1 $0x1  }
0x15: {  	[smem:$0x3FB3] =	sst s0;
	s0 =	simm.s32 @!p2 $0x0  }
0x16: {  	s3 =	sld [smem:$0x3FDB];
	s0 =	simm.s32 @p2 $0x1  }
0x17: {  	s4 =	simm.s32 $0x1BF5;
	[smem:$0x3FB5] =	sst s0  }
0x18: {  	s0 =	sld [smem:$0x3F98];
	_ =	swait.ge [sflag:s4], $0x0  }
0x19: {  	s7 =	sld [smem:$0x3F99]  }
0x1a: {  	s8 =	sadd.s32 $0xFFFFE003, lr  }
0x1b: {  	s9 =	sadd.s32 $0xFFFFFEF7, lr;
	s5 =	simm.s32 $0xFFFFFFFF;
	p2 =	slt.u32 s8, $0xFFFFF086  }
0x1c: {  	p1 =	slt.u32 s9, $0xF7A;
	s5 =	simm.s32 @!p2 $0x0  }
0x1d: {  	s5 =	simm.s32 @p1 $0x1;
	p0 =	seq.s32 s7, s2  }
0x1e: {  	s7 =	smul.u32 @!p0 $0xF7A, s2;
	p2 =	seq.s32 @!p0 s5, $0x0  }
0x1f: {  	s9 =	smul.u32 $0xF7A, s1;
	s8 =	simm.s32 @!p0 $0x1BF5;
	p2 =	por !p2, p0  }
0x20: {  	[sflag:s8] =	ssyncset.s32 @!p0 $0xFFFFF086;
	s6 =	sadd.s32 @!p0 s3, s7;
	s7 =	simm.s32 @!p0 $0x108  }
0x21: {  	s3 =	sadd.s32 s3, s9;
	s6 =	sadd.s32 @!p0 $0x88, s6;
	s7 =	simm.s32 @p2 $0x1082  }
0x22: {  	[simem:s7], [sflag:s8] =	dma.local @!p0 [hbm:s6], $0xF7A  }
0x23: {  	s9 =	sor.u32 $0xD0000000, s2;
	s6 =	simm.s32 $0x108;
	_ =	swait.ge @!p0 [sflag:s8], $0x0  }
0x24: {  	s3 =	sadd.s32 $0x88, s3;
	s6 =	simm.s32 @!p1 $0x1082;
	[sflag:s4] =	ssyncset.s32 $0xFFFFF086  }
0x25: {  	[simem:s6], [sflag:s4] =	dma.local [hbm:s3], $0xF7A  }
0x26: {  	[smem:$0x3F99] =	sst s1;
	(tag) =	ssettag s2;
	_ =	strace s9  }
0x27: {  	s1 =	sld [smem:$0x3FA9]  }
0x28: {  	s2 =	sld [smem:$0x3FAA]  }
0x29: {  	s4 =	sld [smem:$0x3FAC]  }
0x2a: {  	p0 =	seq.s32 s5, $0x0;
	s5 =	sld [smem:$0x3FAD]  }
0x2b: {  	s6 =	sld [smem:$0x3FAE]  }
0x2c: {  	s7 =	sld [smem:$0x3FAF]  }
0x2d: {  	s3 =	simm.s32 $0x108;
	s8 =	sld [smem:$0x3FB0]  }
0x2e: {  	s3 =	simm.s32 @!p0 $0x1082;
	s9 =	sld [smem:$0x3FB1]  }
0x2f: {  	lr =	sadd.s32 s0, s3;
	s0 =	sld [smem:$0x3FA8]  }
0x30: {  	s3 =	sld [smem:$0x3FAB]  }
0x31: {  	[smem:$0x3FB4] =	sst s10  }
0x32: {  	s10 =	sld [smem:$0x3FB2];
	_ =	sdelay $0x3  }
0x33: {  	p0 =	seq.s32 s10, $0x1;
	s10 =	sld [smem:$0x3FB4];
	_ =	sdelay $0x3  }
0x34: {  	[smem:$0x3FB4] =	sst s10  }
0x35: {  	s10 =	sld [smem:$0x3FB3];
	_ =	sdelay $0x3  }
0x36: {  	p1 =	seq.s32 s10, $0x1;
	s10 =	sld [smem:$0x3FB4];
	_ =	sdelay $0x3  }
0x37: {  	[smem:$0x3FB4] =	sst s10  }
0x38: {  	s10 =	sld [smem:$0x3FB5]  }
0x39: {  	_ = 	snop;
	(pc) =	sbr.ind lr, $3  }
0x3a: {  	_ = 	snop  }
0x3b: {  	_ = 	snop  }
0x3c: {  	p2 =	seq.s32 s10, $0x1;
	s10 =	sld [smem:$0x3FB4]  }
0x3d: {  	_ =	shalt  }
0x3e: {  	_ =	shalt  }
0x3f: {  	_ =	shalt  }
0x40: {  	_ =	shalt  }
0x41: {  	_ =	shalt  }
0x42: {  	_ =	shalt  }
0x43: {  	_ =	shalt  }
0x44: {  	_ =	shalt  }
0x45: {  	_ =	shalt  }
0x46: {  	_ =	shalt  }
0x47: {  	_ =	shalt  }
0x48: {  	_ =	shalt  }
0x49: {  	_ =	shalt  }
0x4a: {  	_ =	shalt  }
0x4b: {  	_ =	shalt  }
0x4c: {  	_ =	shalt  }
0x4d: {  	_ =	shalt  }
0x4e: {  	_ =	shalt  }
0x4f: {  	_ =	shalt  }
0x50: {  	_ =	shalt  }
0x51: {  	_ =	shalt  }
0x52: {  	_ =	shalt  }
0x53: {  	_ =	shalt  }
0x54: {  	_ =	shalt  }
0x55: {  	_ =	shalt  }
0x56: {  	_ =	shalt  }
0x57: {  	_ =	shalt  }
0x58: {  	_ =	shalt  }
0x59: {  	_ =	shalt  }
0x5a: {  	_ =	shalt  }
0x5b: {  	_ =	shalt  }
0x5c: {  	_ =	shalt  }
0x5d: {  	_ =	shalt  }
0x5e: {  	_ =	shalt  }
0x5f: {  	_ =	shalt  }
0x60: {  	_ =	shalt  }
0x61: {  	_ =	shalt  }
0x62: {  	_ =	shalt  }
0x63: {  	_ =	shalt  }
0x64: {  	_ =	shalt  }
0x65: {  	_ =	shalt  }
0x66: {  	_ =	shalt  }
0x67: {  	_ =	shalt  }
0x68: {  	_ =	shalt  }
0x69: {  	_ =	shalt  }
0x6a: {  	_ =	shalt  }
0x6b: {  	_ =	shalt  }
0x6c: {  	_ =	shalt  }
0x6d: {  	_ =	shalt  }
0x6e: {  	_ =	shalt  }
0x6f: {  	_ =	shalt  }
0x70: {  	_ =	shalt  }
0x71: {  	_ =	shalt  }
0x72: {  	_ =	shalt  }
0x73: {  	_ =	shalt  }
0x74: {  	_ =	shalt  }
0x75: {  	_ =	shalt  }
0x76: {  	_ =	shalt  }
0x77: {  	_ =	shalt  }
0x78: {  	_ =	shalt  }
0x79: {  	_ =	shalt  }
0x7a: {  	_ =	shalt  }
0x7b: {  	_ =	shalt  }
0x7c: {  	_ =	shalt  }
0x7d: {  	_ =	shalt  }
0x7e: {  	_ =	shalt  }
0x7f: {  	_ =	shalt  }
0x80: {  	_ =	shalt  }
0x81: {  	_ =	shalt  }
0x82: {  	_ =	shalt  }
0x83: {  	_ =	shalt  }
0x84: {  	_ =	shalt  }
0x85: {  	_ =	shalt  }
0x86: {  	_ =	shalt  }
0x87: {  	_ =	shalt  }
.Lfunc_end0:
.L_simem_size_0:
called_computation_lowered:
.L_overlay_start_0:
0x88: {  	s2 =	sld [smem:$0x3FD9]  }
0x89: {  	s3 =	sld [smem:$0x3FFE];
	_ =	sdelay $0x1  }
0x8a: {  	s1 =	srdreg.scid  }
0x8b: {  	s0 =	sand.u32 $0x1, s1  }
0x8c: {  	s17 =	sshll.u32 s0, $0xA;
	s2 =	sadd.s32 s3, s2  }
0x8d: {  	s2 =	sadd.s32 s2, s17  }
0x8e: {  	[smem:$0x3FC0] =	sst s2  }
0x8f: {  	_ = 	snop  }
0x90: {  	s2 =	sld [smem:$0x3FD0];
	(tm) =	ssettm $0x1  }
0x91: {  	s18 =	sld [smem:$0x3FFB];
	_ =	sdelay $0x3  }
0x92: {  	_ =	strace s18  }
0x93: {  	s3 =	sld [smem:$0x3FFC];
	_ =	sdelay $0x3  }
0x94: {  	_ =	strace s3  }
0x95: {  	s3 =	sld [smem:$0x3FFD];
	_ =	sdelay $0x3  }
0x96: {  	_ =	strace s3  }
0x97: {  	_ =	strace $0x8FFFFFFF  }
0x98: {  	s19 =	sld [smem:$0x3FDB];
	_ =	sdelay $0x1  }
0x99: {  	s4 =	simm.s32 $_scs_section_size  }
0x9a: {  	s5 =	simm.s32 $_size__tile_overlayer_lowered;
	s6 =	simm.s32 $_tile_overlayer_lowered  }
0x9b: {  	s22 =	simm.s32 $0x1BFF;
	s21 =	sshll.u32 s6, $0x1;
	s3 =	sadd.s32 s4, s19  }
0x9c: {  	s7 =	simm.s32 $0x0;
	s20 =	sshll.u32 s5, $0x1;
	s5 =	sadd.s32 s21, s3  }
0x9d: {  	[timem:s7], [sflag:s22] =	dma.local [hbm:s5], s20  }
0x9e: {  	_ =	swait.ge [sflag:s22], s20  }
0x9f: {  	s4 =	ssub.s32 $0x0, s20;
	[sflag:s22] =	ssyncset.done $0x0  }
0xa0: {  	[sflag:s22] =	ssyncadd.s32 s4;
	_ =	sdelay $0x1  }
0xa1: {  	s23 =	simm.s32 $0x1B8B  }
0xa2: {  	_ =	swait.ge [sflag:s23], $0x1  }
0xa3: {  	[sflag:s23] =	ssyncset.done $0x0  }
0xa4: {  	s25 =	simm.s32 $0x1B8E;
	s24 =	sld [smem:$0x3FFE];
	[sflag:s23] =	ssyncadd.s32 $0xFFFFFFFF  }
0xa5: {  	s26 =	simm.s32 $execute0_lowered;
	[smem:$0x3FD2] =	sst s25  }
0xa6: {  	s5 =	sshll.u32 s26, $0x1;
	_ =	strace $0x80000046;
	[dreg:$0x1] =	wrdreg $0xFFFFFFFF  }
0xa7: {  	s28 =	simm.s32 $_size_execute0_lowered;
	s3 =	sadd.s32 s3, s5;
	[dreg:$0x0] =	wrdreg $0x0  }
0xa8: {  	s5 =	sshll.u32 s28, $0x1;
	[dreg:$0x2] =	wrdreg s3  }
0xa9: {  	[dreg:$0x3] =	wrdreg s5  }
0xaa: {  	[dreg:$0x4] =	wrdreg $0xC0  }
0xab: {  	_ =	task [dreg:s7], $0x5FFFF  }
0xac: {  	[dreg:$0x1] =	wrdreg $0xFFFFFFFF  }
0xad: {  	[dreg:$0x0] =	wrdreg $0x60  }
0xae: {  	[dreg:$0x2] =	wrdreg s24  }
0xaf: {  	[dreg:$0x3] =	wrdreg s2  }
0xb0: {  	[dreg:$0x4] =	wrdreg $0x5000  }
0xb1: {  	[dreg:$0x5] =	wrdreg $0x7800  }
0xb2: {  	[dreg:$0x6] =	wrdreg $0x9  }
0xb3: {  	_ =	task.clear_ibuf [dreg:s7], $0x7FFFF;
	_ =	strace $0x90000046  }
0xb4: {  	s29 =	simm.s32 $0x9;
	_ =	strace $0x80000048  }
0xb5: {  	_ =	swait.ge [sflag:s29], $0x1  }
0xb6: {  	[sflag:s29] =	ssyncadd.s32 $0xFFFFFFFF  }
0xb7: {  	_ =	strace $0x90000048  }
0xb8: {  	_ =	sfence  }
0xb9: {  	s30 =	sld [smem:$0x0];
	_ =	sdelay $0x2  }
0xba: {  	s31 =	sshll.u32 s1, $0xD;
	s1 =	sshrl.u32 s1, $0x2  }
0xbb: {  	s3 =	sand.u32 $0x4000, s31;
	s1 =	sadd.s32 s1, s30  }
0xbc: {  	s0 =	sor.u32 s3, s0;
	s1 =	sshll.u32 s1, $0x11  }
0xbd: {  	s0 =	sor.u32 s1, s0  }
0xbe: {  	s0 =	sadd.s32 $0x8F2B, s0  }
0xbf: {  	[sflag:s0] =	ssyncadd.remote.s32 $0x1  }
0xc0: {  	_ =	sfence.sel $0xFFFF  }
0xc1: {  	[dreg:$0x0] =	wrdreg $0xFFFFFFFF;
	(pc) =	sbr.abs _section_cstart, $3  }
0xc2: {  	[dreg:$0x1] =	wrdreg $0xFFFFFFFF  }
0xc3: {  	_ =	task.clear_ibuf [dreg:s7], $0x2FFFF;
	_ =	strace $0x9FFFFFFF  }
0xc4: {  	(tm) =	ssettm $0x7FFFFFFF  }
0xc5: {  	_ =	shalt  }
tec
execute0_lowered:
.L_overlay_start_1:
0x0: {  	(tag) =	ssettag $0x1  }
0x1: {  	s0 =	rddreg [dreg:$0x0]  }
0x2: {  	s1 =	rddreg [dreg:$0x1]  }
0x3: {  	s2 =	rddreg [dreg:$0x2]  }
0x4: {  	s3 =	rddreg [dreg:$0x3]  }
0x5: {  	s5 =	srdreg.scid;
	s15 =	stileid.u32  }
0x6: {  	s4 =	simm.s32 $0x0;
	s28 =	simm.s32 $0x180;
	s29 =	simm.s32 $0x1  }
0x7: {  	s30 =	simm.s32 $0x2;
	s31 =	simm.s32 $0x0;
	s8 =	smul.u32 $0x280, s15  }
0x8: {  	s7 =	sand.u32 $0x1, s5;
	[smem:$0x7FF] =	sst s4;
	s23 =	smul.u32 $0x4E, s15  }
0x9: {  	s20 =	sadd.s32 $0x2600, s0;
	s18 =	sadd.s32 $0xC600, s0;
	s6 =	smul.u32 $0x5000, s7  }
0xa: {  	_ =	strace $0x80000047;
	s9 =	sshll.u32 s7, $0x4;
	[dreg:$0x5] =	wrdreg s18  }
0xb: {  	s22 =	ssub.s32 $0x2, s7;
	s13 =	smul.u32 $0x4E0, s7;
	s25 =	sor.u32 s15, s9  }
0xc: {  	s11 =	sshrl.u32 s22, $0x1;
	s7 =	sadd.s32 s8, s2;
	s10 =	sadd.s32 s8, s6  }
0xd: {  	s6 =	sadd.s32 $0xC400, s0;
	s21 =	smul.u32 $0x4E, s25;
	s12 =	smin.u32 s25, $0x4  }
0xe: {  	s17 =	ssub.s32 s22, s11;
	s8 =	sadd.s32 s8, s3;
	s13 =	sadd.s32 s23, s13  }
0xf: {  	s22 =	simm.s32 $0x200;
	s23 =	simm.s32 $0x3;
	p0 =	sgt.u32 s25, $0x3  }
0x10: {  	s25 =	simm.s32 $0x80;
	s19 =	sshrl.u32 s10, $0x3;
	s16 =	sadd.s32 s12, s13  }
0x11: {  	s17 =	smax.u32 s17, $0x1;
	s0 =	sadd.s32 s19, s0;
	s10 =	sadd.s32 s12, s21  }
0x12: {  	s21 =	sshll.u32 s16, $0x4;
	s14 =	sshll.u32 s10, $0x4;
	s15 =	sadd.s32 $0xC800, s0  }
0x13: {  	s19 =	sadd.s32 $0x30, s21;
	s16 =	sadd.s32 $0xCD00, s0;
	s26 =	sadd.s32 s21, s20  }
0x14: {  	s9 =	sadd.s32 s20, s14;
	s10 =	sadd.s32 s1, s14;
	s24 =	sadd.s32 $0x10, s14  }
0x15: {  	s14 =	sadd.s32 $0x4E0, s14;
	s18 =	sadd.s32 s19, s20;
	s19 =	sadd.s32 s19, s1  }
0x16: {  	s11 =	sadd.s32 s20, s24;
	s12 =	sadd.s32 s1, s24;
	s13 =	sadd.s32 s20, s14  }
0x17: {  	s14 =	sadd.s32 s1, s14;
	s1 =	sadd.s32 s21, s1;
	s20 =	sadd.s32 $0x20, s26  }
0x18: {  	s24 =	simm.s32 $0x280;
	s26 =	simm.s32 $0x100;
	s21 =	sadd.s32 $0x20, s1  }
.LBB2_1:
0x19: {  	s0 =	rddreg [dreg:$0x5]  }
0x1a: {  	[tilespmem:s22], [sflag:$0x3] =	stream.linear.gather [hbm4b:s0+s4], $0x80, $0x38;
	[tilespmem:$0xA00] =	vst v63  }
0x1b: {  	_ =	swait.ge [sflag:s23], $0x80  }
0x1c: {  	[sflag:s23] =	ssyncset.done $0x0  }
0x1d: {  	[sflag:s23] =	ssyncadd.s32 $0xFFFFFF80  }
0x1e: {  	[tilespmem:s24], [sflag:$0x3] =	stream.linear.gather [hbm4b:s6+s4], $0x280, $0x38;
	[tilespmem:$0xA00] =	vst v63  }
0x1f: {  	_ =	swait.ge [sflag:s23], $0x280  }
0x20: {  	[sflag:s23] =	ssyncset.done $0x0  }
0x21: {  	[sflag:s23] =	ssyncadd.s32 $0xFFFFFD80  }
0x22: {  	[spmem:s7] =	stream.linear.scatter [tilespmem:s24], [sflag:$0x3], $0x280, $0x38;
	[tilespmem:$0xA00] =	vst v63  }
0x23: {  	_ =	swait.ge [sflag:s23], $0x280  }
0x24: {  	[sflag:s23] =	ssyncset.done $0x0  }
0x25: {  	[sflag:s23] =	ssyncadd.s32 $0xFFFFFD80  }
0x26: {  	[spmem:s8] =	stream.linear.scatter [tilespmem:s24], [sflag:$0x3], $0x280, $0x38;
	[tilespmem:$0xA00] =	vst v63  }
0x27: {  	_ =	swait.ge [sflag:s23], $0x280  }
0x28: {  	[sflag:s23] =	ssyncset.done $0x0  }
0x29: {  	[sflag:s23] =	ssyncadd.s32 $0xFFFFFD80  }
0x2a: {  	[bflag:$0x0] =	sbarrier.arrive $0xFFFF  }
0x2b: {  	[tilespmem:s4], [sflag:$0x1] =	stream.linear.gather [hbm4b:s9+s4], $0x80, $0x38;
	[tilespmem:$0xA00] =	vst v63  }
0x2c: {  	_ = 	snop  }
0x2d: {  	[tilespmem:s25], [sflag:$0x1] =	stream.linear.gather [hbm4b:s10+s4], $0x80, $0x38;
	[tilespmem:$0xA00] =	vst v63  }
0x2e: {  	_ = 	snop  }
0x2f: {  	[tilespmem:s26], [sflag:$0x2] =	stream.linear.gather [hbm4b:s11+s4], $0x80, $0x38;
	[tilespmem:$0xA00] =	vst v63  }
0x30: {  	_ = 	snop  }
0x31: {  	[tilespmem:s28], [sflag:$0x2] =	stream.linear.gather [hbm4b:s12+s4], $0x80, $0x38;
	[tilespmem:$0xA00] =	vst v63  }
0x32: {  	_ =	swait.ge [sflag:s29], $0x80  }
0x33: {  	[sflag:s29] =	ssyncset.done $0x0  }
0x34: {  	[sflag:s29] =	ssyncadd.s32 $0xFFFFFF80  }
0x35: {  	_ =	swait.ge [sflag:s29], $0x80  }
0x36: {  	[sflag:s29] =	ssyncset.done $0x0  }
0x37: {  	[sflag:s29] =	ssyncadd.s32 $0xFFFFFF80  }
0x38: {  	[spmem:s2] =	stream.indirect.scatter.add.f32 [tilespmem:s22], [sflag:$0x3], $0x1, s4, s25, $0xb8;
	[tilespmem:$0xA00] =	vst v63  }
0x39: {  	_ =	swait.ge [sflag:s23], $0x80  }
0x3a: {  	[sflag:s23] =	ssyncset.done $0x0  }
0x3b: {  	[sflag:s23] =	ssyncadd.s32 $0xFFFFFF80  }
0x3c: {  	[spmem:s3] =	stream.indirect.scatter.add.f32 [tilespmem:s22], [sflag:$0x3], $0x1, s25, s25, $0xb8;
	[tilespmem:$0xA00] =	vst v63  }
0x3d: {  	_ =	swait.ge [sflag:s23], $0x80  }
0x3e: {  	[sflag:s23] =	ssyncset.done $0x0  }
0x3f: {  	s5 =	sadd.s32 $0x0, s20;
	[sflag:s23] =	ssyncadd.s32 $0xFFFFFF80  }
0x40: {  	[tilespmem:s4], [sflag:$0x1] =	stream.linear.gather [hbm4b:s5+s4], $0x80, $0x38;
	[tilespmem:$0xA00] =	vst v63  }
0x41: {  	s1 =	sadd.s32 $0x0, s21  }
0x42: {  	[tilespmem:s25], [sflag:$0x1] =	stream.linear.gather [hbm4b:s1+s4], $0x80, $0x38;
	[tilespmem:$0xA00] =	vst v63  }
0x43: {  	_ =	swait.ge [sflag:s30], $0x80  }
0x44: {  	[sflag:s30] =	ssyncset.done $0x0  }
0x45: {  	[sflag:s30] =	ssyncadd.s32 $0xFFFFFF80  }
0x46: {  	_ =	swait.ge [sflag:s30], $0x80  }
0x47: {  	[sflag:s30] =	ssyncset.done $0x0  }
0x48: {  	[sflag:s30] =	ssyncadd.s32 $0xFFFFFF80  }
0x49: {  	[spmem:s2] =	stream.indirect.scatter.add.f32 [tilespmem:s22], [sflag:$0x3], $0x1, s26, s25, $0xb8;
	[tilespmem:$0xA00] =	vst v63  }
0x4a: {  	_ =	swait.ge [sflag:s23], $0x80  }
0x4b: {  	[sflag:s23] =	ssyncset.done $0x0  }
0x4c: {  	[sflag:s23] =	ssyncadd.s32 $0xFFFFFF80  }
0x4d: {  	[spmem:s3] =	stream.indirect.scatter.add.f32 [tilespmem:s22], [sflag:$0x3], $0x1, s28, s25, $0xb8;
	[tilespmem:$0xA00] =	vst v63  }
0x4e: {  	_ =	swait.ge [sflag:s23], $0x80  }
0x4f: {  	s0 =	simm.s32 $0x20;
	[sflag:s23] =	ssyncset.done $0x0  }
0x50: {  	s5 =	sadd.s32 $0x0, s18;
	s1 =	sadd.s32 $0x0, s19;
	[sflag:s23] =	ssyncadd.s32 $0xFFFFFF80  }
0x51: {  	[tilespmem:s26], [sflag:$0x2] =	stream.linear.gather [hbm4b:s5+s4], $0x80, $0x38;
	[tilespmem:$0xA00] =	vst v63  }
.LBB2_2:
0x52: {  	[tilespmem:s28], [sflag:$0x2] =	stream.linear.gather [hbm4b:s1+s4], $0x80, $0x38;
	[tilespmem:$0xA00] =	vst v63  }
0x53: {  	s1 =	smov.u32 s0  }
0x54: {  	p1 =	sne.s32 s0, $0x4A0;
	s0 =	sadd.s32 $0x20, s0;
	_ =	swait.ge [sflag:s29], $0x80  }
0x55: {  	[sflag:s29] =	ssyncset.done $0x0  }
0x56: {  	[sflag:s29] =	ssyncadd.s32 $0xFFFFFF80  }
0x57: {  	_ =	swait.ge [sflag:s29], $0x80  }
0x58: {  	[sflag:s29] =	ssyncset.done $0x0  }
0x59: {  	[sflag:s29] =	ssyncadd.s32 $0xFFFFFF80  }
0x5a: {  	[spmem:s2] =	stream.indirect.scatter.add.f32 [tilespmem:s22], [sflag:$0x3], $0x1, s4, s25, $0xb8;
	[tilespmem:$0xA00] =	vst v63  }
0x5b: {  	_ =	swait.ge [sflag:s23], $0x80  }
0x5c: {  	[sflag:s23] =	ssyncset.done $0x0  }
0x5d: {  	[sflag:s23] =	ssyncadd.s32 $0xFFFFFF80  }
0x5e: {  	[spmem:s3] =	stream.indirect.scatter.add.f32 [tilespmem:s22], [sflag:$0x3], $0x1, s25, s25, $0xb8;
	[tilespmem:$0xA00] =	vst v63  }
0x5f: {  	_ =	swait.ge [sflag:s23], $0x80  }
0x60: {  	[sflag:s23] =	ssyncset.done $0x0  }
0x61: {  	s5 =	sadd.s32 s1, s20;
	[sflag:s23] =	ssyncadd.s32 $0xFFFFFF80  }
0x62: {  	[tilespmem:s4], [sflag:$0x1] =	stream.linear.gather [hbm4b:s5+s4], $0x80, $0x38;
	[tilespmem:$0xA00] =	vst v63  }
0x63: {  	s5 =	sadd.s32 s1, s21  }
0x64: {  	[tilespmem:s25], [sflag:$0x1] =	stream.linear.gather [hbm4b:s5+s4], $0x80, $0x38;
	[tilespmem:$0xA00] =	vst v63  }
0x65: {  	_ =	swait.ge [sflag:s30], $0x80  }
0x66: {  	[sflag:s30] =	ssyncset.done $0x0  }
0x67: {  	[sflag:s30] =	ssyncadd.s32 $0xFFFFFF80  }
0x68: {  	_ =	swait.ge [sflag:s30], $0x80  }
0x69: {  	[sflag:s30] =	ssyncset.done $0x0  }
0x6a: {  	[sflag:s30] =	ssyncadd.s32 $0xFFFFFF80  }
0x6b: {  	[spmem:s2] =	stream.indirect.scatter.add.f32 [tilespmem:s22], [sflag:$0x3], $0x1, s26, s25, $0xb8;
	[tilespmem:$0xA00] =	vst v63  }
0x6c: {  	_ =	swait.ge [sflag:s23], $0x80  }
0x6d: {  	[sflag:s23] =	ssyncset.done $0x0  }
0x6e: {  	[sflag:s23] =	ssyncadd.s32 $0xFFFFFF80  }
0x6f: {  	[spmem:s3] =	stream.indirect.scatter.add.f32 [tilespmem:s22], [sflag:$0x3], $0x1, s28, s25, $0xb8;
	[tilespmem:$0xA00] =	vst v63  }
.Ltmp0:
0x70: {  	_ =	swait.ge [sflag:s23], $0x80;
	(pc) =	sbr.rel @p1 .LBB2_2-.Ltmp0, $4  }
0x71: {  	[sflag:s23] =	ssyncset.done $0x0  }
0x72: {  	s5 =	sadd.s32 s1, s18;
	[sflag:s23] =	ssyncadd.s32 $0xFFFFFF80  }
0x73: {  	[tilespmem:s26], [sflag:$0x2] =	stream.linear.gather [hbm4b:s5+s4], $0x80, $0x38;
	[tilespmem:$0xA00] =	vst v63  }
0x74: {  	s1 =	sadd.s32 s1, s19  }
0x75: {  	[tilespmem:s28], [sflag:$0x2] =	stream.linear.gather [hbm4b:s1+s4], $0x80, $0x38;
	[tilespmem:$0xA00] =	vst v63  }
0x76: {  	_ =	swait.ge [sflag:s29], $0x80  }
0x77: {  	[sflag:s29] =	ssyncset.done $0x0  }
0x78: {  	[sflag:s29] =	ssyncadd.s32 $0xFFFFFF80  }
0x79: {  	_ =	swait.ge [sflag:s29], $0x80  }
0x7a: {  	[sflag:s29] =	ssyncset.done $0x0  }
0x7b: {  	[sflag:s29] =	ssyncadd.s32 $0xFFFFFF80  }
0x7c: {  	[spmem:s2] =	stream.indirect.scatter.add.f32 [tilespmem:s22], [sflag:$0x3], $0x1, s4, s25, $0xb8;
	[tilespmem:$0xA00] =	vst v63  }
0x7d: {  	_ =	swait.ge [sflag:s23], $0x80  }
0x7e: {  	[sflag:s23] =	ssyncset.done $0x0  }
0x7f: {  	[sflag:s23] =	ssyncadd.s32 $0xFFFFFF80  }
0x80: {  	[spmem:s3] =	stream.indirect.scatter.add.f32 [tilespmem:s22], [sflag:$0x3], $0x1, s25, s25, $0xb8;
	[tilespmem:$0xA00] =	vst v63  }
0x81: {  	_ =	swait.ge [sflag:s23], $0x80  }
0x82: {  	[sflag:s23] =	ssyncset.done $0x0  }
0x83: {  	[sflag:s23] =	ssyncadd.s32 $0xFFFFFF80  }
0x84: {  	_ =	swait.ge [sflag:s30], $0x80  }
0x85: {  	[sflag:s30] =	ssyncset.done $0x0  }
0x86: {  	[sflag:s30] =	ssyncadd.s32 $0xFFFFFF80  }
0x87: {  	_ =	swait.ge [sflag:s30], $0x80  }
0x88: {  	[sflag:s30] =	ssyncset.done $0x0  }
0x89: {  	[sflag:s30] =	ssyncadd.s32 $0xFFFFFF80  }
0x8a: {  	[spmem:s2] =	stream.indirect.scatter.add.f32 [tilespmem:s22], [sflag:$0x3], $0x1, s26, s25, $0xb8;
	[tilespmem:$0xA00] =	vst v63  }
0x8b: {  	_ =	swait.ge [sflag:s23], $0x80  }
0x8c: {  	[sflag:s23] =	ssyncset.done $0x0  }
0x8d: {  	[sflag:s23] =	ssyncadd.s32 $0xFFFFFF80  }
0x8e: {  	[spmem:s3] =	stream.indirect.scatter.add.f32 [tilespmem:s22], [sflag:$0x3], $0x1, s28, s25, $0xb8;
	[tilespmem:$0xA00] =	vst v63  }
0x8f: {  	_ =	swait.ge [sflag:s23], $0x80  }
0x90: {  	[sflag:s23] =	ssyncset.done $0x0  }
0x91: {  	s0 =	simm.s32 @!p0 $0x0;
	[sflag:s23] =	ssyncadd.s32 $0xFFFFFF80  }
0x92: {  	[tilespmem:s0], [sflag:$0x1] =	stream.linear.gather @!p0 [hbm4b:s13+s0], $0x80, $0x38;
	[tilespmem:$0xA00] =	vst v63  }
0x93: {  	s1 =	simm.s32 @!p0 $0x80;
	s5 =	simm.s32 @!p0 $0x1  }
0x94: {  	[tilespmem:s1], [sflag:$0x1] =	stream.linear.gather @!p0 [hbm4b:s14+s0], $0x80, $0x38;
	[tilespmem:$0xA00] =	vst v63  }
0x95: {  	_ =	swait.ge @!p0 [sflag:s5], $0x80  }
0x96: {  	[sflag:s5] =	ssyncset.done @!p0 $0x0  }
0x97: {  	[sflag:s5] =	ssyncadd.s32 @!p0 $0xFFFFFF80  }
0x98: {  	_ =	swait.ge @!p0 [sflag:s5], $0x80  }
0x99: {  	[sflag:s5] =	ssyncset.done @!p0 $0x0  }
0x9a: {  	[sflag:s5] =	ssyncadd.s32 @!p0 $0xFFFFFF80;
	s5 =	simm.s32 @!p0 $0x200  }
0x9b: {  	[spmem:s2] =	stream.indirect.scatter.add.f32 @!p0 [tilespmem:s5], [sflag:$0x3], $0x1, s0, s1, $0xb8;
	[tilespmem:$0xA00] =	vst v63  }
0x9c: {  	s0 =	simm.s32 @!p0 $0x3  }
0x9d: {  	_ =	swait.ge @!p0 [sflag:s0], $0x80  }
0x9e: {  	[sflag:s0] =	ssyncset.done @!p0 $0x0  }
0x9f: {  	[sflag:s0] =	ssyncadd.s32 @!p0 $0xFFFFFF80  }
0xa0: {  	[spmem:s3] =	stream.indirect.scatter.add.f32 @!p0 [tilespmem:s5], [sflag:$0x3], $0x1, s1, s1, $0xb8;
	[tilespmem:$0xA00] =	vst v63  }
0xa1: {  	_ =	swait.ge @!p0 [sflag:s0], $0x80  }
0xa2: {  	s1 =	stileid.u32;
	[sflag:s0] =	ssyncset.done @!p0 $0x0  }
0xa3: {  	[sflag:s0] =	ssyncadd.s32 @!p0 $0xFFFFFF80;
	s0 =	sshll.u32 s1, $0x6  }
0xa4: {  	s5 =	sshrl.u32 s7, $0x3;
	[bflag:$0x0] =	sbarrier.arrive $0xFFFF;
	s0 =	sor.u32 $0x1C03, s0  }
0xa5: {  	[hbm:s15], [sflag:s0] =	dma.local [spmem:s5], $0x50  }
0xa6: {  	s31 =	sadd.s32 $0x1, s31;
	_ =	swait.ge [sflag:s23], $0x50  }
0xa7: {  	p1 =	sne.s32 s31, s17;
	[sflag:s23] =	ssyncset.done $0x0  }
.Ltmp1:
0xa8: {  	s5 =	sshrl.u32 s8, $0x3;
	[sflag:s23] =	ssyncadd.s32 $0xFFFFFFB0;
	(pc) =	sbr.rel @p1 .LBB2_1-.Ltmp1, $4  }
0xa9: {  	[hbm:s16], [sflag:s0] =	dma.local [spmem:s5], $0x50  }
0xaa: {  	_ =	swait.ge [sflag:s23], $0x50  }
0xab: {  	[sflag:s23] =	ssyncset.done $0x0  }
0xac: {  	[sflag:s23] =	ssyncadd.s32 $0xFFFFFFB0  }
0xad: {  	_ =	sfence.sel $0x180000  }
0xae: {  	[bflag:$0x0] =	sbarrier.arrive $0xFFFF  }
0xaf: {  	_ =	strace $0x90000047  }
0xb0: {  	s0 =	stileid.u32;
	[bflag:$0x2] =	sbarrier.arrive $0xFFFF  }
0xb1: {  	p0 =	sne.s32 s0, $0x0;
	s0 =	rddreg [dreg:$0x4]  }
0xb2: {  	s0 =	sadd.s32 @!p0 $0x100000, s0  }
0xb3: {  	[sflag:s0] =	ssyncadd.tile.s32 @!p0 $0x1;
	_ =	shalt  }
.Lfunc_end2:
_tile_overlayer_lowered:
.L_overlay_start_2:
0xb4: {  	(tag) =	ssettag $0x2  }
0xb5: {  	s0 =	rddreg [dreg:$0x0];
	s2 =	stileid.u32  }
0xb6: {  	s1 =	rddreg [dreg:$0x1];
	p0 =	sne.s32 s2, $0x0  }
0xb7: {  	s3 =	rddreg [dreg:$0x2];
	[bflag:$0x3] =	sbarrier.arrive $0xFFFF;
	s2 =	simm.s32 @!p0 $0x1C03  }
0xb8: {  	[timem:s3], [sflag:s2] =	dma.local @!p0 [hbm:s0], s1  }
0xb9: {  	s0 =	simm.s32 @!p0 $0x3  }
0xba: {  	_ =	swait.ge @!p0 [sflag:s0], s1  }
0xbb: {  	s1 =	ssub.s32 @!p0 $0x0, s1;
	[sflag:s0] =	ssyncset.done @!p0 $0x0  }
0xbc: {  	[sflag:s0] =	ssyncadd.s32 @!p0 s1  }
0xbd: {  	[bflag:$0x3] =	sbarrier.arrive $0xFFFF  }
0xbe: {  	_ =	shalt  }

// kernel: kernel.13.cloned.1.call-start
scs
__scs_entry_jumppad:
0x0: {  	(pc) =	sbr.rel $0x88, $3  }
0x1: {  	(tag) =	ssettag $0x0;
	lr =	simm.s32 $0x1  }
0x2: {  	[smem:$0x3F99] =	sst lr;
	_ =	strace $0xD0000000  }
0x3: {  	_ = 	snop  }
0x4: {  	_ = 	snop  }
0x5: {  	_ = 	snop  }
0x6: {  	_ = 	snop  }
0x7: {  	_ = 	snop  }
__scs_overlays_trampoline_lowered:
0x8: {  	[smem:$0x3FA8] =	sst s0  }
0x9: {  	[smem:$0x3FA9] =	sst s1  }
0xa: {  	[smem:$0x3FAA] =	sst s2  }
0xb: {  	[smem:$0x3FAB] =	sst s3  }
0xc: {  	[smem:$0x3FAC] =	sst s4  }
0xd: {  	[smem:$0x3FAD] =	sst s5  }
0xe: {  	[smem:$0x3FAE] =	sst s6  }
0xf: {  	[smem:$0x3FAF] =	sst s7  }
0x10: {  	[smem:$0x3FB0] =	sst s8  }
0x11: {  	[smem:$0x3FB1] =	sst s9;
	s0 =	simm.s32 @!p0 $0x0  }
0x12: {  	s1 =	sld [smem:$0x3F97];
	s0 =	simm.s32 @p0 $0x1  }
0x13: {  	[smem:$0x3FB2] =	sst s0;
	s0 =	simm.s32 @!p1 $0x0  }
0x14: {  	s2 =	sld [smem:$0x3F96];
	s0 =	simm.s32 @p1 $0x1  }
0x15: {  	[smem:$0x3FB3] =	sst s0;
	s0 =	simm.s32 @!p2 $0x0  }
0x16: {  	s3 =	sld [smem:$0x3FDB];
	s0 =	simm.s32 @p2 $0x1  }
0x17: {  	s4 =	simm.s32 $0x1BF5;
	[smem:$0x3FB5] =	sst s0  }
0x18: {  	s0 =	sld [smem:$0x3F98];
	_ =	swait.ge [sflag:s4], $0x0  }
0x19: {  	s7 =	sld [smem:$0x3F99]  }
0x1a: {  	s8 =	sadd.s32 $0xFFFFE003, lr  }
0x1b: {  	s9 =	sadd.s32 $0xFFFFFEF7, lr;
	s5 =	simm.s32 $0xFFFFFFFF;
	p2 =	slt.u32 s8, $0xFFFFF086  }
0x1c: {  	p1 =	slt.u32 s9, $0xF7A;
	s5 =	simm.s32 @!p2 $0x0  }
0x1d: {  	s5 =	simm.s32 @p1 $0x1;
	p0 =	seq.s32 s7, s2  }
0x1e: {  	s7 =	smul.u32 @!p0 $0xF7A, s2;
	p2 =	seq.s32 @!p0 s5, $0x0  }
0x1f: {  	s9 =	smul.u32 $0xF7A, s1;
	s8 =	simm.s32 @!p0 $0x1BF5;
	p2 =	por !p2, p0  }
0x20: {  	[sflag:s8] =	ssyncset.s32 @!p0 $0xFFFFF086;
	s6 =	sadd.s32 @!p0 s3, s7;
	s7 =	simm.s32 @!p0 $0x108  }
0x21: {  	s3 =	sadd.s32 s3, s9;
	s6 =	sadd.s32 @!p0 $0x88, s6;
	s7 =	simm.s32 @p2 $0x1082  }
0x22: {  	[simem:s7], [sflag:s8] =	dma.local @!p0 [hbm:s6], $0xF7A  }
0x23: {  	s9 =	sor.u32 $0xD0000000, s2;
	s6 =	simm.s32 $0x108;
	_ =	swait.ge @!p0 [sflag:s8], $0x0  }
0x24: {  	s3 =	sadd.s32 $0x88, s3;
	s6 =	simm.s32 @!p1 $0x1082;
	[sflag:s4] =	ssyncset.s32 $0xFFFFF086  }
0x25: {  	[simem:s6], [sflag:s4] =	dma.local [hbm:s3], $0xF7A  }
0x26: {  	[smem:$0x3F99] =	sst s1;
	(tag) =	ssettag s2;
	_ =	strace s9  }
0x27: {  	s1 =	sld [smem:$0x3FA9]  }
0x28: {  	s2 =	sld [smem:$0x3FAA]  }
0x29: {  	s4 =	sld [smem:$0x3FAC]  }
0x2a: {  	p0 =	seq.s32 s5, $0x0;
	s5 =	sld [smem:$0x3FAD]  }
0x2b: {  	s6 =	sld [smem:$0x3FAE]  }
0x2c: {  	s7 =	sld [smem:$0x3FAF]  }
0x2d: {  	s3 =	simm.s32 $0x108;
	s8 =	sld [smem:$0x3FB0]  }
0x2e: {  	s3 =	simm.s32 @!p0 $0x1082;
	s9 =	sld [smem:$0x3FB1]  }
0x2f: {  	lr =	sadd.s32 s0, s3;
	s0 =	sld [smem:$0x3FA8]  }
0x30: {  	s3 =	sld [smem:$0x3FAB]  }
0x31: {  	[smem:$0x3FB4] =	sst s10  }
0x32: {  	s10 =	sld [smem:$0x3FB2];
	_ =	sdelay $0x3  }
0x33: {  	p0 =	seq.s32 s10, $0x1;
	s10 =	sld [smem:$0x3FB4];
	_ =	sdelay $0x3  }
0x34: {  	[smem:$0x3FB4] =	sst s10  }
0x35: {  	s10 =	sld [smem:$0x3FB3];
	_ =	sdelay $0x3  }
0x36: {  	p1 =	seq.s32 s10, $0x1;
	s10 =	sld [smem:$0x3FB4];
	_ =	sdelay $0x3  }
0x37: {  	[smem:$0x3FB4] =	sst s10  }
0x38: {  	s10 =	sld [smem:$0x3FB5]  }
0x39: {  	_ = 	snop;
	(pc) =	sbr.ind lr, $3  }
0x3a: {  	_ = 	snop  }
0x3b: {  	_ = 	snop  }
0x3c: {  	p2 =	seq.s32 s10, $0x1;
	s10 =	sld [smem:$0x3FB4]  }
0x3d: {  	_ =	shalt  }
0x3e: {  	_ =	shalt  }
0x3f: {  	_ =	shalt  }
0x40: {  	_ =	shalt  }
0x41: {  	_ =	shalt  }
0x42: {  	_ =	shalt  }
0x43: {  	_ =	shalt  }
0x44: {  	_ =	shalt  }
0x45: {  	_ =	shalt  }
0x46: {  	_ =	shalt  }
0x47: {  	_ =	shalt  }
0x48: {  	_ =	shalt  }
0x49: {  	_ =	shalt  }
0x4a: {  	_ =	shalt  }
0x4b: {  	_ =	shalt  }
0x4c: {  	_ =	shalt  }
0x4d: {  	_ =	shalt  }
0x4e: {  	_ =	shalt  }
0x4f: {  	_ =	shalt  }
0x50: {  	_ =	shalt  }
0x51: {  	_ =	shalt  }
0x52: {  	_ =	shalt  }
0x53: {  	_ =	shalt  }
0x54: {  	_ =	shalt  }
0x55: {  	_ =	shalt  }
0x56: {  	_ =	shalt  }
0x57: {  	_ =	shalt  }
0x58: {  	_ =	shalt  }
0x59: {  	_ =	shalt  }
0x5a: {  	_ =	shalt  }
0x5b: {  	_ =	shalt  }
0x5c: {  	_ =	shalt  }
0x5d: {  	_ =	shalt  }
0x5e: {  	_ =	shalt  }
0x5f: {  	_ =	shalt  }
0x60: {  	_ =	shalt  }
0x61: {  	_ =	shalt  }
0x62: {  	_ =	shalt  }
0x63: {  	_ =	shalt  }
0x64: {  	_ =	shalt  }
0x65: {  	_ =	shalt  }
0x66: {  	_ =	shalt  }
0x67: {  	_ =	shalt  }
0x68: {  	_ =	shalt  }
0x69: {  	_ =	shalt  }
0x6a: {  	_ =	shalt  }
0x6b: {  	_ =	shalt  }
0x6c: {  	_ =	shalt  }
0x6d: {  	_ =	shalt  }
0x6e: {  	_ =	shalt  }
0x6f: {  	_ =	shalt  }
0x70: {  	_ =	shalt  }
0x71: {  	_ =	shalt  }
0x72: {  	_ =	shalt  }
0x73: {  	_ =	shalt  }
0x74: {  	_ =	shalt  }
0x75: {  	_ =	shalt  }
0x76: {  	_ =	shalt  }
0x77: {  	_ =	shalt  }
0x78: {  	_ =	shalt  }
0x79: {  	_ =	shalt  }
0x7a: {  	_ =	shalt  }
0x7b: {  	_ =	shalt  }
0x7c: {  	_ =	shalt  }
0x7d: {  	_ =	shalt  }
0x7e: {  	_ =	shalt  }
0x7f: {  	_ =	shalt  }
0x80: {  	_ =	shalt  }
0x81: {  	_ =	shalt  }
0x82: {  	_ =	shalt  }
0x83: {  	_ =	shalt  }
0x84: {  	_ =	shalt  }
0x85: {  	_ =	shalt  }
0x86: {  	_ =	shalt  }
0x87: {  	_ =	shalt  }
.Lfunc_end0:
.L_simem_size_0:
called_computation.1_lowered:
.L_overlay_start_0:
0x88: {  	s2 =	sld [smem:$0x3FD9]  }
0x89: {  	s3 =	sld [smem:$0x3FFE];
	_ =	sdelay $0x1  }
0x8a: {  	s1 =	srdreg.scid  }
0x8b: {  	s0 =	sand.u32 $0x1, s1  }
0x8c: {  	s17 =	sshll.u32 s0, $0xA;
	s2 =	sadd.s32 s3, s2  }
0x8d: {  	s2 =	sadd.s32 s2, s17  }
0x8e: {  	[smem:$0x3FC0] =	sst s2  }
0x8f: {  	_ = 	snop  }
0x90: {  	s2 =	sld [smem:$0x3FD0];
	(tm) =	ssettm $0x1  }
0x91: {  	s18 =	sld [smem:$0x3FFB];
	_ =	sdelay $0x3  }
0x92: {  	_ =	strace s18  }
0x93: {  	s3 =	sld [smem:$0x3FFC];
	_ =	sdelay $0x3  }
0x94: {  	_ =	strace s3  }
0x95: {  	s3 =	sld [smem:$0x3FFD];
	_ =	sdelay $0x3  }
0x96: {  	_ =	strace s3  }
0x97: {  	_ =	strace $0x8FFFFFFF  }
0x98: {  	s19 =	sld [smem:$0x3FDB];
	_ =	sdelay $0x1  }
0x99: {  	s4 =	simm.s32 $_scs_section_size  }
0x9a: {  	s5 =	simm.s32 $_size__tile_overlayer_lowered;
	s6 =	simm.s32 $_tile_overlayer_lowered  }
0x9b: {  	s22 =	simm.s32 $0x1BFF;
	s21 =	sshll.u32 s6, $0x1;
	s3 =	sadd.s32 s4, s19  }
0x9c: {  	s7 =	simm.s32 $0x0;
	s20 =	sshll.u32 s5, $0x1;
	s5 =	sadd.s32 s21, s3  }
0x9d: {  	[timem:s7], [sflag:s22] =	dma.local [hbm:s5], s20  }
0x9e: {  	_ =	swait.ge [sflag:s22], s20  }
0x9f: {  	s4 =	ssub.s32 $0x0, s20;
	[sflag:s22] =	ssyncset.done $0x0  }
0xa0: {  	[sflag:s22] =	ssyncadd.s32 s4;
	_ =	sdelay $0x1  }
0xa1: {  	s23 =	simm.s32 $0x1B8B  }
0xa2: {  	_ =	swait.ge [sflag:s23], $0x1  }
0xa3: {  	[sflag:s23] =	ssyncset.done $0x0  }
0xa4: {  	s25 =	simm.s32 $0x1B8E;
	s24 =	sld [smem:$0x3FFE];
	[sflag:s23] =	ssyncadd.s32 $0xFFFFFFFF  }
0xa5: {  	s26 =	simm.s32 $execute0_lowered;
	[smem:$0x3FD2] =	sst s25  }
0xa6: {  	s5 =	sshll.u32 s26, $0x1;
	_ =	strace $0x80000049;
	[dreg:$0x1] =	wrdreg $0xFFFFFFFF  }
0xa7: {  	s28 =	simm.s32 $_size_execute0_lowered;
	s3 =	sadd.s32 s3, s5;
	[dreg:$0x0] =	wrdreg $0x0  }
0xa8: {  	s5 =	sshll.u32 s28, $0x1;
	[dreg:$0x2] =	wrdreg s3  }
0xa9: {  	[dreg:$0x3] =	wrdreg s5  }
0xaa: {  	[dreg:$0x4] =	wrdreg $0xC0  }
0xab: {  	_ =	task [dreg:s7], $0x5FFFF  }
0xac: {  	[dreg:$0x1] =	wrdreg $0xFFFFFFFF  }
0xad: {  	[dreg:$0x0] =	wrdreg $0x60  }
0xae: {  	[dreg:$0x2] =	wrdreg s24  }
0xaf: {  	[dreg:$0x3] =	wrdreg s2  }
0xb0: {  	[dreg:$0x4] =	wrdreg $0xC2000  }
0xb1: {  	[dreg:$0x5] =	wrdreg $0x9  }
0xb2: {  	_ =	task.clear_ibuf [dreg:s7], $0x6FFFF;
	_ =	strace $0x90000049  }
0xb3: {  	s29 =	simm.s32 $0x9;
	_ =	strace $0x8000004B  }
0xb4: {  	_ =	swait.ge [sflag:s29], $0x1  }
0xb5: {  	[sflag:s29] =	ssyncadd.s32 $0xFFFFFFFF  }
0xb6: {  	_ =	strace $0x9000004B  }
0xb7: {  	_ =	sfence  }
0xb8: {  	s30 =	sld [smem:$0x0];
	_ =	sdelay $0x2  }
0xb9: {  	s31 =	sshll.u32 s1, $0xD;
	s1 =	sshrl.u32 s1, $0x2  }
0xba: {  	s3 =	sand.u32 $0x4000, s31;
	s1 =	sadd.s32 s1, s30  }
0xbb: {  	s0 =	sor.u32 s3, s0;
	s1 =	sshll.u32 s1, $0x11  }
0xbc: {  	s0 =	sor.u32 s1, s0  }
0xbd: {  	s0 =	sadd.s32 $0x8F2B, s0  }
0xbe: {  	[sflag:s0] =	ssyncadd.remote.s32 $0x1  }
0xbf: {  	_ =	sfence.sel $0xFFFF  }
0xc0: {  	[dreg:$0x0] =	wrdreg $0xFFFFFFFF;
	(pc) =	sbr.abs _section_cstart, $3  }
0xc1: {  	[dreg:$0x1] =	wrdreg $0xFFFFFFFF  }
0xc2: {  	_ =	task.clear_ibuf [dreg:s7], $0x2FFFF;
	_ =	strace $0x9FFFFFFF  }
0xc3: {  	(tm) =	ssettm $0x7FFFFFFF  }
tec
execute0_lowered:
.L_overlay_start_1:
0x0: {  	(tag) =	ssettag $0x1  }
0x1: {  	s0 =	rddreg [dreg:$0x0]  }
0x2: {  	s1 =	rddreg [dreg:$0x1]  }
0x3: {  	s2 =	rddreg [dreg:$0x2]  }
0x4: {  	s4 =	srdreg.scid;
	s12 =	stileid.u32;
	s3 =	simm.s32 $0x0  }
0x5: {  	s28 =	simm.s32 $0x200;
	s29 =	simm.s32 $0x100;
	s30 =	simm.s32 $0x180  }
0x6: {  	s31 =	simm.s32 $0x2;
	s5 =	sand.u32 $0x1, s4;
	s6 =	smul.u32 $0x2780, s12  }
0x7: {  	[smem:$0x7FF] =	sst s3;
	s4 =	sadd.s32 $0xC400, s0;
	s10 =	smul.u32 $0x4F000, s12  }
0x8: {  	s8 =	sadd.s32 $0x2600, s0;
	s9 =	sadd.s32 $0x33C00, s0;
	s7 =	smul.u32 $0x27800, s5  }
0x9: {  	_ =	strace $0x8000004A;
	[dreg:$0x4] =	wrdreg s9;
	s18 =	ssub.s32 $0x2, s5  }
0xa: {  	s17 =	sshll.u32 s5, $0x4;
	s5 =	smul.u32 $0x4E0, s5;
	s19 =	sshrl.u32 s18, $0x1  }
0xb: {  	s20 =	sshrl.u32 s10, $0x2;
	s6 =	sadd.s32 s6, s7;
	s7 =	sor.u32 s12, s17  }
0xc: {  	s9 =	ssub.s32 s18, s19;
	s12 =	smul.u32 $0x4E, s12;
	s0 =	sadd.s32 s6, s0  }
0xd: {  	s11 =	smul.u32 $0x4E, s7;
	s14 =	smin.u32 s7, $0x4;
	s6 =	sadd.s32 s20, s2  }
0xe: {  	s18 =	smax.u32 s9, $0x1;
	p0 =	sgt.u32 s7, $0x3;
	s21 =	sadd.s32 $0x4000, s6  }
0xf: {  	s7 =	simm.s32 $0x0;
	s22 =	sadd.s32 $0x8000, s6;
	[dreg:$0x5] =	wrdreg s21  }
0x10: {  	s23 =	sadd.s32 $0xC000, s6;
	s24 =	sadd.s32 $0x10000, s6;
	[dreg:$0x6] =	wrdreg s22  }
0x11: {  	s5 =	sadd.s32 s12, s5;
	s17 =	sadd.s32 $0x34400, s0;
	[dreg:$0x7] =	wrdreg s23  }
0x12: {  	s0 =	simm.s32 $0x4200;
	s11 =	sadd.s32 s14, s11;
	[dreg:$0x8] =	wrdreg s24  }
0x13: {  	s5 =	sadd.s32 s14, s5;
	s23 =	simm.s32 $0x8200;
	s15 =	sshll.u32 s11, $0x4  }
0x14: {  	s24 =	simm.s32 $0x5;
	s5 =	sshll.u32 s5, $0x4;
	s11 =	sadd.s32 s8, s15  }
0x15: {  	s16 =	sadd.s32 $0x10, s15;
	s12 =	sadd.s32 s1, s15;
	s25 =	sadd.s32 $0x4E0, s15  }
0x16: {  	s20 =	sadd.s32 $0x30, s5;
	s26 =	sadd.s32 s5, s8;
	s13 =	sadd.s32 s8, s16  }
0x17: {  	s14 =	sadd.s32 s1, s16;
	s15 =	sadd.s32 s8, s25;
	s16 =	sadd.s32 s1, s25  }
0x18: {  	s19 =	sadd.s32 s20, s8;
	s20 =	sadd.s32 s20, s1;
	s1 =	sadd.s32 s5, s1  }
0x19: {  	s21 =	sadd.s32 $0x20, s26;
	s25 =	simm.s32 $0x80;
	s26 =	simm.s32 $0x1  }
0x1a: {  	s5 =	simm.s32 $0x4;
	s22 =	sadd.s32 $0x20, s1;
	s1 =	simm.s32 $0x3  }
.LBB2_1:
0x1b: {  	s8 =	rddreg [dreg:$0x4]  }
0x1c: {  	[tilespmem:s23], [sflag:$0x5] =	stream.linear.gather [hbm4b:s8+s3], $0x4000, $0x38;
	[tilespmem:$0x1FE00] =	vst v63  }
0x1d: {  	_ =	swait.ge [sflag:s24], $0x4000  }
0x1e: {  	[sflag:s24] =	ssyncset.done $0x0  }
0x1f: {  	[sflag:s24] =	ssyncadd.s32 $0xFFFFC000  }
0x20: {  	[spmem:s6] =	stream.linear.scatter [tilespmem:s23], [sflag:$0x5], $0x4000, $0x38;
	[tilespmem:$0x1FE00] =	vst v63  }
0x21: {  	_ =	swait.ge [sflag:s24], $0x4000  }
0x22: {  	[sflag:s24] =	ssyncset.done $0x0  }
0x23: {  	s10 =	rddreg [dreg:$0x5];
	[sflag:s24] =	ssyncadd.s32 $0xFFFFC000  }
0x24: {  	[spmem:s10] =	stream.linear.scatter [tilespmem:s23], [sflag:$0x5], $0x4000, $0x38;
	[tilespmem:$0x1FE00] =	vst v63  }
0x25: {  	_ =	swait.ge [sflag:s24], $0x4000  }
0x26: {  	[sflag:s24] =	ssyncset.done $0x0  }
0x27: {  	s9 =	rddreg [dreg:$0x6];
	[sflag:s24] =	ssyncadd.s32 $0xFFFFC000  }
0x28: {  	[spmem:s9] =	stream.linear.scatter [tilespmem:s23], [sflag:$0x5], $0x4000, $0x38;
	[tilespmem:$0x1FE00] =	vst v63  }
0x29: {  	_ =	swait.ge [sflag:s24], $0x4000  }
0x2a: {  	[sflag:s24] =	ssyncset.done $0x0  }
0x2b: {  	s10 =	rddreg [dreg:$0x7];
	[sflag:s24] =	ssyncadd.s32 $0xFFFFC000  }
0x2c: {  	[spmem:s10] =	stream.linear.scatter [tilespmem:s23], [sflag:$0x5], $0x4000, $0x38;
	[tilespmem:$0x1FE00] =	vst v63  }
0x2d: {  	_ =	swait.ge [sflag:s24], $0x4000  }
0x2e: {  	[sflag:s24] =	ssyncset.done $0x0  }
0x2f: {  	s9 =	rddreg [dreg:$0x8];
	[sflag:s24] =	ssyncadd.s32 $0xFFFFC000  }
0x30: {  	[spmem:s9] =	stream.linear.scatter [tilespmem:s23], [sflag:$0x5], $0x3C00, $0x38;
	[tilespmem:$0x1FE00] =	vst v63  }
0x31: {  	_ =	swait.ge [sflag:s24], $0x3C00  }
0x32: {  	[sflag:s24] =	ssyncset.done $0x0  }
0x33: {  	[sflag:s24] =	ssyncadd.s32 $0xFFFFC400  }
0x34: {  	[bflag:$0x0] =	sbarrier.arrive $0xFFFF  }
0x35: {  	[tilespmem:s3], [sflag:$0x1] =	stream.linear.gather [hbm4b:s11+s3], $0x80, $0x38;
	[tilespmem:$0x1FE00] =	vst v63  }
0x36: {  	_ = 	snop  }
0x37: {  	[tilespmem:s25], [sflag:$0x1] =	stream.linear.gather [hbm4b:s12+s3], $0x80, $0x38;
	[tilespmem:$0x1FE00] =	vst v63  }
0x38: {  	_ =	swait.ge [sflag:s26], $0x80  }
0x39: {  	[sflag:s26] =	ssyncset.done $0x0  }
0x3a: {  	[sflag:s26] =	ssyncadd.s32 $0xFFFFFF80  }
0x3b: {  	_ =	swait.ge [sflag:s26], $0x80  }
0x3c: {  	[sflag:s26] =	ssyncset.done $0x0  }
0x3d: {  	[sflag:s26] =	ssyncadd.s32 $0xFFFFFF80  }
0x3e: {  	[tilespmem:s28], [sflag:$0x3] =	stream.indirect.gather [hbm4b:s4+s25], $0x80, s3, s25, $0xb8;
	[tilespmem:$0x1FE00] =	vst v63  }
0x3f: {  	_ = 	snop  }
0x40: {  	[tilespmem:s29], [sflag:$0x2] =	stream.linear.gather [hbm4b:s13+s3], $0x80, $0x38;
	[tilespmem:$0x1FE00] =	vst v63  }
0x41: {  	_ = 	snop  }
0x42: {  	[tilespmem:s30], [sflag:$0x2] =	stream.linear.gather [hbm4b:s14+s3], $0x80, $0x38;
	[tilespmem:$0x1FE00] =	vst v63  }
0x43: {  	_ =	swait.ge [sflag:s31], $0x80  }
0x44: {  	[sflag:s31] =	ssyncset.done $0x0  }
0x45: {  	[sflag:s31] =	ssyncadd.s32 $0xFFFFFF80  }
0x46: {  	_ =	swait.ge [sflag:s31], $0x80  }
0x47: {  	[sflag:s31] =	ssyncset.done $0x0  }
0x48: {  	[sflag:s31] =	ssyncadd.s32 $0xFFFFFF80  }
0x49: {  	[tilespmem:s0], [sflag:$0x4] =	stream.indirect.gather [hbm4b:s4+s25], $0x80, s29, s25, $0xb8;
	[tilespmem:$0x1FE00] =	vst v63  }
0x4a: {  	_ =	swait.ge [sflag:s1], $0x4000  }
0x4b: {  	[sflag:s1] =	ssyncset.done $0x0  }
0x4c: {  	[sflag:s1] =	ssyncadd.s32 $0xFFFFC000  }
0x4d: {  	[spmem:s2] =	stream.indirect.scatter.add.f32 [tilespmem:s28], [sflag:$0x5], $0x80, s25, s25, $0xb8;
	[tilespmem:$0x1FE00] =	vst v63  }
0x4e: {  	_ =	swait.ge [sflag:s24], $0x4000  }
0x4f: {  	[sflag:s24] =	ssyncset.done $0x0  }
0x50: {  	s10 =	sadd.s32 $0x0, s21;
	[sflag:s24] =	ssyncadd.s32 $0xFFFFC000  }
0x51: {  	[tilespmem:s3], [sflag:$0x1] =	stream.linear.gather [hbm4b:s10+s3], $0x80, $0x38;
	[tilespmem:$0x1FE00] =	vst v63  }
0x52: {  	s9 =	sadd.s32 $0x0, s22  }
0x53: {  	[tilespmem:s25], [sflag:$0x1] =	stream.linear.gather [hbm4b:s9+s3], $0x80, $0x38;
	[tilespmem:$0x1FE00] =	vst v63  }
0x54: {  	_ =	swait.ge [sflag:s26], $0x80  }
0x55: {  	[sflag:s26] =	ssyncset.done $0x0  }
0x56: {  	[sflag:s26] =	ssyncadd.s32 $0xFFFFFF80  }
0x57: {  	_ =	swait.ge [sflag:s26], $0x80  }
0x58: {  	[sflag:s26] =	ssyncset.done $0x0  }
0x59: {  	[sflag:s26] =	ssyncadd.s32 $0xFFFFFF80  }
0x5a: {  	[tilespmem:s28], [sflag:$0x3] =	stream.indirect.gather [hbm4b:s4+s25], $0x80, s3, s25, $0xb8;
	[tilespmem:$0x1FE00] =	vst v63  }
0x5b: {  	_ =	swait.ge [sflag:s5], $0x4000  }
0x5c: {  	[sflag:s5] =	ssyncset.done $0x0  }
0x5d: {  	[sflag:s5] =	ssyncadd.s32 $0xFFFFC000  }
0x5e: {  	[spmem:s2] =	stream.indirect.scatter.add.f32 [tilespmem:s0], [sflag:$0x5], $0x80, s30, s25, $0xb8;
	[tilespmem:$0x1FE00] =	vst v63  }
0x5f: {  	_ =	swait.ge [sflag:s24], $0x4000  }
0x60: {  	s8 =	simm.s32 $0x20;
	[sflag:s24] =	ssyncset.done $0x0  }
0x61: {  	s10 =	sadd.s32 $0x0, s19;
	s9 =	sadd.s32 $0x0, s20;
	[sflag:s24] =	ssyncadd.s32 $0xFFFFC000  }
0x62: {  	[tilespmem:s29], [sflag:$0x2] =	stream.linear.gather [hbm4b:s10+s3], $0x80, $0x38;
	[tilespmem:$0x1FE00] =	vst v63  }
.LBB2_2:
0x63: {  	[tilespmem:s30], [sflag:$0x2] =	stream.linear.gather [hbm4b:s9+s3], $0x80, $0x38;
	[tilespmem:$0x1FE00] =	vst v63  }
0x64: {  	s9 =	smov.u32 s8  }
0x65: {  	p1 =	sne.s32 s8, $0x4A0;
	s8 =	sadd.s32 $0x20, s8;
	_ =	swait.ge [sflag:s31], $0x80  }
0x66: {  	[sflag:s31] =	ssyncset.done $0x0  }
0x67: {  	[sflag:s31] =	ssyncadd.s32 $0xFFFFFF80  }
0x68: {  	_ =	swait.ge [sflag:s31], $0x80  }
0x69: {  	[sflag:s31] =	ssyncset.done $0x0  }
0x6a: {  	[sflag:s31] =	ssyncadd.s32 $0xFFFFFF80  }
0x6b: {  	[tilespmem:s0], [sflag:$0x4] =	stream.indirect.gather [hbm4b:s4+s25], $0x80, s29, s25, $0xb8;
	[tilespmem:$0x1FE00] =	vst v63  }
0x6c: {  	_ =	swait.ge [sflag:s1], $0x4000  }
0x6d: {  	[sflag:s1] =	ssyncset.done $0x0  }
0x6e: {  	[sflag:s1] =	ssyncadd.s32 $0xFFFFC000  }
0x6f: {  	[spmem:s2] =	stream.indirect.scatter.add.f32 [tilespmem:s28], [sflag:$0x5], $0x80, s25, s25, $0xb8;
	[tilespmem:$0x1FE00] =	vst v63  }
0x70: {  	_ =	swait.ge [sflag:s24], $0x4000  }
0x71: {  	[sflag:s24] =	ssyncset.done $0x0  }
0x72: {  	s10 =	sadd.s32 s9, s21;
	[sflag:s24] =	ssyncadd.s32 $0xFFFFC000  }
0x73: {  	[tilespmem:s3], [sflag:$0x1] =	stream.linear.gather [hbm4b:s10+s3], $0x80, $0x38;
	[tilespmem:$0x1FE00] =	vst v63  }
0x74: {  	s10 =	sadd.s32 s9, s22  }
0x75: {  	[tilespmem:s25], [sflag:$0x1] =	stream.linear.gather [hbm4b:s10+s3], $0x80, $0x38;
	[tilespmem:$0x1FE00] =	vst v63  }
0x76: {  	_ =	swait.ge [sflag:s26], $0x80  }
0x77: {  	[sflag:s26] =	ssyncset.done $0x0  }
0x78: {  	[sflag:s26] =	ssyncadd.s32 $0xFFFFFF80  }
0x79: {  	_ =	swait.ge [sflag:s26], $0x80  }
0x7a: {  	[sflag:s26] =	ssyncset.done $0x0  }
0x7b: {  	[sflag:s26] =	ssyncadd.s32 $0xFFFFFF80  }
0x7c: {  	[tilespmem:s28], [sflag:$0x3] =	stream.indirect.gather [hbm4b:s4+s25], $0x80, s3, s25, $0xb8;
	[tilespmem:$0x1FE00] =	vst v63  }
0x7d: {  	_ =	swait.ge [sflag:s5], $0x4000  }
0x7e: {  	[sflag:s5] =	ssyncset.done $0x0  }
0x7f: {  	[sflag:s5] =	ssyncadd.s32 $0xFFFFC000  }
0x80: {  	[spmem:s2] =	stream.indirect.scatter.add.f32 [tilespmem:s0], [sflag:$0x5], $0x80, s30, s25, $0xb8;
	[tilespmem:$0x1FE00] =	vst v63  }
.Ltmp0:
0x81: {  	_ =	swait.ge [sflag:s24], $0x4000;
	(pc) =	sbr.rel @p1 .LBB2_2-.Ltmp0, $4  }
0x82: {  	[sflag:s24] =	ssyncset.done $0x0  }
0x83: {  	s10 =	sadd.s32 s9, s19;
	[sflag:s24] =	ssyncadd.s32 $0xFFFFC000  }
0x84: {  	[tilespmem:s29], [sflag:$0x2] =	stream.linear.gather [hbm4b:s10+s3], $0x80, $0x38;
	[tilespmem:$0x1FE00] =	vst v63  }
0x85: {  	s9 =	sadd.s32 s9, s20  }
0x86: {  	[tilespmem:s30], [sflag:$0x2] =	stream.linear.gather [hbm4b:s9+s3], $0x80, $0x38;
	[tilespmem:$0x1FE00] =	vst v63  }
0x87: {  	_ =	swait.ge [sflag:s31], $0x80  }
0x88: {  	[sflag:s31] =	ssyncset.done $0x0  }
0x89: {  	[sflag:s31] =	ssyncadd.s32 $0xFFFFFF80  }
0x8a: {  	_ =	swait.ge [sflag:s31], $0x80  }
0x8b: {  	[sflag:s31] =	ssyncset.done $0x0  }
0x8c: {  	[sflag:s31] =	ssyncadd.s32 $0xFFFFFF80  }
0x8d: {  	[tilespmem:s0], [sflag:$0x4] =	stream.indirect.gather [hbm4b:s4+s25], $0x80, s29, s25, $0xb8;
	[tilespmem:$0x1FE00] =	vst v63  }
0x8e: {  	_ =	swait.ge [sflag:s1], $0x4000  }
0x8f: {  	[sflag:s1] =	ssyncset.done $0x0  }
0x90: {  	[sflag:s1] =	ssyncadd.s32 $0xFFFFC000  }
0x91: {  	[spmem:s2] =	stream.indirect.scatter.add.f32 [tilespmem:s28], [sflag:$0x5], $0x80, s25, s25, $0xb8;
	[tilespmem:$0x1FE00] =	vst v63  }
0x92: {  	_ =	swait.ge [sflag:s24], $0x4000  }
0x93: {  	[sflag:s24] =	ssyncset.done $0x0  }
0x94: {  	[sflag:s24] =	ssyncadd.s32 $0xFFFFC000  }
0x95: {  	_ =	swait.ge [sflag:s5], $0x4000  }
0x96: {  	[sflag:s5] =	ssyncset.done $0x0  }
0x97: {  	[sflag:s5] =	ssyncadd.s32 $0xFFFFC000  }
0x98: {  	[spmem:s2] =	stream.indirect.scatter.add.f32 [tilespmem:s0], [sflag:$0x5], $0x80, s30, s25, $0xb8;
	[tilespmem:$0x1FE00] =	vst v63  }
0x99: {  	_ =	swait.ge [sflag:s24], $0x4000  }
0x9a: {  	[sflag:s24] =	ssyncset.done $0x0  }
0x9b: {  	s8 =	simm.s32 @!p0 $0x0;
	[sflag:s24] =	ssyncadd.s32 $0xFFFFC000  }
0x9c: {  	[tilespmem:s8], [sflag:$0x1] =	stream.linear.gather @!p0 [hbm4b:s15+s8], $0x80, $0x38;
	[tilespmem:$0x1FE00] =	vst v63  }
0x9d: {  	s9 =	simm.s32 @!p0 $0x80;
	s10 =	simm.s32 @!p0 $0x1  }
0x9e: {  	[tilespmem:s9], [sflag:$0x1] =	stream.linear.gather @!p0 [hbm4b:s16+s8], $0x80, $0x38;
	[tilespmem:$0x1FE00] =	vst v63  }
0x9f: {  	_ =	swait.ge @!p0 [sflag:s10], $0x80  }
0xa0: {  	[sflag:s10] =	ssyncset.done @!p0 $0x0  }
0xa1: {  	[sflag:s10] =	ssyncadd.s32 @!p0 $0xFFFFFF80  }
0xa2: {  	_ =	swait.ge @!p0 [sflag:s10], $0x80  }
0xa3: {  	[sflag:s10] =	ssyncset.done @!p0 $0x0  }
0xa4: {  	[sflag:s10] =	ssyncadd.s32 @!p0 $0xFFFFFF80;
	s10 =	simm.s32 @!p0 $0x200  }
0xa5: {  	[tilespmem:s10], [sflag:$0x3] =	stream.indirect.gather @!p0 [hbm4b:s4+s9], $0x80, s8, s9, $0xb8;
	[tilespmem:$0x1FE00] =	vst v63  }
0xa6: {  	s8 =	simm.s32 @!p0 $0x3  }
0xa7: {  	_ =	swait.ge @!p0 [sflag:s8], $0x4000  }
0xa8: {  	[sflag:s8] =	ssyncset.done @!p0 $0x0  }
0xa9: {  	[sflag:s8] =	ssyncadd.s32 @!p0 $0xFFFFC000;
	s8 =	simm.s32 @!p0 $0x5  }
0xaa: {  	[spmem:s2] =	stream.indirect.scatter.add.f32 @!p0 [tilespmem:s10], [sflag:$0x5], $0x80, s9, s9, $0xb8;
	[tilespmem:$0x1FE00] =	vst v63  }
0xab: {  	s7 =	sadd.s32 $0x1, s7;
	_ =	swait.ge @!p0 [sflag:s8], $0x4000  }
0xac: {  	p1 =	sne.s32 s7, s18;
	s9 =	stileid.u32;
	[sflag:s8] =	ssyncset.done @!p0 $0x0  }
0xad: {  	s10 =	sshrl.u32 s6, $0x3;
	[sflag:s8] =	ssyncadd.s32 @!p0 $0xFFFFC000;
	s8 =	sshll.u32 s9, $0x6  }
.Ltmp1:
0xae: {  	[bflag:$0x0] =	sbarrier.arrive $0xFFFF;
	s8 =	sor.u32 $0x1C05, s8;
	(pc) =	sbr.rel @p1 .LBB2_1-.Ltmp1, $4  }
0xaf: {  	[hbm:s17], [sflag:s8] =	dma.local [spmem:s10], $0x2780  }
0xb0: {  	_ =	swait.ge [sflag:s24], $0x2780  }
0xb1: {  	[sflag:s24] =	ssyncset.done $0x0  }
0xb2: {  	[sflag:s24] =	ssyncadd.s32 $0xFFFFD880  }
0xb3: {  	_ =	sfence.sel $0x180000  }
0xb4: {  	[bflag:$0x0] =	sbarrier.arrive $0xFFFF  }
0xb5: {  	_ =	strace $0x9000004A  }
0xb6: {  	s0 =	stileid.u32;
	[bflag:$0x2] =	sbarrier.arrive $0xFFFF  }
0xb7: {  	p0 =	sne.s32 s0, $0x0;
	s0 =	rddreg [dreg:$0x3]  }
0xb8: {  	s0 =	sadd.s32 @!p0 $0x100000, s0  }
0xb9: {  	[sflag:s0] =	ssyncadd.tile.s32 @!p0 $0x1;
	_ =	shalt  }
.Lfunc_end2:
_tile_overlayer_lowered:
.L_overlay_start_2:
0xba: {  	(tag) =	ssettag $0x2  }
0xbb: {  	s0 =	rddreg [dreg:$0x0];
	s2 =	stileid.u32  }
0xbc: {  	s1 =	rddreg [dreg:$0x1];
	p0 =	sne.s32 s2, $0x0  }
0xbd: {  	s3 =	rddreg [dreg:$0x2];
	[bflag:$0x3] =	sbarrier.arrive $0xFFFF;
	s2 =	simm.s32 @!p0 $0x1C05  }
0xbe: {  	[timem:s3], [sflag:s2] =	dma.local @!p0 [hbm:s0], s1  }
0xbf: {  	s0 =	simm.s32 @!p0 $0x5  }
0xc0: {  	_ =	swait.ge @!p0 [sflag:s0], s1  }
0xc1: {  	s1 =	ssub.s32 @!p0 $0x0, s1;
	[sflag:s0] =	ssyncset.done @!p0 $0x0  }
0xc2: {  	[sflag:s0] =	ssyncadd.s32 @!p0 s1  }
0xc3: {  	[bflag:$0x3] =	sbarrier.arrive $0xFFFF  }
0xc4: {  	_ =	shalt  }

// kernel: kernel.16.cloned.1.call-start
scs
__scs_entry_jumppad:
0x0: {  	(pc) =	sbr.rel $0x88, $3  }
0x1: {  	(tag) =	ssettag $0x0;
	lr =	simm.s32 $0x1  }
0x2: {  	[smem:$0x3F99] =	sst lr;
	_ =	strace $0xD0000000  }
0x3: {  	_ = 	snop  }
0x4: {  	_ = 	snop  }
0x5: {  	_ = 	snop  }
0x6: {  	_ = 	snop  }
0x7: {  	_ = 	snop  }
__scs_overlays_trampoline_lowered:
0x8: {  	[smem:$0x3FA8] =	sst s0  }
0x9: {  	[smem:$0x3FA9] =	sst s1  }
0xa: {  	[smem:$0x3FAA] =	sst s2  }
0xb: {  	[smem:$0x3FAB] =	sst s3  }
0xc: {  	[smem:$0x3FAC] =	sst s4  }
0xd: {  	[smem:$0x3FAD] =	sst s5  }
0xe: {  	[smem:$0x3FAE] =	sst s6  }
0xf: {  	[smem:$0x3FAF] =	sst s7  }
0x10: {  	[smem:$0x3FB0] =	sst s8  }
0x11: {  	[smem:$0x3FB1] =	sst s9;
	s0 =	simm.s32 @!p0 $0x0  }
0x12: {  	s1 =	sld [smem:$0x3F97];
	s0 =	simm.s32 @p0 $0x1  }
0x13: {  	[smem:$0x3FB2] =	sst s0;
	s0 =	simm.s32 @!p1 $0x0  }
0x14: {  	s2 =	sld [smem:$0x3F96];
	s0 =	simm.s32 @p1 $0x1  }
0x15: {  	[smem:$0x3FB3] =	sst s0;
	s0 =	simm.s32 @!p2 $0x0  }
0x16: {  	s3 =	sld [smem:$0x3FDB];
	s0 =	simm.s32 @p2 $0x1  }
0x17: {  	s4 =	simm.s32 $0x1BF5;
	[smem:$0x3FB5] =	sst s0  }
0x18: {  	s0 =	sld [smem:$0x3F98];
	_ =	swait.ge [sflag:s4], $0x0  }
0x19: {  	s7 =	sld [smem:$0x3F99]  }
0x1a: {  	s8 =	sadd.s32 $0xFFFFE003, lr  }
0x1b: {  	s9 =	sadd.s32 $0xFFFFFEF7, lr;
	s5 =	simm.s32 $0xFFFFFFFF;
	p2 =	slt.u32 s8, $0xFFFFF086  }
0x1c: {  	p1 =	slt.u32 s9, $0xF7A;
	s5 =	simm.s32 @!p2 $0x0  }
0x1d: {  	s5 =	simm.s32 @p1 $0x1;
	p0 =	seq.s32 s7, s2  }
0x1e: {  	s7 =	smul.u32 @!p0 $0xF7A, s2;
	p2 =	seq.s32 @!p0 s5, $0x0  }
0x1f: {  	s9 =	smul.u32 $0xF7A, s1;
	s8 =	simm.s32 @!p0 $0x1BF5;
	p2 =	por !p2, p0  }
0x20: {  	[sflag:s8] =	ssyncset.s32 @!p0 $0xFFFFF086;
	s6 =	sadd.s32 @!p0 s3, s7;
	s7 =	simm.s32 @!p0 $0x108  }
0x21: {  	s3 =	sadd.s32 s3, s9;
	s6 =	sadd.s32 @!p0 $0x88, s6;
	s7 =	simm.s32 @p2 $0x1082  }
0x22: {  	[simem:s7], [sflag:s8] =	dma.local @!p0 [hbm:s6], $0xF7A  }
0x23: {  	s9 =	sor.u32 $0xD0000000, s2;
	s6 =	simm.s32 $0x108;
	_ =	swait.ge @!p0 [sflag:s8], $0x0  }
0x24: {  	s3 =	sadd.s32 $0x88, s3;
	s6 =	simm.s32 @!p1 $0x1082;
	[sflag:s4] =	ssyncset.s32 $0xFFFFF086  }
0x25: {  	[simem:s6], [sflag:s4] =	dma.local [hbm:s3], $0xF7A  }
0x26: {  	[smem:$0x3F99] =	sst s1;
	(tag) =	ssettag s2;
	_ =	strace s9  }
0x27: {  	s1 =	sld [smem:$0x3FA9]  }
0x28: {  	s2 =	sld [smem:$0x3FAA]  }
0x29: {  	s4 =	sld [smem:$0x3FAC]  }
0x2a: {  	p0 =	seq.s32 s5, $0x0;
	s5 =	sld [smem:$0x3FAD]  }
0x2b: {  	s6 =	sld [smem:$0x3FAE]  }
0x2c: {  	s7 =	sld [smem:$0x3FAF]  }
0x2d: {  	s3 =	simm.s32 $0x108;
	s8 =	sld [smem:$0x3FB0]  }
0x2e: {  	s3 =	simm.s32 @!p0 $0x1082;
	s9 =	sld [smem:$0x3FB1]  }
0x2f: {  	lr =	sadd.s32 s0, s3;
	s0 =	sld [smem:$0x3FA8]  }
0x30: {  	s3 =	sld [smem:$0x3FAB]  }
0x31: {  	[smem:$0x3FB4] =	sst s10  }
0x32: {  	s10 =	sld [smem:$0x3FB2];
	_ =	sdelay $0x3  }
0x33: {  	p0 =	seq.s32 s10, $0x1;
	s10 =	sld [smem:$0x3FB4];
	_ =	sdelay $0x3  }
0x34: {  	[smem:$0x3FB4] =	sst s10  }
0x35: {  	s10 =	sld [smem:$0x3FB3];
	_ =	sdelay $0x3  }
0x36: {  	p1 =	seq.s32 s10, $0x1;
	s10 =	sld [smem:$0x3FB4];
	_ =	sdelay $0x3  }
0x37: {  	[smem:$0x3FB4] =	sst s10  }
0x38: {  	s10 =	sld [smem:$0x3FB5]  }
0x39: {  	_ = 	snop;
	(pc) =	sbr.ind lr, $3  }
0x3a: {  	_ = 	snop  }
0x3b: {  	_ = 	snop  }
0x3c: {  	p2 =	seq.s32 s10, $0x1;
	s10 =	sld [smem:$0x3FB4]  }
0x3d: {  	_ =	shalt  }
0x3e: {  	_ =	shalt  }
0x3f: {  	_ =	shalt  }
0x40: {  	_ =	shalt  }
0x41: {  	_ =	shalt  }
0x42: {  	_ =	shalt  }
0x43: {  	_ =	shalt  }
0x44: {  	_ =	shalt  }
0x45: {  	_ =	shalt  }
0x46: {  	_ =	shalt  }
0x47: {  	_ =	shalt  }
0x48: {  	_ =	shalt  }
0x49: {  	_ =	shalt  }
0x4a: {  	_ =	shalt  }
0x4b: {  	_ =	shalt  }
0x4c: {  	_ =	shalt  }
0x4d: {  	_ =	shalt  }
0x4e: {  	_ =	shalt  }
0x4f: {  	_ =	shalt  }
0x50: {  	_ =	shalt  }
0x51: {  	_ =	shalt  }
0x52: {  	_ =	shalt  }
0x53: {  	_ =	shalt  }
0x54: {  	_ =	shalt  }
0x55: {  	_ =	shalt  }
0x56: {  	_ =	shalt  }
0x57: {  	_ =	shalt  }
0x58: {  	_ =	shalt  }
0x59: {  	_ =	shalt  }
0x5a: {  	_ =	shalt  }
0x5b: {  	_ =	shalt  }
0x5c: {  	_ =	shalt  }
0x5d: {  	_ =	shalt  }
0x5e: {  	_ =	shalt  }
0x5f: {  	_ =	shalt  }
0x60: {  	_ =	shalt  }
0x61: {  	_ =	shalt  }
0x62: {  	_ =	shalt  }
0x63: {  	_ =	shalt  }
0x64: {  	_ =	shalt  }
0x65: {  	_ =	shalt  }
0x66: {  	_ =	shalt  }
0x67: {  	_ =	shalt  }
0x68: {  	_ =	shalt  }
0x69: {  	_ =	shalt  }
0x6a: {  	_ =	shalt  }
0x6b: {  	_ =	shalt  }
0x6c: {  	_ =	shalt  }
0x6d: {  	_ =	shalt  }
0x6e: {  	_ =	shalt  }
0x6f: {  	_ =	shalt  }
0x70: {  	_ =	shalt  }
0x71: {  	_ =	shalt  }
0x72: {  	_ =	shalt  }
0x73: {  	_ =	shalt  }
0x74: {  	_ =	shalt  }
0x75: {  	_ =	shalt  }
0x76: {  	_ =	shalt  }
0x77: {  	_ =	shalt  }
0x78: {  	_ =	shalt  }
0x79: {  	_ =	shalt  }
0x7a: {  	_ =	shalt  }
0x7b: {  	_ =	shalt  }
0x7c: {  	_ =	shalt  }
0x7d: {  	_ =	shalt  }
0x7e: {  	_ =	shalt  }
0x7f: {  	_ =	shalt  }
0x80: {  	_ =	shalt  }
0x81: {  	_ =	shalt  }
0x82: {  	_ =	shalt  }
0x83: {  	_ =	shalt  }
0x84: {  	_ =	shalt  }
0x85: {  	_ =	shalt  }
0x86: {  	_ =	shalt  }
0x87: {  	_ =	shalt  }
.Lfunc_end0:
.L_simem_size_0:
called_computation.2_lowered:
.L_overlay_start_0:
0x88: {  	s2 =	sld [smem:$0x3FD9]  }
0x89: {  	s3 =	sld [smem:$0x3FFE];
	_ =	sdelay $0x1  }
0x8a: {  	s1 =	srdreg.scid  }
0x8b: {  	s0 =	sand.u32 $0x1, s1  }
0x8c: {  	s17 =	sshll.u32 s0, $0xA;
	s2 =	sadd.s32 s3, s2  }
0x8d: {  	s2 =	sadd.s32 s2, s17  }
0x8e: {  	[smem:$0x3FC0] =	sst s2  }
0x8f: {  	_ = 	snop  }
0x90: {  	s2 =	sld [smem:$0x3FD0];
	(tm) =	ssettm $0x1  }
0x91: {  	s18 =	sld [smem:$0x3FFB];
	_ =	sdelay $0x3  }
0x92: {  	_ =	strace s18  }
0x93: {  	s3 =	sld [smem:$0x3FFC];
	_ =	sdelay $0x3  }
0x94: {  	_ =	strace s3  }
0x95: {  	s3 =	sld [smem:$0x3FFD];
	_ =	sdelay $0x3  }
0x96: {  	_ =	strace s3  }
0x97: {  	_ =	strace $0x8FFFFFFF  }
0x98: {  	s19 =	sld [smem:$0x3FDB];
	_ =	sdelay $0x1  }
0x99: {  	s4 =	simm.s32 $_scs_section_size  }
0x9a: {  	s5 =	simm.s32 $_size__tile_overlayer_lowered;
	s6 =	simm.s32 $_tile_overlayer_lowered  }
0x9b: {  	s22 =	simm.s32 $0x1BFF;
	s21 =	sshll.u32 s6, $0x1;
	s3 =	sadd.s32 s4, s19  }
0x9c: {  	s7 =	simm.s32 $0x0;
	s20 =	sshll.u32 s5, $0x1;
	s5 =	sadd.s32 s21, s3  }
0x9d: {  	[timem:s7], [sflag:s22] =	dma.local [hbm:s5], s20  }
0x9e: {  	_ =	swait.ge [sflag:s22], s20  }
0x9f: {  	s4 =	ssub.s32 $0x0, s20;
	[sflag:s22] =	ssyncset.done $0x0  }
0xa0: {  	[sflag:s22] =	ssyncadd.s32 s4;
	_ =	sdelay $0x1  }
0xa1: {  	s23 =	simm.s32 $0x1B8B  }
0xa2: {  	_ =	swait.ge [sflag:s23], $0x1  }
0xa3: {  	[sflag:s23] =	ssyncset.done $0x0  }
0xa4: {  	s25 =	simm.s32 $0x1B8E;
	s24 =	sld [smem:$0x3FFE];
	[sflag:s23] =	ssyncadd.s32 $0xFFFFFFFF  }
0xa5: {  	s26 =	simm.s32 $execute0_lowered;
	[smem:$0x3FD2] =	sst s25  }
0xa6: {  	s5 =	sshll.u32 s26, $0x1;
	_ =	strace $0x8000004C;
	[dreg:$0x1] =	wrdreg $0xFFFFFFFF  }
0xa7: {  	s28 =	simm.s32 $_size_execute0_lowered;
	s3 =	sadd.s32 s3, s5;
	[dreg:$0x0] =	wrdreg $0x0  }
0xa8: {  	s5 =	sshll.u32 s28, $0x1;
	[dreg:$0x2] =	wrdreg s3  }
0xa9: {  	[dreg:$0x3] =	wrdreg s5  }
0xaa: {  	[dreg:$0x4] =	wrdreg $0xC0  }
0xab: {  	_ =	task [dreg:s7], $0x5FFFF  }
0xac: {  	[dreg:$0x1] =	wrdreg $0xFFFFFFFF  }
0xad: {  	[dreg:$0x0] =	wrdreg $0x60  }
0xae: {  	[dreg:$0x2] =	wrdreg s24  }
0xaf: {  	[dreg:$0x3] =	wrdreg s2  }
0xb0: {  	[dreg:$0x4] =	wrdreg $0xC2000  }
0xb1: {  	[dreg:$0x5] =	wrdreg $0x9  }
0xb2: {  	_ =	task.clear_ibuf [dreg:s7], $0x6FFFF;
	_ =	strace $0x9000004C  }
0xb3: {  	s29 =	simm.s32 $0x9;
	_ =	strace $0x8000004E  }
0xb4: {  	_ =	swait.ge [sflag:s29], $0x1  }
0xb5: {  	[sflag:s29] =	ssyncadd.s32 $0xFFFFFFFF  }
0xb6: {  	_ =	strace $0x9000004E  }
0xb7: {  	_ =	sfence  }
0xb8: {  	s30 =	sld [smem:$0x0];
	_ =	sdelay $0x2  }
0xb9: {  	s31 =	sshll.u32 s1, $0xD;
	s1 =	sshrl.u32 s1, $0x2  }
0xba: {  	s3 =	sand.u32 $0x4000, s31;
	s1 =	sadd.s32 s1, s30  }
0xbb: {  	s0 =	sor.u32 s3, s0;
	s1 =	sshll.u32 s1, $0x11  }
0xbc: {  	s0 =	sor.u32 s1, s0  }
0xbd: {  	s0 =	sadd.s32 $0x8F2B, s0  }
0xbe: {  	[sflag:s0] =	ssyncadd.remote.s32 $0x1  }
0xbf: {  	_ =	sfence.sel $0xFFFF  }
0xc0: {  	[dreg:$0x0] =	wrdreg $0xFFFFFFFF;
	(pc) =	sbr.abs _section_cstart, $3  }
0xc1: {  	[dreg:$0x1] =	wrdreg $0xFFFFFFFF  }
0xc2: {  	_ =	task.clear_ibuf [dreg:s7], $0x2FFFF;
	_ =	strace $0x9FFFFFFF  }
0xc3: {  	(tm) =	ssettm $0x7FFFFFFF  }
tec
execute0_lowered:
.L_overlay_start_1:
0x0: {  	(tag) =	ssettag $0x1  }
0x1: {  	s0 =	rddreg [dreg:$0x0]  }
0x2: {  	s1 =	rddreg [dreg:$0x1]  }
0x3: {  	s2 =	rddreg [dreg:$0x2]  }
0x4: {  	s4 =	srdreg.scid;
	s12 =	stileid.u32;
	s3 =	simm.s32 $0x0  }
0x5: {  	s28 =	simm.s32 $0x200;
	s29 =	simm.s32 $0x100;
	s30 =	simm.s32 $0x180  }
0x6: {  	s31 =	simm.s32 $0x2;
	s5 =	sand.u32 $0x1, s4;
	s6 =	smul.u32 $0x2780, s12  }
0x7: {  	[smem:$0x7FF] =	sst s3;
	s4 =	sadd.s32 $0xC400, s0;
	s10 =	smul.u32 $0x4F000, s12  }
0x8: {  	s8 =	sadd.s32 $0x2600, s0;
	s9 =	sadd.s32 $0x33C00, s0;
	s7 =	smul.u32 $0x27800, s5  }
0x9: {  	_ =	strace $0x8000004D;
	[dreg:$0x4] =	wrdreg s9;
	s18 =	ssub.s32 $0x2, s5  }
0xa: {  	s17 =	sshll.u32 s5, $0x4;
	s5 =	smul.u32 $0x4E0, s5;
	s19 =	sshrl.u32 s18, $0x1  }
0xb: {  	s20 =	sshrl.u32 s10, $0x2;
	s6 =	sadd.s32 s6, s7;
	s7 =	sor.u32 s12, s17  }
0xc: {  	s9 =	ssub.s32 s18, s19;
	s12 =	smul.u32 $0x4E, s12;
	s0 =	sadd.s32 s6, s0  }
0xd: {  	s11 =	smul.u32 $0x4E, s7;
	s14 =	smin.u32 s7, $0x4;
	s6 =	sadd.s32 s20, s2  }
0xe: {  	s18 =	smax.u32 s9, $0x1;
	p0 =	sgt.u32 s7, $0x3;
	s21 =	sadd.s32 $0x4000, s6  }
0xf: {  	s7 =	simm.s32 $0x0;
	s22 =	sadd.s32 $0x8000, s6;
	[dreg:$0x5] =	wrdreg s21  }
0x10: {  	s23 =	sadd.s32 $0xC000, s6;
	s24 =	sadd.s32 $0x10000, s6;
	[dreg:$0x6] =	wrdreg s22  }
0x11: {  	s5 =	sadd.s32 s12, s5;
	s17 =	sadd.s32 $0x34400, s0;
	[dreg:$0x7] =	wrdreg s23  }
0x12: {  	s0 =	simm.s32 $0x4200;
	s11 =	sadd.s32 s14, s11;
	[dreg:$0x8] =	wrdreg s24  }
0x13: {  	s5 =	sadd.s32 s14, s5;
	s23 =	simm.s32 $0x8200;
	s15 =	sshll.u32 s11, $0x4  }
0x14: {  	s24 =	simm.s32 $0x5;
	s5 =	sshll.u32 s5, $0x4;
	s11 =	sadd.s32 s8, s15  }
0x15: {  	s16 =	sadd.s32 $0x10, s15;
	s12 =	sadd.s32 s1, s15;
	s25 =	sadd.s32 $0x4E0, s15  }
0x16: {  	s20 =	sadd.s32 $0x30, s5;
	s26 =	sadd.s32 s5, s8;
	s13 =	sadd.s32 s8, s16  }
0x17: {  	s14 =	sadd.s32 s1, s16;
	s15 =	sadd.s32 s8, s25;
	s16 =	sadd.s32 s1, s25  }
0x18: {  	s19 =	sadd.s32 s20, s8;
	s20 =	sadd.s32 s20, s1;
	s1 =	sadd.s32 s5, s1  }
0x19: {  	s21 =	sadd.s32 $0x20, s26;
	s25 =	simm.s32 $0x80;
	s26 =	simm.s32 $0x1  }
0x1a: {  	s5 =	simm.s32 $0x4;
	s22 =	sadd.s32 $0x20, s1;
	s1 =	simm.s32 $0x3  }
.LBB2_1:
0x1b: {  	s8 =	rddreg [dreg:$0x4]  }
0x1c: {  	[tilespmem:s23], [sflag:$0x5] =	stream.linear.gather [hbm4b:s8+s3], $0x4000, $0x38;
	[tilespmem:$0x1FE00] =	vst v63  }
0x1d: {  	_ =	swait.ge [sflag:s24], $0x4000  }
0x1e: {  	[sflag:s24] =	ssyncset.done $0x0  }
0x1f: {  	[sflag:s24] =	ssyncadd.s32 $0xFFFFC000  }
0x20: {  	[spmem:s6] =	stream.linear.scatter [tilespmem:s23], [sflag:$0x5], $0x4000, $0x38;
	[tilespmem:$0x1FE00] =	vst v63  }
0x21: {  	_ =	swait.ge [sflag:s24], $0x4000  }
0x22: {  	[sflag:s24] =	ssyncset.done $0x0  }
0x23: {  	s10 =	rddreg [dreg:$0x5];
	[sflag:s24] =	ssyncadd.s32 $0xFFFFC000  }
0x24: {  	[spmem:s10] =	stream.linear.scatter [tilespmem:s23], [sflag:$0x5], $0x4000, $0x38;
	[tilespmem:$0x1FE00] =	vst v63  }
0x25: {  	_ =	swait.ge [sflag:s24], $0x4000  }
0x26: {  	[sflag:s24] =	ssyncset.done $0x0  }
0x27: {  	s9 =	rddreg [dreg:$0x6];
	[sflag:s24] =	ssyncadd.s32 $0xFFFFC000  }
0x28: {  	[spmem:s9] =	stream.linear.scatter [tilespmem:s23], [sflag:$0x5], $0x4000, $0x38;
	[tilespmem:$0x1FE00] =	vst v63  }
0x29: {  	_ =	swait.ge [sflag:s24], $0x4000  }
0x2a: {  	[sflag:s24] =	ssyncset.done $0x0  }
0x2b: {  	s10 =	rddreg [dreg:$0x7];
	[sflag:s24] =	ssyncadd.s32 $0xFFFFC000  }
0x2c: {  	[spmem:s10] =	stream.linear.scatter [tilespmem:s23], [sflag:$0x5], $0x4000, $0x38;
	[tilespmem:$0x1FE00] =	vst v63  }
0x2d: {  	_ =	swait.ge [sflag:s24], $0x4000  }
0x2e: {  	[sflag:s24] =	ssyncset.done $0x0  }
0x2f: {  	s9 =	rddreg [dreg:$0x8];
	[sflag:s24] =	ssyncadd.s32 $0xFFFFC000  }
0x30: {  	[spmem:s9] =	stream.linear.scatter [tilespmem:s23], [sflag:$0x5], $0x3C00, $0x38;
	[tilespmem:$0x1FE00] =	vst v63  }
0x31: {  	_ =	swait.ge [sflag:s24], $0x3C00  }
0x32: {  	[sflag:s24] =	ssyncset.done $0x0  }
0x33: {  	[sflag:s24] =	ssyncadd.s32 $0xFFFFC400  }
0x34: {  	[bflag:$0x0] =	sbarrier.arrive $0xFFFF  }
0x35: {  	[tilespmem:s3], [sflag:$0x1] =	stream.linear.gather [hbm4b:s11+s3], $0x80, $0x38;
	[tilespmem:$0x1FE00] =	vst v63  }
0x36: {  	_ = 	snop  }
0x37: {  	[tilespmem:s25], [sflag:$0x1] =	stream.linear.gather [hbm4b:s12+s3], $0x80, $0x38;
	[tilespmem:$0x1FE00] =	vst v63  }
0x38: {  	_ =	swait.ge [sflag:s26], $0x80  }
0x39: {  	[sflag:s26] =	ssyncset.done $0x0  }
0x3a: {  	[sflag:s26] =	ssyncadd.s32 $0xFFFFFF80  }
0x3b: {  	_ =	swait.ge [sflag:s26], $0x80  }
0x3c: {  	[sflag:s26] =	ssyncset.done $0x0  }
0x3d: {  	[sflag:s26] =	ssyncadd.s32 $0xFFFFFF80  }
0x3e: {  	[tilespmem:s28], [sflag:$0x3] =	stream.indirect.gather [hbm4b:s4+s25], $0x80, s3, s25, $0xb8;
	[tilespmem:$0x1FE00] =	vst v63  }
0x3f: {  	_ = 	snop  }
0x40: {  	[tilespmem:s29], [sflag:$0x2] =	stream.linear.gather [hbm4b:s13+s3], $0x80, $0x38;
	[tilespmem:$0x1FE00] =	vst v63  }
0x41: {  	_ = 	snop  }
0x42: {  	[tilespmem:s30], [sflag:$0x2] =	stream.linear.gather [hbm4b:s14+s3], $0x80, $0x38;
	[tilespmem:$0x1FE00] =	vst v63  }
0x43: {  	_ =	swait.ge [sflag:s31], $0x80  }
0x44: {  	[sflag:s31] =	ssyncset.done $0x0  }
0x45: {  	[sflag:s31] =	ssyncadd.s32 $0xFFFFFF80  }
0x46: {  	_ =	swait.ge [sflag:s31], $0x80  }
0x47: {  	[sflag:s31] =	ssyncset.done $0x0  }
0x48: {  	[sflag:s31] =	ssyncadd.s32 $0xFFFFFF80  }
0x49: {  	[tilespmem:s0], [sflag:$0x4] =	stream.indirect.gather [hbm4b:s4+s25], $0x80, s29, s25, $0xb8;
	[tilespmem:$0x1FE00] =	vst v63  }
0x4a: {  	_ =	swait.ge [sflag:s1], $0x4000  }
0x4b: {  	[sflag:s1] =	ssyncset.done $0x0  }
0x4c: {  	[sflag:s1] =	ssyncadd.s32 $0xFFFFC000  }
0x4d: {  	[spmem:s2] =	stream.indirect.scatter.add.f32 [tilespmem:s28], [sflag:$0x5], $0x80, s25, s25, $0xb8;
	[tilespmem:$0x1FE00] =	vst v63  }
0x4e: {  	_ =	swait.ge [sflag:s24], $0x4000  }
0x4f: {  	[sflag:s24] =	ssyncset.done $0x0  }
0x50: {  	s10 =	sadd.s32 $0x0, s21;
	[sflag:s24] =	ssyncadd.s32 $0xFFFFC000  }
0x51: {  	[tilespmem:s3], [sflag:$0x1] =	stream.linear.gather [hbm4b:s10+s3], $0x80, $0x38;
	[tilespmem:$0x1FE00] =	vst v63  }
0x52: {  	s9 =	sadd.s32 $0x0, s22  }
0x53: {  	[tilespmem:s25], [sflag:$0x1] =	stream.linear.gather [hbm4b:s9+s3], $0x80, $0x38;
	[tilespmem:$0x1FE00] =	vst v63  }
0x54: {  	_ =	swait.ge [sflag:s26], $0x80  }
0x55: {  	[sflag:s26] =	ssyncset.done $0x0  }
0x56: {  	[sflag:s26] =	ssyncadd.s32 $0xFFFFFF80  }
0x57: {  	_ =	swait.ge [sflag:s26], $0x80  }
0x58: {  	[sflag:s26] =	ssyncset.done $0x0  }
0x59: {  	[sflag:s26] =	ssyncadd.s32 $0xFFFFFF80  }
0x5a: {  	[tilespmem:s28], [sflag:$0x3] =	stream.indirect.gather [hbm4b:s4+s25], $0x80, s3, s25, $0xb8;
	[tilespmem:$0x1FE00] =	vst v63  }
0x5b: {  	_ =	swait.ge [sflag:s5], $0x4000  }
0x5c: {  	[sflag:s5] =	ssyncset.done $0x0  }
0x5d: {  	[sflag:s5] =	ssyncadd.s32 $0xFFFFC000  }
0x5e: {  	[spmem:s2] =	stream.indirect.scatter.add.f32 [tilespmem:s0], [sflag:$0x5], $0x80, s30, s25, $0xb8;
	[tilespmem:$0x1FE00] =	vst v63  }
0x5f: {  	_ =	swait.ge [sflag:s24], $0x4000  }
0x60: {  	s8 =	simm.s32 $0x20;
	[sflag:s24] =	ssyncset.done $0x0  }
0x61: {  	s10 =	sadd.s32 $0x0, s19;
	s9 =	sadd.s32 $0x0, s20;
	[sflag:s24] =	ssyncadd.s32 $0xFFFFC000  }
0x62: {  	[tilespmem:s29], [sflag:$0x2] =	stream.linear.gather [hbm4b:s10+s3], $0x80, $0x38;
	[tilespmem:$0x1FE00] =	vst v63  }
.LBB2_2:
0x63: {  	[tilespmem:s30], [sflag:$0x2] =	stream.linear.gather [hbm4b:s9+s3], $0x80, $0x38;
	[tilespmem:$0x1FE00] =	vst v63  }
0x64: {  	s9 =	smov.u32 s8  }
0x65: {  	p1 =	sne.s32 s8, $0x4A0;
	s8 =	sadd.s32 $0x20, s8;
	_ =	swait.ge [sflag:s31], $0x80  }
0x66: {  	[sflag:s31] =	ssyncset.done $0x0  }
0x67: {  	[sflag:s31] =	ssyncadd.s32 $0xFFFFFF80  }
0x68: {  	_ =	swait.ge [sflag:s31], $0x80  }
0x69: {  	[sflag:s31] =	ssyncset.done $0x0  }
0x6a: {  	[sflag:s31] =	ssyncadd.s32 $0xFFFFFF80  }
0x6b: {  	[tilespmem:s0], [sflag:$0x4] =	stream.indirect.gather [hbm4b:s4+s25], $0x80, s29, s25, $0xb8;
	[tilespmem:$0x1FE00] =	vst v63  }
0x6c: {  	_ =	swait.ge [sflag:s1], $0x4000  }
0x6d: {  	[sflag:s1] =	ssyncset.done $0x0  }
0x6e: {  	[sflag:s1] =	ssyncadd.s32 $0xFFFFC000  }
0x6f: {  	[spmem:s2] =	stream.indirect.scatter.add.f32 [tilespmem:s28], [sflag:$0x5], $0x80, s25, s25, $0xb8;
	[tilespmem:$0x1FE00] =	vst v63  }
0x70: {  	_ =	swait.ge [sflag:s24], $0x4000  }
0x71: {  	[sflag:s24] =	ssyncset.done $0x0  }
0x72: {  	s10 =	sadd.s32 s9, s21;
	[sflag:s24] =	ssyncadd.s32 $0xFFFFC000  }
0x73: {  	[tilespmem:s3], [sflag:$0x1] =	stream.linear.gather [hbm4b:s10+s3], $0x80, $0x38;
	[tilespmem:$0x1FE00] =	vst v63  }
0x74: {  	s10 =	sadd.s32 s9, s22  }
0x75: {  	[tilespmem:s25], [sflag:$0x1] =	stream.linear.gather [hbm4b:s10+s3], $0x80, $0x38;
	[tilespmem:$0x1FE00] =	vst v63  }
0x76: {  	_ =	swait.ge [sflag:s26], $0x80  }
0x77: {  	[sflag:s26] =	ssyncset.done $0x0  }
0x78: {  	[sflag:s26] =	ssyncadd.s32 $0xFFFFFF80  }
0x79: {  	_ =	swait.ge [sflag:s26], $0x80  }
0x7a: {  	[sflag:s26] =	ssyncset.done $0x0  }
0x7b: {  	[sflag:s26] =	ssyncadd.s32 $0xFFFFFF80  }
0x7c: {  	[tilespmem:s28], [sflag:$0x3] =	stream.indirect.gather [hbm4b:s4+s25], $0x80, s3, s25, $0xb8;
	[tilespmem:$0x1FE00] =	vst v63  }
0x7d: {  	_ =	swait.ge [sflag:s5], $0x4000  }
0x7e: {  	[sflag:s5] =	ssyncset.done $0x0  }
0x7f: {  	[sflag:s5] =	ssyncadd.s32 $0xFFFFC000  }
0x80: {  	[spmem:s2] =	stream.indirect.scatter.add.f32 [tilespmem:s0], [sflag:$0x5], $0x80, s30, s25, $0xb8;
	[tilespmem:$0x1FE00] =	vst v63  }
.Ltmp0:
0x81: {  	_ =	swait.ge [sflag:s24], $0x4000;
	(pc) =	sbr.rel @p1 .LBB2_2-.Ltmp0, $4  }
0x82: {  	[sflag:s24] =	ssyncset.done $0x0  }
0x83: {  	s10 =	sadd.s32 s9, s19;
	[sflag:s24] =	ssyncadd.s32 $0xFFFFC000  }
0x84: {  	[tilespmem:s29], [sflag:$0x2] =	stream.linear.gather [hbm4b:s10+s3], $0x80, $0x38;
	[tilespmem:$0x1FE00] =	vst v63  }
0x85: {  	s9 =	sadd.s32 s9, s20  }
0x86: {  	[tilespmem:s30], [sflag:$0x2] =	stream.linear.gather [hbm4b:s9+s3], $0x80, $0x38;
	[tilespmem:$0x1FE00] =	vst v63  }
0x87: {  	_ =	swait.ge [sflag:s31], $0x80  }
0x88: {  	[sflag:s31] =	ssyncset.done $0x0  }
0x89: {  	[sflag:s31] =	ssyncadd.s32 $0xFFFFFF80  }
0x8a: {  	_ =	swait.ge [sflag:s31], $0x80  }
0x8b: {  	[sflag:s31] =	ssyncset.done $0x0  }
0x8c: {  	[sflag:s31] =	ssyncadd.s32 $0xFFFFFF80  }
0x8d: {  	[tilespmem:s0], [sflag:$0x4] =	stream.indirect.gather [hbm4b:s4+s25], $0x80, s29, s25, $0xb8;
	[tilespmem:$0x1FE00] =	vst v63  }
0x8e: {  	_ =	swait.ge [sflag:s1], $0x4000  }
0x8f: {  	[sflag:s1] =	ssyncset.done $0x0  }
0x90: {  	[sflag:s1] =	ssyncadd.s32 $0xFFFFC000  }
0x91: {  	[spmem:s2] =	stream.indirect.scatter.add.f32 [tilespmem:s28], [sflag:$0x5], $0x80, s25, s25, $0xb8;
	[tilespmem:$0x1FE00] =	vst v63  }
0x92: {  	_ =	swait.ge [sflag:s24], $0x4000  }
0x93: {  	[sflag:s24] =	ssyncset.done $0x0  }
0x94: {  	[sflag:s24] =	ssyncadd.s32 $0xFFFFC000  }
0x95: {  	_ =	swait.ge [sflag:s5], $0x4000  }
0x96: {  	[sflag:s5] =	ssyncset.done $0x0  }
0x97: {  	[sflag:s5] =	ssyncadd.s32 $0xFFFFC000  }
0x98: {  	[spmem:s2] =	stream.indirect.scatter.add.f32 [tilespmem:s0], [sflag:$0x5], $0x80, s30, s25, $0xb8;
	[tilespmem:$0x1FE00] =	vst v63  }
0x99: {  	_ =	swait.ge [sflag:s24], $0x4000  }
0x9a: {  	[sflag:s24] =	ssyncset.done $0x0  }
0x9b: {  	s8 =	simm.s32 @!p0 $0x0;
	[sflag:s24] =	ssyncadd.s32 $0xFFFFC000  }
0x9c: {  	[tilespmem:s8], [sflag:$0x1] =	stream.linear.gather @!p0 [hbm4b:s15+s8], $0x80, $0x38;
	[tilespmem:$0x1FE00] =	vst v63  }
0x9d: {  	s9 =	simm.s32 @!p0 $0x80;
	s10 =	simm.s32 @!p0 $0x1  }
0x9e: {  	[tilespmem:s9], [sflag:$0x1] =	stream.linear.gather @!p0 [hbm4b:s16+s8], $0x80, $0x38;
	[tilespmem:$0x1FE00] =	vst v63  }
0x9f: {  	_ =	swait.ge @!p0 [sflag:s10], $0x80  }
0xa0: {  	[sflag:s10] =	ssyncset.done @!p0 $0x0  }
0xa1: {  	[sflag:s10] =	ssyncadd.s32 @!p0 $0xFFFFFF80  }
0xa2: {  	_ =	swait.ge @!p0 [sflag:s10], $0x80  }
0xa3: {  	[sflag:s10] =	ssyncset.done @!p0 $0x0  }
0xa4: {  	[sflag:s10] =	ssyncadd.s32 @!p0 $0xFFFFFF80;
	s10 =	simm.s32 @!p0 $0x200  }
0xa5: {  	[tilespmem:s10], [sflag:$0x3] =	stream.indirect.gather @!p0 [hbm4b:s4+s9], $0x80, s8, s9, $0xb8;
	[tilespmem:$0x1FE00] =	vst v63  }
0xa6: {  	s8 =	simm.s32 @!p0 $0x3  }
0xa7: {  	_ =	swait.ge @!p0 [sflag:s8], $0x4000  }
0xa8: {  	[sflag:s8] =	ssyncset.done @!p0 $0x0  }
0xa9: {  	[sflag:s8] =	ssyncadd.s32 @!p0 $0xFFFFC000;
	s8 =	simm.s32 @!p0 $0x5  }
0xaa: {  	[spmem:s2] =	stream.indirect.scatter.add.f32 @!p0 [tilespmem:s10], [sflag:$0x5], $0x80, s9, s9, $0xb8;
	[tilespmem:$0x1FE00] =	vst v63  }
0xab: {  	s7 =	sadd.s32 $0x1, s7;
	_ =	swait.ge @!p0 [sflag:s8], $0x4000  }
0xac: {  	p1 =	sne.s32 s7, s18;
	s9 =	stileid.u32;
	[sflag:s8] =	ssyncset.done @!p0 $0x0  }
0xad: {  	s10 =	sshrl.u32 s6, $0x3;
	[sflag:s8] =	ssyncadd.s32 @!p0 $0xFFFFC000;
	s8 =	sshll.u32 s9, $0x6  }
.Ltmp1:
0xae: {  	[bflag:$0x0] =	sbarrier.arrive $0xFFFF;
	s8 =	sor.u32 $0x1C05, s8;
	(pc) =	sbr.rel @p1 .LBB2_1-.Ltmp1, $4  }
0xaf: {  	[hbm:s17], [sflag:s8] =	dma.local [spmem:s10], $0x2780  }
0xb0: {  	_ =	swait.ge [sflag:s24], $0x2780  }
0xb1: {  	[sflag:s24] =	ssyncset.done $0x0  }
0xb2: {  	[sflag:s24] =	ssyncadd.s32 $0xFFFFD880  }
0xb3: {  	_ =	sfence.sel $0x180000  }
0xb4: {  	[bflag:$0x0] =	sbarrier.arrive $0xFFFF  }
0xb5: {  	_ =	strace $0x9000004D  }
0xb6: {  	s0 =	stileid.u32;
	[bflag:$0x2] =	sbarrier.arrive $0xFFFF  }
0xb7: {  	p0 =	sne.s32 s0, $0x0;
	s0 =	rddreg [dreg:$0x3]  }
0xb8: {  	s0 =	sadd.s32 @!p0 $0x100000, s0  }
0xb9: {  	[sflag:s0] =	ssyncadd.tile.s32 @!p0 $0x1;
	_ =	shalt  }
.Lfunc_end2:
_tile_overlayer_lowered:
.L_overlay_start_2:
0xba: {  	(tag) =	ssettag $0x2  }
0xbb: {  	s0 =	rddreg [dreg:$0x0];
	s2 =	stileid.u32  }
0xbc: {  	s1 =	rddreg [dreg:$0x1];
	p0 =	sne.s32 s2, $0x0  }
0xbd: {  	s3 =	rddreg [dreg:$0x2];
	[bflag:$0x3] =	sbarrier.arrive $0xFFFF;
	s2 =	simm.s32 @!p0 $0x1C05  }
0xbe: {  	[timem:s3], [sflag:s2] =	dma.local @!p0 [hbm:s0], s1  }
0xbf: {  	s0 =	simm.s32 @!p0 $0x5  }
0xc0: {  	_ =	swait.ge @!p0 [sflag:s0], s1  }
0xc1: {  	s1 =	ssub.s32 @!p0 $0x0, s1;
	[sflag:s0] =	ssyncset.done @!p0 $0x0  }
0xc2: {  	[sflag:s0] =	ssyncadd.s32 @!p0 s1  }
0xc3: {  	[bflag:$0x3] =	sbarrier.arrive $0xFFFF  }
0xc4: {  	_ =	shalt  }

// kernel: kernel.19.cloned.1.call-start
scs
__scs_entry_jumppad:
0x0: {  	(pc) =	sbr.rel $0x88, $3  }
0x1: {  	(tag) =	ssettag $0x0;
	lr =	simm.s32 $0x1  }
0x2: {  	[smem:$0x3F99] =	sst lr;
	_ =	strace $0xD0000000  }
0x3: {  	_ = 	snop  }
0x4: {  	_ = 	snop  }
0x5: {  	_ = 	snop  }
0x6: {  	_ = 	snop  }
0x7: {  	_ = 	snop  }
__scs_overlays_trampoline_lowered:
0x8: {  	[smem:$0x3FA8] =	sst s0  }
0x9: {  	[smem:$0x3FA9] =	sst s1  }
0xa: {  	[smem:$0x3FAA] =	sst s2  }
0xb: {  	[smem:$0x3FAB] =	sst s3  }
0xc: {  	[smem:$0x3FAC] =	sst s4  }
0xd: {  	[smem:$0x3FAD] =	sst s5  }
0xe: {  	[smem:$0x3FAE] =	sst s6  }
0xf: {  	[smem:$0x3FAF] =	sst s7  }
0x10: {  	[smem:$0x3FB0] =	sst s8  }
0x11: {  	[smem:$0x3FB1] =	sst s9;
	s0 =	simm.s32 @!p0 $0x0  }
0x12: {  	s1 =	sld [smem:$0x3F97];
	s0 =	simm.s32 @p0 $0x1  }
0x13: {  	[smem:$0x3FB2] =	sst s0;
	s0 =	simm.s32 @!p1 $0x0  }
0x14: {  	s2 =	sld [smem:$0x3F96];
	s0 =	simm.s32 @p1 $0x1  }
0x15: {  	[smem:$0x3FB3] =	sst s0;
	s0 =	simm.s32 @!p2 $0x0  }
0x16: {  	s3 =	sld [smem:$0x3FDB];
	s0 =	simm.s32 @p2 $0x1  }
0x17: {  	s4 =	simm.s32 $0x1BF5;
	[smem:$0x3FB5] =	sst s0  }
0x18: {  	s0 =	sld [smem:$0x3F98];
	_ =	swait.ge [sflag:s4], $0x0  }
0x19: {  	s7 =	sld [smem:$0x3F99]  }
0x1a: {  	s8 =	sadd.s32 $0xFFFFE003, lr  }
0x1b: {  	s9 =	sadd.s32 $0xFFFFFEF7, lr;
	s5 =	simm.s32 $0xFFFFFFFF;
	p2 =	slt.u32 s8, $0xFFFFF086  }
0x1c: {  	p1 =	slt.u32 s9, $0xF7A;
	s5 =	simm.s32 @!p2 $0x0  }
0x1d: {  	s5 =	simm.s32 @p1 $0x1;
	p0 =	seq.s32 s7, s2  }
0x1e: {  	s7 =	smul.u32 @!p0 $0xF7A, s2;
	p2 =	seq.s32 @!p0 s5, $0x0  }
0x1f: {  	s9 =	smul.u32 $0xF7A, s1;
	s8 =	simm.s32 @!p0 $0x1BF5;
	p2 =	por !p2, p0  }
0x20: {  	[sflag:s8] =	ssyncset.s32 @!p0 $0xFFFFF086;
	s6 =	sadd.s32 @!p0 s3, s7;
	s7 =	simm.s32 @!p0 $0x108  }
0x21: {  	s3 =	sadd.s32 s3, s9;
	s6 =	sadd.s32 @!p0 $0x88, s6;
	s7 =	simm.s32 @p2 $0x1082  }
0x22: {  	[simem:s7], [sflag:s8] =	dma.local @!p0 [hbm:s6], $0xF7A  }
0x23: {  	s9 =	sor.u32 $0xD0000000, s2;
	s6 =	simm.s32 $0x108;
	_ =	swait.ge @!p0 [sflag:s8], $0x0  }
0x24: {  	s3 =	sadd.s32 $0x88, s3;
	s6 =	simm.s32 @!p1 $0x1082;
	[sflag:s4] =	ssyncset.s32 $0xFFFFF086  }
0x25: {  	[simem:s6], [sflag:s4] =	dma.local [hbm:s3], $0xF7A  }
0x26: {  	[smem:$0x3F99] =	sst s1;
	(tag) =	ssettag s2;
	_ =	strace s9  }
0x27: {  	s1 =	sld [smem:$0x3FA9]  }
0x28: {  	s2 =	sld [smem:$0x3FAA]  }
0x29: {  	s4 =	sld [smem:$0x3FAC]  }
0x2a: {  	p0 =	seq.s32 s5, $0x0;
	s5 =	sld [smem:$0x3FAD]  }
0x2b: {  	s6 =	sld [smem:$0x3FAE]  }
0x2c: {  	s7 =	sld [smem:$0x3FAF]  }
0x2d: {  	s3 =	simm.s32 $0x108;
	s8 =	sld [smem:$0x3FB0]  }
0x2e: {  	s3 =	simm.s32 @!p0 $0x1082;
	s9 =	sld [smem:$0x3FB1]  }
0x2f: {  	lr =	sadd.s32 s0, s3;
	s0 =	sld [smem:$0x3FA8]  }
0x30: {  	s3 =	sld [smem:$0x3FAB]  }
0x31: {  	[smem:$0x3FB4] =	sst s10  }
0x32: {  	s10 =	sld [smem:$0x3FB2];
	_ =	sdelay $0x3  }
0x33: {  	p0 =	seq.s32 s10, $0x1;
	s10 =	sld [smem:$0x3FB4];
	_ =	sdelay $0x3  }
0x34: {  	[smem:$0x3FB4] =	sst s10  }
0x35: {  	s10 =	sld [smem:$0x3FB3];
	_ =	sdelay $0x3  }
0x36: {  	p1 =	seq.s32 s10, $0x1;
	s10 =	sld [smem:$0x3FB4];
	_ =	sdelay $0x3  }
0x37: {  	[smem:$0x3FB4] =	sst s10  }
0x38: {  	s10 =	sld [smem:$0x3FB5]  }
0x39: {  	_ = 	snop;
	(pc) =	sbr.ind lr, $3  }
0x3a: {  	_ = 	snop  }
0x3b: {  	_ = 	snop  }
0x3c: {  	p2 =	seq.s32 s10, $0x1;
	s10 =	sld [smem:$0x3FB4]  }
0x3d: {  	_ =	shalt  }
0x3e: {  	_ =	shalt  }
0x3f: {  	_ =	shalt  }
0x40: {  	_ =	shalt  }
0x41: {  	_ =	shalt  }
0x42: {  	_ =	shalt  }
0x43: {  	_ =	shalt  }
0x44: {  	_ =	shalt  }
0x45: {  	_ =	shalt  }
0x46: {  	_ =	shalt  }
0x47: {  	_ =	shalt  }
0x48: {  	_ =	shalt  }
0x49: {  	_ =	shalt  }
0x4a: {  	_ =	shalt  }
0x4b: {  	_ =	shalt  }
0x4c: {  	_ =	shalt  }
0x4d: {  	_ =	shalt  }
0x4e: {  	_ =	shalt  }
0x4f: {  	_ =	shalt  }
0x50: {  	_ =	shalt  }
0x51: {  	_ =	shalt  }
0x52: {  	_ =	shalt  }
0x53: {  	_ =	shalt  }
0x54: {  	_ =	shalt  }
0x55: {  	_ =	shalt  }
0x56: {  	_ =	shalt  }
0x57: {  	_ =	shalt  }
0x58: {  	_ =	shalt  }
0x59: {  	_ =	shalt  }
0x5a: {  	_ =	shalt  }
0x5b: {  	_ =	shalt  }
0x5c: {  	_ =	shalt  }
0x5d: {  	_ =	shalt  }
0x5e: {  	_ =	shalt  }
0x5f: {  	_ =	shalt  }
0x60: {  	_ =	shalt  }
0x61: {  	_ =	shalt  }
0x62: {  	_ =	shalt  }
0x63: {  	_ =	shalt  }
0x64: {  	_ =	shalt  }
0x65: {  	_ =	shalt  }
0x66: {  	_ =	shalt  }
0x67: {  	_ =	shalt  }
0x68: {  	_ =	shalt  }
0x69: {  	_ =	shalt  }
0x6a: {  	_ =	shalt  }
0x6b: {  	_ =	shalt  }
0x6c: {  	_ =	shalt  }
0x6d: {  	_ =	shalt  }
0x6e: {  	_ =	shalt  }
0x6f: {  	_ =	shalt  }
0x70: {  	_ =	shalt  }
0x71: {  	_ =	shalt  }
0x72: {  	_ =	shalt  }
0x73: {  	_ =	shalt  }
0x74: {  	_ =	shalt  }
0x75: {  	_ =	shalt  }
0x76: {  	_ =	shalt  }
0x77: {  	_ =	shalt  }
0x78: {  	_ =	shalt  }
0x79: {  	_ =	shalt  }
0x7a: {  	_ =	shalt  }
0x7b: {  	_ =	shalt  }
0x7c: {  	_ =	shalt  }
0x7d: {  	_ =	shalt  }
0x7e: {  	_ =	shalt  }
0x7f: {  	_ =	shalt  }
0x80: {  	_ =	shalt  }
0x81: {  	_ =	shalt  }
0x82: {  	_ =	shalt  }
0x83: {  	_ =	shalt  }
0x84: {  	_ =	shalt  }
0x85: {  	_ =	shalt  }
0x86: {  	_ =	shalt  }
0x87: {  	_ =	shalt  }
.Lfunc_end0:
.L_simem_size_0:
called_computation.3_lowered:
.L_overlay_start_0:
0x88: {  	s2 =	sld [smem:$0x3FD9]  }
0x89: {  	s3 =	sld [smem:$0x3FFE];
	_ =	sdelay $0x1  }
0x8a: {  	s1 =	srdreg.scid  }
0x8b: {  	s0 =	sand.u32 $0x1, s1  }
0x8c: {  	s17 =	sshll.u32 s0, $0xA;
	s2 =	sadd.s32 s3, s2  }
0x8d: {  	s2 =	sadd.s32 s2, s17  }
0x8e: {  	[smem:$0x3FC0] =	sst s2  }
0x8f: {  	_ = 	snop  }
0x90: {  	s2 =	sld [smem:$0x3FD0];
	(tm) =	ssettm $0x1  }
0x91: {  	s18 =	sld [smem:$0x3FFB];
	_ =	sdelay $0x3  }
0x92: {  	_ =	strace s18  }
0x93: {  	s3 =	sld [smem:$0x3FFC];
	_ =	sdelay $0x3  }
0x94: {  	_ =	strace s3  }
0x95: {  	s3 =	sld [smem:$0x3FFD];
	_ =	sdelay $0x3  }
0x96: {  	_ =	strace s3  }
0x97: {  	_ =	strace $0x8FFFFFFF  }
0x98: {  	s19 =	sld [smem:$0x3FDB];
	_ =	sdelay $0x1  }
0x99: {  	s4 =	simm.s32 $_scs_section_size  }
0x9a: {  	s5 =	simm.s32 $_size__tile_overlayer_lowered;
	s6 =	simm.s32 $_tile_overlayer_lowered  }
0x9b: {  	s22 =	simm.s32 $0x1BFF;
	s21 =	sshll.u32 s6, $0x1;
	s3 =	sadd.s32 s4, s19  }
0x9c: {  	s7 =	simm.s32 $0x0;
	s20 =	sshll.u32 s5, $0x1;
	s5 =	sadd.s32 s21, s3  }
0x9d: {  	[timem:s7], [sflag:s22] =	dma.local [hbm:s5], s20  }
0x9e: {  	_ =	swait.ge [sflag:s22], s20  }
0x9f: {  	s4 =	ssub.s32 $0x0, s20;
	[sflag:s22] =	ssyncset.done $0x0  }
0xa0: {  	[sflag:s22] =	ssyncadd.s32 s4;
	_ =	sdelay $0x1  }
0xa1: {  	s23 =	simm.s32 $0x1B8B  }
0xa2: {  	_ =	swait.ge [sflag:s23], $0x1  }
0xa3: {  	[sflag:s23] =	ssyncset.done $0x0  }
0xa4: {  	s25 =	simm.s32 $0x1B8E;
	s24 =	sld [smem:$0x3FFE];
	[sflag:s23] =	ssyncadd.s32 $0xFFFFFFFF  }
0xa5: {  	s26 =	simm.s32 $execute0_lowered;
	[smem:$0x3FD2] =	sst s25  }
0xa6: {  	s5 =	sshll.u32 s26, $0x1;
	_ =	strace $0x8000004F;
	[dreg:$0x1] =	wrdreg $0xFFFFFFFF  }
0xa7: {  	s28 =	simm.s32 $_size_execute0_lowered;
	s3 =	sadd.s32 s3, s5;
	[dreg:$0x0] =	wrdreg $0x0  }
0xa8: {  	s5 =	sshll.u32 s28, $0x1;
	[dreg:$0x2] =	wrdreg s3  }
0xa9: {  	[dreg:$0x3] =	wrdreg s5  }
0xaa: {  	[dreg:$0x4] =	wrdreg $0xC0  }
0xab: {  	_ =	task [dreg:s7], $0x5FFFF  }
0xac: {  	[dreg:$0x1] =	wrdreg $0xFFFFFFFF  }
0xad: {  	[dreg:$0x0] =	wrdreg $0x60  }
0xae: {  	[dreg:$0x2] =	wrdreg s24  }
0xaf: {  	[dreg:$0x3] =	wrdreg s2  }
0xb0: {  	[dreg:$0x4] =	wrdreg $0xC2000  }
0xb1: {  	[dreg:$0x5] =	wrdreg $0x9  }
0xb2: {  	_ =	task.clear_ibuf [dreg:s7], $0x6FFFF;
	_ =	strace $0x9000004F  }
0xb3: {  	s29 =	simm.s32 $0x9;
	_ =	strace $0x80000051  }
0xb4: {  	_ =	swait.ge [sflag:s29], $0x1  }
0xb5: {  	[sflag:s29] =	ssyncadd.s32 $0xFFFFFFFF  }
0xb6: {  	_ =	strace $0x90000051  }
0xb7: {  	_ =	sfence  }
0xb8: {  	s30 =	sld [smem:$0x0];
	_ =	sdelay $0x2  }
0xb9: {  	s31 =	sshll.u32 s1, $0xD;
	s1 =	sshrl.u32 s1, $0x2  }
0xba: {  	s3 =	sand.u32 $0x4000, s31;
	s1 =	sadd.s32 s1, s30  }
0xbb: {  	s0 =	sor.u32 s3, s0;
	s1 =	sshll.u32 s1, $0x11  }
0xbc: {  	s0 =	sor.u32 s1, s0  }
0xbd: {  	s0 =	sadd.s32 $0x8F2B, s0  }
0xbe: {  	[sflag:s0] =	ssyncadd.remote.s32 $0x1  }
0xbf: {  	_ =	sfence.sel $0xFFFF  }
0xc0: {  	[dreg:$0x0] =	wrdreg $0xFFFFFFFF;
	(pc) =	sbr.abs _section_cstart, $3  }
0xc1: {  	[dreg:$0x1] =	wrdreg $0xFFFFFFFF  }
0xc2: {  	_ =	task.clear_ibuf [dreg:s7], $0x2FFFF;
	_ =	strace $0x9FFFFFFF  }
0xc3: {  	(tm) =	ssettm $0x7FFFFFFF  }
tec
execute0_lowered:
.L_overlay_start_1:
0x0: {  	(tag) =	ssettag $0x1  }
0x1: {  	s0 =	rddreg [dreg:$0x0]  }
0x2: {  	s1 =	rddreg [dreg:$0x1]  }
0x3: {  	s2 =	rddreg [dreg:$0x2]  }
0x4: {  	s4 =	srdreg.scid;
	s12 =	stileid.u32;
	s3 =	simm.s32 $0x0  }
0x5: {  	s28 =	simm.s32 $0x200;
	s29 =	simm.s32 $0x100;
	s30 =	simm.s32 $0x180  }
0x6: {  	s31 =	simm.s32 $0x2;
	s5 =	sand.u32 $0x1, s4;
	s6 =	smul.u32 $0x2780, s12  }
0x7: {  	[smem:$0x7FF] =	sst s3;
	s4 =	sadd.s32 $0xC400, s0;
	s10 =	smul.u32 $0x4F000, s12  }
0x8: {  	s8 =	sadd.s32 $0x2600, s0;
	s9 =	sadd.s32 $0x33C00, s0;
	s7 =	smul.u32 $0x27800, s5  }
0x9: {  	_ =	strace $0x80000050;
	[dreg:$0x4] =	wrdreg s9;
	s18 =	ssub.s32 $0x2, s5  }
0xa: {  	s17 =	sshll.u32 s5, $0x4;
	s5 =	smul.u32 $0x4E0, s5;
	s19 =	sshrl.u32 s18, $0x1  }
0xb: {  	s20 =	sshrl.u32 s10, $0x2;
	s6 =	sadd.s32 s6, s7;
	s7 =	sor.u32 s12, s17  }
0xc: {  	s9 =	ssub.s32 s18, s19;
	s12 =	smul.u32 $0x4E, s12;
	s0 =	sadd.s32 s6, s0  }
0xd: {  	s11 =	smul.u32 $0x4E, s7;
	s14 =	smin.u32 s7, $0x4;
	s6 =	sadd.s32 s20, s2  }
0xe: {  	s18 =	smax.u32 s9, $0x1;
	p0 =	sgt.u32 s7, $0x3;
	s21 =	sadd.s32 $0x4000, s6  }
0xf: {  	s7 =	simm.s32 $0x0;
	s22 =	sadd.s32 $0x8000, s6;
	[dreg:$0x5] =	wrdreg s21  }
0x10: {  	s23 =	sadd.s32 $0xC000, s6;
	s24 =	sadd.s32 $0x10000, s6;
	[dreg:$0x6] =	wrdreg s22  }
0x11: {  	s5 =	sadd.s32 s12, s5;
	s17 =	sadd.s32 $0x34400, s0;
	[dreg:$0x7] =	wrdreg s23  }
0x12: {  	s0 =	simm.s32 $0x4200;
	s11 =	sadd.s32 s14, s11;
	[dreg:$0x8] =	wrdreg s24  }
0x13: {  	s5 =	sadd.s32 s14, s5;
	s23 =	simm.s32 $0x8200;
	s15 =	sshll.u32 s11, $0x4  }
0x14: {  	s24 =	simm.s32 $0x5;
	s5 =	sshll.u32 s5, $0x4;
	s11 =	sadd.s32 s8, s15  }
0x15: {  	s16 =	sadd.s32 $0x10, s15;
	s12 =	sadd.s32 s1, s15;
	s25 =	sadd.s32 $0x4E0, s15  }
0x16: {  	s20 =	sadd.s32 $0x30, s5;
	s26 =	sadd.s32 s5, s8;
	s13 =	sadd.s32 s8, s16  }
0x17: {  	s14 =	sadd.s32 s1, s16;
	s15 =	sadd.s32 s8, s25;
	s16 =	sadd.s32 s1, s25  }
0x18: {  	s19 =	sadd.s32 s20, s8;
	s20 =	sadd.s32 s20, s1;
	s1 =	sadd.s32 s5, s1  }
0x19: {  	s21 =	sadd.s32 $0x20, s26;
	s25 =	simm.s32 $0x80;
	s26 =	simm.s32 $0x1  }
0x1a: {  	s5 =	simm.s32 $0x4;
	s22 =	sadd.s32 $0x20, s1;
	s1 =	simm.s32 $0x3  }
.LBB2_1:
0x1b: {  	s8 =	rddreg [dreg:$0x4]  }
0x1c: {  	[tilespmem:s23], [sflag:$0x5] =	stream.linear.gather [hbm4b:s8+s3], $0x4000, $0x38;
	[tilespmem:$0x1FE00] =	vst v63  }
0x1d: {  	_ =	swait.ge [sflag:s24], $0x4000  }
0x1e: {  	[sflag:s24] =	ssyncset.done $0x0  }
0x1f: {  	[sflag:s24] =	ssyncadd.s32 $0xFFFFC000  }
0x20: {  	[spmem:s6] =	stream.linear.scatter [tilespmem:s23], [sflag:$0x5], $0x4000, $0x38;
	[tilespmem:$0x1FE00] =	vst v63  }
0x21: {  	_ =	swait.ge [sflag:s24], $0x4000  }
0x22: {  	[sflag:s24] =	ssyncset.done $0x0  }
0x23: {  	s10 =	rddreg [dreg:$0x5];
	[sflag:s24] =	ssyncadd.s32 $0xFFFFC000  }
0x24: {  	[spmem:s10] =	stream.linear.scatter [tilespmem:s23], [sflag:$0x5], $0x4000, $0x38;
	[tilespmem:$0x1FE00] =	vst v63  }
0x25: {  	_ =	swait.ge [sflag:s24], $0x4000  }
0x26: {  	[sflag:s24] =	ssyncset.done $0x0  }
0x27: {  	s9 =	rddreg [dreg:$0x6];
	[sflag:s24] =	ssyncadd.s32 $0xFFFFC000  }
0x28: {  	[spmem:s9] =	stream.linear.scatter [tilespmem:s23], [sflag:$0x5], $0x4000, $0x38;
	[tilespmem:$0x1FE00] =	vst v63  }
0x29: {  	_ =	swait.ge [sflag:s24], $0x4000  }
0x2a: {  	[sflag:s24] =	ssyncset.done $0x0  }
0x2b: {  	s10 =	rddreg [dreg:$0x7];
	[sflag:s24] =	ssyncadd.s32 $0xFFFFC000  }
0x2c: {  	[spmem:s10] =	stream.linear.scatter [tilespmem:s23], [sflag:$0x5], $0x4000, $0x38;
	[tilespmem:$0x1FE00] =	vst v63  }
0x2d: {  	_ =	swait.ge [sflag:s24], $0x4000  }
0x2e: {  	[sflag:s24] =	ssyncset.done $0x0  }
0x2f: {  	s9 =	rddreg [dreg:$0x8];
	[sflag:s24] =	ssyncadd.s32 $0xFFFFC000  }
0x30: {  	[spmem:s9] =	stream.linear.scatter [tilespmem:s23], [sflag:$0x5], $0x3C00, $0x38;
	[tilespmem:$0x1FE00] =	vst v63  }
0x31: {  	_ =	swait.ge [sflag:s24], $0x3C00  }
0x32: {  	[sflag:s24] =	ssyncset.done $0x0  }
0x33: {  	[sflag:s24] =	ssyncadd.s32 $0xFFFFC400  }
0x34: {  	[bflag:$0x0] =	sbarrier.arrive $0xFFFF  }
0x35: {  	[tilespmem:s3], [sflag:$0x1] =	stream.linear.gather [hbm4b:s11+s3], $0x80, $0x38;
	[tilespmem:$0x1FE00] =	vst v63  }
0x36: {  	_ = 	snop  }
0x37: {  	[tilespmem:s25], [sflag:$0x1] =	stream.linear.gather [hbm4b:s12+s3], $0x80, $0x38;
	[tilespmem:$0x1FE00] =	vst v63  }
0x38: {  	_ =	swait.ge [sflag:s26], $0x80  }
0x39: {  	[sflag:s26] =	ssyncset.done $0x0  }
0x3a: {  	[sflag:s26] =	ssyncadd.s32 $0xFFFFFF80  }
0x3b: {  	_ =	swait.ge [sflag:s26], $0x80  }
0x3c: {  	[sflag:s26] =	ssyncset.done $0x0  }
0x3d: {  	[sflag:s26] =	ssyncadd.s32 $0xFFFFFF80  }
0x3e: {  	[tilespmem:s28], [sflag:$0x3] =	stream.indirect.gather [hbm4b:s4+s25], $0x80, s3, s25, $0xb8;
	[tilespmem:$0x1FE00] =	vst v63  }
0x3f: {  	_ = 	snop  }
0x40: {  	[tilespmem:s29], [sflag:$0x2] =	stream.linear.gather [hbm4b:s13+s3], $0x80, $0x38;
	[tilespmem:$0x1FE00] =	vst v63  }
0x41: {  	_ = 	snop  }
0x42: {  	[tilespmem:s30], [sflag:$0x2] =	stream.linear.gather [hbm4b:s14+s3], $0x80, $0x38;
	[tilespmem:$0x1FE00] =	vst v63  }
0x43: {  	_ =	swait.ge [sflag:s31], $0x80  }
0x44: {  	[sflag:s31] =	ssyncset.done $0x0  }
0x45: {  	[sflag:s31] =	ssyncadd.s32 $0xFFFFFF80  }
0x46: {  	_ =	swait.ge [sflag:s31], $0x80  }
0x47: {  	[sflag:s31] =	ssyncset.done $0x0  }
0x48: {  	[sflag:s31] =	ssyncadd.s32 $0xFFFFFF80  }
0x49: {  	[tilespmem:s0], [sflag:$0x4] =	stream.indirect.gather [hbm4b:s4+s25], $0x80, s29, s25, $0xb8;
	[tilespmem:$0x1FE00] =	vst v63  }
0x4a: {  	_ =	swait.ge [sflag:s1], $0x4000  }
0x4b: {  	[sflag:s1] =	ssyncset.done $0x0  }
0x4c: {  	[sflag:s1] =	ssyncadd.s32 $0xFFFFC000  }
0x4d: {  	[spmem:s2] =	stream.indirect.scatter.add.f32 [tilespmem:s28], [sflag:$0x5], $0x80, s25, s25, $0xb8;
	[tilespmem:$0x1FE00] =	vst v63  }
0x4e: {  	_ =	swait.ge [sflag:s24], $0x4000  }
0x4f: {  	[sflag:s24] =	ssyncset.done $0x0  }
0x50: {  	s10 =	sadd.s32 $0x0, s21;
	[sflag:s24] =	ssyncadd.s32 $0xFFFFC000  }
0x51: {  	[tilespmem:s3], [sflag:$0x1] =	stream.linear.gather [hbm4b:s10+s3], $0x80, $0x38;
	[tilespmem:$0x1FE00] =	vst v63  }
0x52: {  	s9 =	sadd.s32 $0x0, s22  }
0x53: {  	[tilespmem:s25], [sflag:$0x1] =	stream.linear.gather [hbm4b:s9+s3], $0x80, $0x38;
	[tilespmem:$0x1FE00] =	vst v63  }
0x54: {  	_ =	swait.ge [sflag:s26], $0x80  }
0x55: {  	[sflag:s26] =	ssyncset.done $0x0  }
0x56: {  	[sflag:s26] =	ssyncadd.s32 $0xFFFFFF80  }
0x57: {  	_ =	swait.ge [sflag:s26], $0x80  }
0x58: {  	[sflag:s26] =	ssyncset.done $0x0  }
0x59: {  	[sflag:s26] =	ssyncadd.s32 $0xFFFFFF80  }
0x5a: {  	[tilespmem:s28], [sflag:$0x3] =	stream.indirect.gather [hbm4b:s4+s25], $0x80, s3, s25, $0xb8;
	[tilespmem:$0x1FE00] =	vst v63  }
0x5b: {  	_ =	swait.ge [sflag:s5], $0x4000  }
0x5c: {  	[sflag:s5] =	ssyncset.done $0x0  }
0x5d: {  	[sflag:s5] =	ssyncadd.s32 $0xFFFFC000  }
0x5e: {  	[spmem:s2] =	stream.indirect.scatter.add.f32 [tilespmem:s0], [sflag:$0x5], $0x80, s30, s25, $0xb8;
	[tilespmem:$0x1FE00] =	vst v63  }
0x5f: {  	_ =	swait.ge [sflag:s24], $0x4000  }
0x60: {  	s8 =	simm.s32 $0x20;
	[sflag:s24] =	ssyncset.done $0x0  }
0x61: {  	s10 =	sadd.s32 $0x0, s19;
	s9 =	sadd.s32 $0x0, s20;
	[sflag:s24] =	ssyncadd.s32 $0xFFFFC000  }
0x62: {  	[tilespmem:s29], [sflag:$0x2] =	stream.linear.gather [hbm4b:s10+s3], $0x80, $0x38;
	[tilespmem:$0x1FE00] =	vst v63  }
.LBB2_2:
0x63: {  	[tilespmem:s30], [sflag:$0x2] =	stream.linear.gather [hbm4b:s9+s3], $0x80, $0x38;
	[tilespmem:$0x1FE00] =	vst v63  }
0x64: {  	s9 =	smov.u32 s8  }
0x65: {  	p1 =	sne.s32 s8, $0x4A0;
	s8 =	sadd.s32 $0x20, s8;
	_ =	swait.ge [sflag:s31], $0x80  }
0x66: {  	[sflag:s31] =	ssyncset.done $0x0  }
0x67: {  	[sflag:s31] =	ssyncadd.s32 $0xFFFFFF80  }
0x68: {  	_ =	swait.ge [sflag:s31], $0x80  }
0x69: {  	[sflag:s31] =	ssyncset.done $0x0  }
0x6a: {  	[sflag:s31] =	ssyncadd.s32 $0xFFFFFF80  }
0x6b: {  	[tilespmem:s0], [sflag:$0x4] =	stream.indirect.gather [hbm4b:s4+s25], $0x80, s29, s25, $0xb8;
	[tilespmem:$0x1FE00] =	vst v63  }
0x6c: {  	_ =	swait.ge [sflag:s1], $0x4000  }
0x6d: {  	[sflag:s1] =	ssyncset.done $0x0  }
0x6e: {  	[sflag:s1] =	ssyncadd.s32 $0xFFFFC000  }
0x6f: {  	[spmem:s2] =	stream.indirect.scatter.add.f32 [tilespmem:s28], [sflag:$0x5], $0x80, s25, s25, $0xb8;
	[tilespmem:$0x1FE00] =	vst v63  }
0x70: {  	_ =	swait.ge [sflag:s24], $0x4000  }
0x71: {  	[sflag:s24] =	ssyncset.done $0x0  }
0x72: {  	s10 =	sadd.s32 s9, s21;
	[sflag:s24] =	ssyncadd.s32 $0xFFFFC000  }
0x73: {  	[tilespmem:s3], [sflag:$0x1] =	stream.linear.gather [hbm4b:s10+s3], $0x80, $0x38;
	[tilespmem:$0x1FE00] =	vst v63  }
0x74: {  	s10 =	sadd.s32 s9, s22  }
0x75: {  	[tilespmem:s25], [sflag:$0x1] =	stream.linear.gather [hbm4b:s10+s3], $0x80, $0x38;
	[tilespmem:$0x1FE00] =	vst v63  }
0x76: {  	_ =	swait.ge [sflag:s26], $0x80  }
0x77: {  	[sflag:s26] =	ssyncset.done $0x0  }
0x78: {  	[sflag:s26] =	ssyncadd.s32 $0xFFFFFF80  }
0x79: {  	_ =	swait.ge [sflag:s26], $0x80  }
0x7a: {  	[sflag:s26] =	ssyncset.done $0x0  }
0x7b: {  	[sflag:s26] =	ssyncadd.s32 $0xFFFFFF80  }
0x7c: {  	[tilespmem:s28], [sflag:$0x3] =	stream.indirect.gather [hbm4b:s4+s25], $0x80, s3, s25, $0xb8;
	[tilespmem:$0x1FE00] =	vst v63  }
0x7d: {  	_ =	swait.ge [sflag:s5], $0x4000  }
0x7e: {  	[sflag:s5] =	ssyncset.done $0x0  }
0x7f: {  	[sflag:s5] =	ssyncadd.s32 $0xFFFFC000  }
0x80: {  	[spmem:s2] =	stream.indirect.scatter.add.f32 [tilespmem:s0], [sflag:$0x5], $0x80, s30, s25, $0xb8;
	[tilespmem:$0x1FE00] =	vst v63  }
.Ltmp0:
0x81: {  	_ =	swait.ge [sflag:s24], $0x4000;
	(pc) =	sbr.rel @p1 .LBB2_2-.Ltmp0, $4  }
0x82: {  	[sflag:s24] =	ssyncset.done $0x0  }
0x83: {  	s10 =	sadd.s32 s9, s19;
	[sflag:s24] =	ssyncadd.s32 $0xFFFFC000  }
0x84: {  	[tilespmem:s29], [sflag:$0x2] =	stream.linear.gather [hbm4b:s10+s3], $0x80, $0x38;
	[tilespmem:$0x1FE00] =	vst v63  }
0x85: {  	s9 =	sadd.s32 s9, s20  }
0x86: {  	[tilespmem:s30], [sflag:$0x2] =	stream.linear.gather [hbm4b:s9+s3], $0x80, $0x38;
	[tilespmem:$0x1FE00] =	vst v63  }
0x87: {  	_ =	swait.ge [sflag:s31], $0x80  }
0x88: {  	[sflag:s31] =	ssyncset.done $0x0  }
0x89: {  	[sflag:s31] =	ssyncadd.s32 $0xFFFFFF80  }
0x8a: {  	_ =	swait.ge [sflag:s31], $0x80  }
0x8b: {  	[sflag:s31] =	ssyncset.done $0x0  }
0x8c: {  	[sflag:s31] =	ssyncadd.s32 $0xFFFFFF80  }
0x8d: {  	[tilespmem:s0], [sflag:$0x4] =	stream.indirect.gather [hbm4b:s4+s25], $0x80, s29, s25, $0xb8;
	[tilespmem:$0x1FE00] =	vst v63  }
0x8e: {  	_ =	swait.ge [sflag:s1], $0x4000  }
0x8f: {  	[sflag:s1] =	ssyncset.done $0x0  }
0x90: {  	[sflag:s1] =	ssyncadd.s32 $0xFFFFC000  }
0x91: {  	[spmem:s2] =	stream.indirect.scatter.add.f32 [tilespmem:s28], [sflag:$0x5], $0x80, s25, s25, $0xb8;
	[tilespmem:$0x1FE00] =	vst v63  }
0x92: {  	_ =	swait.ge [sflag:s24], $0x4000  }
0x93: {  	[sflag:s24] =	ssyncset.done $0x0  }
0x94: {  	[sflag:s24] =	ssyncadd.s32 $0xFFFFC000  }
0x95: {  	_ =	swait.ge [sflag:s5], $0x4000  }
0x96: {  	[sflag:s5] =	ssyncset.done $0x0  }
0x97: {  	[sflag:s5] =	ssyncadd.s32 $0xFFFFC000  }
0x98: {  	[spmem:s2] =	stream.indirect.scatter.add.f32 [tilespmem:s0], [sflag:$0x5], $0x80, s30, s25, $0xb8;
	[tilespmem:$0x1FE00] =	vst v63  }
0x99: {  	_ =	swait.ge [sflag:s24], $0x4000  }
0x9a: {  	[sflag:s24] =	ssyncset.done $0x0  }
0x9b: {  	s8 =	simm.s32 @!p0 $0x0;
	[sflag:s24] =	ssyncadd.s32 $0xFFFFC000  }
0x9c: {  	[tilespmem:s8], [sflag:$0x1] =	stream.linear.gather @!p0 [hbm4b:s15+s8], $0x80, $0x38;
	[tilespmem:$0x1FE00] =	vst v63  }
0x9d: {  	s9 =	simm.s32 @!p0 $0x80;
	s10 =	simm.s32 @!p0 $0x1  }
0x9e: {  	[tilespmem:s9], [sflag:$0x1] =	stream.linear.gather @!p0 [hbm4b:s16+s8], $0x80, $0x38;
	[tilespmem:$0x1FE00] =	vst v63  }
0x9f: {  	_ =	swait.ge @!p0 [sflag:s10], $0x80  }
0xa0: {  	[sflag:s10] =	ssyncset.done @!p0 $0x0  }
0xa1: {  	[sflag:s10] =	ssyncadd.s32 @!p0 $0xFFFFFF80  }
0xa2: {  	_ =	swait.ge @!p0 [sflag:s10], $0x80  }
0xa3: {  	[sflag:s10] =	ssyncset.done @!p0 $0x0  }
0xa4: {  	[sflag:s10] =	ssyncadd.s32 @!p0 $0xFFFFFF80;
	s10 =	simm.s32 @!p0 $0x200  }
0xa5: {  	[tilespmem:s10], [sflag:$0x3] =	stream.indirect.gather @!p0 [hbm4b:s4+s9], $0x80, s8, s9, $0xb8;
	[tilespmem:$0x1FE00] =	vst v63  }
0xa6: {  	s8 =	simm.s32 @!p0 $0x3  }
0xa7: {  	_ =	swait.ge @!p0 [sflag:s8], $0x4000  }
0xa8: {  	[sflag:s8] =	ssyncset.done @!p0 $0x0  }
0xa9: {  	[sflag:s8] =	ssyncadd.s32 @!p0 $0xFFFFC000;
	s8 =	simm.s32 @!p0 $0x5  }
0xaa: {  	[spmem:s2] =	stream.indirect.scatter.add.f32 @!p0 [tilespmem:s10], [sflag:$0x5], $0x80, s9, s9, $0xb8;
	[tilespmem:$0x1FE00] =	vst v63  }
0xab: {  	s7 =	sadd.s32 $0x1, s7;
	_ =	swait.ge @!p0 [sflag:s8], $0x4000  }
0xac: {  	p1 =	sne.s32 s7, s18;
	s9 =	stileid.u32;
	[sflag:s8] =	ssyncset.done @!p0 $0x0  }
0xad: {  	s10 =	sshrl.u32 s6, $0x3;
	[sflag:s8] =	ssyncadd.s32 @!p0 $0xFFFFC000;
	s8 =	sshll.u32 s9, $0x6  }
.Ltmp1:
0xae: {  	[bflag:$0x0] =	sbarrier.arrive $0xFFFF;
	s8 =	sor.u32 $0x1C05, s8;
	(pc) =	sbr.rel @p1 .LBB2_1-.Ltmp1, $4  }
0xaf: {  	[hbm:s17], [sflag:s8] =	dma.local [spmem:s10], $0x2780  }
0xb0: {  	_ =	swait.ge [sflag:s24], $0x2780  }
0xb1: {  	[sflag:s24] =	ssyncset.done $0x0  }
0xb2: {  	[sflag:s24] =	ssyncadd.s32 $0xFFFFD880  }
0xb3: {  	_ =	sfence.sel $0x180000  }
0xb4: {  	[bflag:$0x0] =	sbarrier.arrive $0xFFFF  }
0xb5: {  	_ =	strace $0x90000050  }
0xb6: {  	s0 =	stileid.u32;
	[bflag:$0x2] =	sbarrier.arrive $0xFFFF  }
0xb7: {  	p0 =	sne.s32 s0, $0x0;
	s0 =	rddreg [dreg:$0x3]  }
0xb8: {  	s0 =	sadd.s32 @!p0 $0x100000, s0  }
0xb9: {  	[sflag:s0] =	ssyncadd.tile.s32 @!p0 $0x1;
	_ =	shalt  }
.Lfunc_end2:
_tile_overlayer_lowered:
.L_overlay_start_2:
0xba: {  	(tag) =	ssettag $0x2  }
0xbb: {  	s0 =	rddreg [dreg:$0x0];
	s2 =	stileid.u32  }
0xbc: {  	s1 =	rddreg [dreg:$0x1];
	p0 =	sne.s32 s2, $0x0  }
0xbd: {  	s3 =	rddreg [dreg:$0x2];
	[bflag:$0x3] =	sbarrier.arrive $0xFFFF;
	s2 =	simm.s32 @!p0 $0x1C05  }
0xbe: {  	[timem:s3], [sflag:s2] =	dma.local @!p0 [hbm:s0], s1  }
0xbf: {  	s0 =	simm.s32 @!p0 $0x5  }
0xc0: {  	_ =	swait.ge @!p0 [sflag:s0], s1  }
0xc1: {  	s1 =	ssub.s32 @!p0 $0x0, s1;
	[sflag:s0] =	ssyncset.done @!p0 $0x0  }
0xc2: {  	[sflag:s0] =	ssyncadd.s32 @!p0 s1  }
0xc3: {  	[bflag:$0x3] =	sbarrier.arrive $0xFFFF  }
0xc4: {  	_ =	shalt  }

</sc_bundles>
